<compile_context>
chip_gen: v7x
topology: tpu7x:2x2x1
jax: 0.10.2.dev20260603
libtpu: 0.0.44.dev20260713+nightly
codegen_flags: <defaults>
</compile_context>

<pallas_src>
import functools

import numpy as np

import jax
import jax.numpy as jnp
from jax import lax
from jax.experimental import pallas as pl
from jax.experimental.pallas import tpu as pltpu
from jax.experimental.pallas import tpu_sc as plsc

N = 10000
E = 320000
HID = 64
NC, NS = 2, 16
NW = NC * NS
EPT = E // NW
CH = 80
NCHUNK = 125
EPTP = NCHUNK * CH
AW = 80
NP = 10240
RPT = NP // NS
BLK = 2000
GRID = N // BLK



def _enc_body(x_ref, we1_ref, be1_ref, we2_ref, be2_ref, wm1_ref, bm1_ref,
              h_ref, a_ref, b_ref):
    x = x_ref[...]
    h1 = jnp.maximum(
        jnp.dot(x, we1_ref[...], preferred_element_type=jnp.float32)
        + be1_ref[...], 0.0)
    h = (jnp.dot(h1, we2_ref[...], preferred_element_type=jnp.float32)
         + be2_ref[...])
    h_ref[...] = h
    wm1 = wm1_ref[...]
    a_ref[...] = (jnp.dot(h, wm1[:HID], preferred_element_type=jnp.float32)
                  + bm1_ref[...]).astype(jnp.bfloat16)
    b_ref[...] = jnp.dot(h, wm1[HID:],
                         preferred_element_type=jnp.float32).astype(
                             jnp.bfloat16)


def _stage1(x, we1, be1, we2, be2, wm1, bm1):
    full = lambda r, c: pl.BlockSpec((r, c), lambda i: (0, 0))
    return pl.pallas_call(
        _enc_body,
        grid=(GRID,),
        in_specs=[
            pl.BlockSpec((BLK, 128), lambda i: (i, 0)),
            full(128, HID), full(1, HID),
            full(HID, HID), full(1, HID),
            full(2 * HID, HID), full(1, HID),
        ],
        out_specs=[
            pl.BlockSpec((BLK, HID), lambda i: (i, 0)),
            pl.BlockSpec((BLK, HID), lambda i: (i, 0)),
            pl.BlockSpec((BLK, HID), lambda i: (i, 0)),
        ],
        out_shape=[
            jax.ShapeDtypeStruct((N, HID), jnp.float32),
            jax.ShapeDtypeStruct((N, HID), jnp.bfloat16),
            jax.ShapeDtypeStruct((N, HID), jnp.bfloat16),
        ],
    )(x, we1, be1, we2, be2, wm1, bm1)



_mesh = plsc.VectorSubcoreMesh(core_axis_name="c", subcore_axis_name="s")


NBUF = 4
NGRP = 31


@functools.partial(
    pl.kernel,
    out_type=[jax.ShapeDtypeStruct((NP, AW), jnp.float32),
              jax.ShapeDtypeStruct((NP, AW), jnp.float32)],
    mesh=_mesh,
    compiler_params=pltpu.CompilerParams(use_tc_tiling_on_sc=False,
                                         needs_layout_passes=False),
    scratch_types=[
        pltpu.VMEM((NCHUNK, CH), jnp.int32),
        pltpu.VMEM((NCHUNK, CH), jnp.int32),
        [pltpu.VMEM((CH, HID), jnp.bfloat16)] * NBUF,
        [pltpu.VMEM((CH, HID), jnp.bfloat16)] * NBUF,
        [pltpu.VMEM((CH, AW), jnp.float32)] * NBUF,
        pltpu.VMEM_SHARED((NP, AW), jnp.float32),
        [pltpu.SemaphoreType.DMA] * NBUF,
        [pltpu.SemaphoreType.DMA] * NBUF,
        [pltpu.SemaphoreType.DMA] * NBUF,
    ],
)
def _sc_agg(a_hbm, b_hbm, idx_hbm, zeros_hbm, p0_hbm, p1_hbm,
            ridx_v, cidx_v, ra, rb, out, acc_sh, sa, sb, ss):
    c = lax.axis_index("c")
    s = lax.axis_index("s")
    wid = c * NS + s

    pltpu.sync_copy(zeros_hbm.at[pl.ds(s * RPT, RPT)],
                    acc_sh.at[pl.ds(s * RPT, RPT)])
    pltpu.sync_copy(idx_hbm.at[0, pl.ds(wid * NCHUNK, NCHUNK)], ridx_v)
    pltpu.sync_copy(idx_hbm.at[1, pl.ds(wid * NCHUNK, NCHUNK)], cidx_v)

    e0 = jnp.where(lax.iota(jnp.int32, 16) == 0, 1.0, 0.0)

    def _init_row(r, carry):
        for b in range(NBUF):
            out[b][r, pl.ds(HID, 16)] = e0
        return carry

    lax.fori_loop(0, CH, _init_row, 0)
    plsc.subcore_barrier()

    def _issue_gathers(j, b):
        pltpu.async_copy(a_hbm.at[ridx_v.at[j]], ra[b], sa[b])
        pltpu.async_copy(b_hbm.at[cidx_v.at[j]], rb[b], sb[b])

    def _wait_gathers(j, b):
        pltpu.make_async_copy(a_hbm.at[ridx_v.at[j]], ra[b], sa[b]).wait()
        pltpu.make_async_copy(b_hbm.at[cidx_v.at[j]], rb[b], sb[b]).wait()

    def _compute(b):
        @plsc.parallel_loop(0, CH, 1, unroll=8)
        def _row(r):
            for hh in range(2):
                xa, xb = plsc.unpack(
                    ra[b][r, pl.ds(hh * 32, 32)],
                    format=plsc.PackFormat.INTERLEAVED)
                ya, yb = plsc.unpack(
                    rb[b][r, pl.ds(hh * 32, 32)],
                    format=plsc.PackFormat.INTERLEAVED)
                out[b][r, pl.ds(hh * 32, 16)] = jnp.maximum(xa + ya, 0.0)
                out[b][r, pl.ds(hh * 32 + 16, 16)] = jnp.maximum(
                    xb + yb, 0.0)

    def _issue_scatter(j, b):
        pltpu.async_copy(out[b], acc_sh.at[cidx_v.at[j]], ss[b], add=True)

    def _drain_scatter(j, b):
        pltpu.make_async_copy(out[b], acc_sh.at[cidx_v.at[j]],
                              ss[b]).wait()

    for b in range(NBUF):
        _issue_gathers(b, b)

    def _group(g, carry):
        for b in range(NBUF):
            j = NBUF * g + b
            _wait_gathers(j, b)

            @pl.when(g > 0)
            def _():
                _drain_scatter(j, b)

            _compute(b)
            _issue_scatter(j, b)

            @pl.when(j + NBUF < NCHUNK)
            def _():
                _issue_gathers(j + NBUF, b)
        return carry

    lax.fori_loop(0, NGRP, _group, 0)

    jt = NCHUNK - 1
    _wait_gathers(jt, 0)
    _drain_scatter(jt, 0)
    _compute(0)
    _issue_scatter(jt, 0)
    for b in range(NBUF):
        _drain_scatter(jt, b)

    plsc.subcore_barrier()

    @pl.when(c == 0)
    def _():
        pltpu.sync_copy(acc_sh.at[pl.ds(s * RPT, RPT)],
                        p0_hbm.at[pl.ds(s * RPT, RPT)])

    @pl.when(c == 1)
    def _():
        pltpu.sync_copy(acc_sh.at[pl.ds(s * RPT, RPT)],
                        p1_hbm.at[pl.ds(s * RPT, RPT)])



def _upd_body(h_ref, p0_ref, p1_ref, wm2_ref, bm2_ref, wu1_ref, bu1_ref,
              wu2_ref, bu2_ref, wt1_ref, bt1_ref, wt2_ref, bt2_ref,
              wt3_ref, bt3_ref, h2_ref, tac_ref):
    p = p0_ref[...] + p1_ref[...]
    srelu = p[:, :HID]
    cnt = p[:, HID:HID + 1]
    pos = (cnt > 0.0).astype(jnp.float32)
    inv = pos / jnp.maximum(cnt, 1.0)
    agg = (jnp.dot(srelu * inv, wm2_ref[...],
                   preferred_element_type=jnp.float32)
           + pos * bm2_ref[...])
    h = h_ref[...]
    wu1 = wu1_ref[...]
    u = jnp.maximum(
        jnp.dot(h, wu1[:HID], preferred_element_type=jnp.float32)
        + jnp.dot(agg, wu1[HID:], preferred_element_type=jnp.float32)
        + bu1_ref[...], 0.0)
    h2 = (jnp.dot(u, wu2_ref[...], preferred_element_type=jnp.float32)
          + bu2_ref[...])
    h2_ref[...] = h2
    t = jnp.maximum(
        jnp.dot(h2, wt1_ref[...], preferred_element_type=jnp.float32)
        + bt1_ref[...], 0.0)
    t = jnp.maximum(
        jnp.dot(t, wt2_ref[...], preferred_element_type=jnp.float32)
        + bt2_ref[...], 0.0)
    tac_ref[...] = (jnp.dot(t, wt3_ref[...],
                            preferred_element_type=jnp.float32)
                    + bt3_ref[...])


def _stage2(h, p0, p1, wm2, bm2, wu1, bu1, wu2, bu2,
            wt1, bt1, wt2, bt2, wt3, bt3):
    full = lambda r, c: pl.BlockSpec((r, c), lambda i: (0, 0))
    return pl.pallas_call(
        _upd_body,
        grid=(GRID,),
        in_specs=[
            pl.BlockSpec((BLK, HID), lambda i: (i, 0)),
            pl.BlockSpec((BLK, AW), lambda i: (i, 0)),
            pl.BlockSpec((BLK, AW), lambda i: (i, 0)),
            full(HID, HID), full(1, HID),
            full(2 * HID, HID), full(1, HID),
            full(HID, 32), full(1, 32),
            full(32, HID), full(1, HID),
            full(HID, 16), full(1, 16),
            full(16, 4), full(1, 4),
        ],
        out_specs=[
            pl.BlockSpec((BLK, 32), lambda i: (i, 0)),
            pl.BlockSpec((BLK, 4), lambda i: (i, 0)),
        ],
        out_shape=[
            jax.ShapeDtypeStruct((N, 32), jnp.float32),
            jax.ShapeDtypeStruct((N, 4), jnp.float32),
        ],
    )(h, p0, p1, wm2, bm2, wu1, bu1, wu2, bu2,
      wt1, bt1, wt2, bt2, wt3, bt3)


_PERM = np.concatenate([np.concatenate([blk + np.arange(0, 32, 2),
                                        blk + np.arange(1, 32, 2)])
                        for blk in (0, 32)])



def kernel(node_features, edge_indices,
           W_enc1, b_enc1, W_enc2, b_enc2,
           W_msg1, b_msg1, W_msg2, b_msg2,
           W_upd1, b_upd1, W_upd2, b_upd2,
           W_tac1, b_tac1, W_tac2, b_tac2, W_tac3, b_tac3):
    idx = edge_indices.astype(jnp.int32).reshape(2, NW * NCHUNK, CH)

    r2 = lambda v: v.reshape(1, -1)
    h, a, b = _stage1(node_features, W_enc1, r2(b_enc1), W_enc2, r2(b_enc2),
                      W_msg1, r2(b_msg1))
    wm2p = W_msg2[_PERM]

    zeros = jnp.zeros((NP, AW), jnp.float32)
    p0, p1 = _sc_agg(a, b, idx, zeros)

    h2, tactical = _stage2(h, p0, p1,
                           wm2p, r2(b_msg2), W_upd1, r2(b_upd1),
                           W_upd2, r2(b_upd2), W_tac1, r2(b_tac1),
                           W_tac2, r2(b_tac2), W_tac3, r2(b_tac3))
    return (h2, tactical)

# --- scband reference (transcript-rebuilt; emitter-appended) ---
"""Pipeline reference for scband-basketball-gnn-46583215292449 (READ-ONLY COPY).

The authoritative reference and input builder live on the scoring server;
editing this copy changes nothing except your own understanding.
"""

import jax, jax.numpy as jnp
import numpy as np


def _linear(x, W, b):
    return x @ W + b


def setup_inputs(seed: int = 0) -> dict:
    key = jax.random.key(seed)
    ks = jax.random.split(key, 24)
    N, E = 10000, 320000
    in_dim, hid, out_dim = 128, 64, 32
    node_features = jax.random.normal(ks[0], (N, in_dim), dtype=jnp.float32)
    edge_indices = jax.random.randint(ks[1], (2, E), 0, N, dtype=jnp.int64)

    def mk(k, fan_in, fan_out):
        return jax.random.normal(k, (fan_in, fan_out), dtype=jnp.float32) * (1.0 / np.sqrt(fan_in))

    inp = {
        "node_features": node_features,
        "edge_indices": edge_indices,
        # node_encoder: Linear(in,hid) ReLU Linear(hid,hid)
        "W_enc1": mk(ks[2], in_dim, hid), "b_enc1": jnp.zeros((hid,), jnp.float32),
        "W_enc2": mk(ks[3], hid, hid), "b_enc2": jnp.zeros((hid,), jnp.float32),
        # message_net: Linear(2*hid,hid) ReLU Linear(hid,hid)
        "W_msg1": mk(ks[4], 2 * hid, hid), "b_msg1": jnp.zeros((hid,), jnp.float32),
        "W_msg2": mk(ks[5], hid, hid), "b_msg2": jnp.zeros((hid,), jnp.float32),
        # update_net: Linear(2*hid,hid) ReLU Linear(hid,out)
        "W_upd1": mk(ks[6], 2 * hid, hid), "b_upd1": jnp.zeros((hid,), jnp.float32),
        "W_upd2": mk(ks[7], hid, out_dim), "b_upd2": jnp.zeros((out_dim,), jnp.float32),
        # tactical_head: Linear(out,hid) ReLU Linear(hid,16) ReLU Linear(16,4)
        "W_tac1": mk(ks[8], out_dim, hid), "b_tac1": jnp.zeros((hid,), jnp.float32),
        "W_tac2": mk(ks[9], hid, 16), "b_tac2": jnp.zeros((16,), jnp.float32),
        "W_tac3": mk(ks[10], 16, 4), "b_tac3": jnp.zeros((4,), jnp.float32),
    }
    return inp


def reference(node_features, edge_indices,
              W_enc1, b_enc1, W_enc2, b_enc2,
              W_msg1, b_msg1, W_msg2, b_msg2,
              W_upd1, b_upd1, W_upd2, b_upd2,
              W_tac1, b_tac1, W_tac2, b_tac2, W_tac3, b_tac3):
    N = node_features.shape[0]
    # node encoder
    h = _linear(jax.nn.relu(_linear(node_features, W_enc1, b_enc1)), W_enc2, b_enc2)
    row = edge_indices[0]
    col = edge_indices[1]
    # messages over edges
    m_in = jnp.concatenate([h[row], h[col]], axis=1)
    messages = _linear(jax.nn.relu(_linear(m_in, W_msg1, b_msg1)), W_msg2, b_msg2)
    # mean aggregation by destination node (zeros for nodes with no incoming edges)
    msg_sum = jax.ops.segment_sum(messages, col, num_segments=N)
    counts = jax.ops.segment_sum(jnp.ones((messages.shape[0],), jnp.float32), col, num_segments=N)
    aggregated = jnp.where(counts[:, None] > 0, msg_sum / jnp.maximum(counts[:, None], 1.0), 0.0)
    # update
    u_in = jnp.concatenate([h, aggregated], axis=1)
    h2 = _linear(jax.nn.relu(_linear(u_in, W_upd1, b_upd1)), W_upd2, b_upd2)
    # tactical head
    t = jax.nn.relu(_linear(h2, W_tac1, b_tac1))
    t = jax.nn.relu(_linear(t, W_tac2, b_tac2))
    tactical = _linear(t, W_tac3, b_tac3)
    return (h2, tactical)

if __name__ == "__main__":
    import jax
    _d = setup_inputs()
    print(jax.jit(kernel)(*tuple(_d.values())))

</pallas_src>

<mosaic_0001>
#map = affine_map<(d0, d1) -> (0, 0)>
#map1 = affine_map<(d0, d1) -> (0, 0, 0)>
module attributes {stable_mosaic.version = 14 : i64} {
  func.func @_sc_agg(%arg0: i32, %arg1: i32, %arg2: memref<10000x64xbf16, #tpu.memory_space<hbm>>, %arg3: memref<10000x64xbf16, #tpu.memory_space<hbm>>, %arg4: memref<2x4000x80xi32, #tpu.memory_space<hbm>>, %arg5: memref<10240x80xf32, #tpu.memory_space<hbm>>, %arg6: memref<10240x80xf32, #tpu.memory_space<hbm>>, %arg7: memref<10240x80xf32, #tpu.memory_space<hbm>>, %arg8: memref<125x80xi32, #tpu.memory_space<vmem>>, %arg9: memref<125x80xi32, #tpu.memory_space<vmem>>, %arg10: memref<80x64xbf16, #tpu.memory_space<vmem>>, %arg11: memref<80x64xbf16, #tpu.memory_space<vmem>>, %arg12: memref<80x64xbf16, #tpu.memory_space<vmem>>, %arg13: memref<80x64xbf16, #tpu.memory_space<vmem>>, %arg14: memref<80x64xbf16, #tpu.memory_space<vmem>>, %arg15: memref<80x64xbf16, #tpu.memory_space<vmem>>, %arg16: memref<80x64xbf16, #tpu.memory_space<vmem>>, %arg17: memref<80x64xbf16, #tpu.memory_space<vmem>>, %arg18: memref<80x80xf32, #tpu.memory_space<vmem>>, %arg19: memref<80x80xf32, #tpu.memory_space<vmem>>, %arg20: memref<80x80xf32, #tpu.memory_space<vmem>>, %arg21: memref<80x80xf32, #tpu.memory_space<vmem>>, %arg22: memref<10240x80xf32, #tpu.memory_space<vmem_shared>>, %arg23: memref<!tpu.dma_semaphore, #tpu.memory_space<semaphore_mem>>, %arg24: memref<!tpu.dma_semaphore, #tpu.memory_space<semaphore_mem>>, %arg25: memref<!tpu.dma_semaphore, #tpu.memory_space<semaphore_mem>>, %arg26: memref<!tpu.dma_semaphore, #tpu.memory_space<semaphore_mem>>, %arg27: memref<!tpu.dma_semaphore, #tpu.memory_space<semaphore_mem>>, %arg28: memref<!tpu.dma_semaphore, #tpu.memory_space<semaphore_mem>>, %arg29: memref<!tpu.dma_semaphore, #tpu.memory_space<semaphore_mem>>, %arg30: memref<!tpu.dma_semaphore, #tpu.memory_space<semaphore_mem>>, %arg31: memref<!tpu.dma_semaphore, #tpu.memory_space<semaphore_mem>>, %arg32: memref<!tpu.dma_semaphore, #tpu.memory_space<semaphore_mem>>, %arg33: memref<!tpu.dma_semaphore, #tpu.memory_space<semaphore_mem>>, %arg34: memref<!tpu.dma_semaphore, #tpu.memory_space<semaphore_mem>>) attributes {dimension_semantics = [#tpu.dimension_semantics<core_parallel>, #tpu.dimension_semantics<subcore_parallel>], iteration_bounds = array<i64: 2, 16>, scalar_prefetch = 0 : i64, scratch_operands = 27 : i64, tpu.core_type = #tpu.core_type<sc_vector_subcore>, window_params = [{transform_indices = #map}, {transform_indices = #map}, {transform_indices = #map1}, {transform_indices = #map}, {transform_indices = #map}, {transform_indices = #map}]} {
    %mul3A = arith.constant 16 : i32
    %mul3A_0 = arith.muli %arg0, %mul3A : i32
    %add3A = arith.addi %mul3A_0, %arg1 : i32
    %mul3A_1 = arith.constant 640 : i32
    %mul3A_2 = arith.muli %arg1, %mul3A_1 : i32
    %mul3A_3 = arith.constant 640 : i32
    %mul3A_4 = arith.muli %arg1, %mul3A_3 : i32
    "tpu.region"() ({
      %run_scoped3A_146 = tpu.sem_alloc : memref<!tpu.dma_semaphore, #tpu.memory_space<semaphore_mem>>
      %dma_start3A_147 = arith.constant 0 : i32
      %dma_start3A_148 = tpu.memref_slice %arg22[%mul3A_4, %dma_start3A_147] : memref<10240x80xf32, #tpu.memory_space<vmem_shared>> -> memref<640x80xf32, #tpu.memory_space<vmem_shared>>
      %dma_start3A_149 = arith.constant 0 : i32
      %dma_start3A_150 = tpu.memref_slice %arg5[%mul3A_2, %dma_start3A_149] : memref<10240x80xf32, #tpu.memory_space<hbm>> -> memref<640x80xf32, #tpu.memory_space<hbm>>
      tpu.enqueue_dma source(%dma_start3A_150 : memref<640x80xf32, #tpu.memory_space<hbm>>) target(%dma_start3A_148 : memref<640x80xf32, #tpu.memory_space<vmem_shared>>) target_semaphore(%run_scoped3A_146 : memref<!tpu.dma_semaphore, #tpu.memory_space<semaphore_mem>>)
      %dma_wait3A_151 = arith.constant 0 : i32
      %dma_wait3A_152 = tpu.memref_slice %arg22[%mul3A_4, %dma_wait3A_151] : memref<10240x80xf32, #tpu.memory_space<vmem_shared>> -> memref<640x80xf32, #tpu.memory_space<vmem_shared>>
      %dma_wait3A_153 = arith.constant 0 : i32
      %dma_wait3A_154 = tpu.memref_slice %arg5[%mul3A_2, %dma_wait3A_153] : memref<10240x80xf32, #tpu.memory_space<hbm>> -> memref<640x80xf32, #tpu.memory_space<hbm>>
      tpu.wait_dma2 semaphore(%run_scoped3A_146 : memref<!tpu.dma_semaphore, #tpu.memory_space<semaphore_mem>>) src(%dma_wait3A_154 : memref<640x80xf32, #tpu.memory_space<hbm>>) dst(%dma_wait3A_152 : memref<640x80xf32, #tpu.memory_space<vmem_shared>>)
      tpu.yield
    }) : () -> ()
    %mul3A_5 = arith.constant 125 : i32
    %mul3A_6 = arith.muli %add3A, %mul3A_5 : i32
    %run_scoped3A = arith.constant 0 : i32
    "tpu.region"() ({
      %run_scoped3A_146 = tpu.sem_alloc : memref<!tpu.dma_semaphore, #tpu.memory_space<semaphore_mem>>
      %dma_start3A_147 = arith.constant 0 : i32
      %dma_start3A_148 = tpu.memref_slice %arg4[%run_scoped3A, %mul3A_6, %dma_start3A_147] : memref<2x4000x80xi32, #tpu.memory_space<hbm>> -> memref<1x125x80xi32, #tpu.memory_space<hbm>>
      %dma_start3A_149 = tpu.memref_squeeze %dma_start3A_148 : memref<1x125x80xi32, #tpu.memory_space<hbm>> -> memref<125x80xi32, #tpu.memory_space<hbm>>
      %dma_start3A_150 = arith.constant 0 : i32
      %dma_start3A_151 = tpu.memref_slice %arg4[%run_scoped3A, %mul3A_6, %dma_start3A_150] : memref<2x4000x80xi32, #tpu.memory_space<hbm>> -> memref<1x125x80xi32, #tpu.memory_space<hbm>>
      %dma_start3A_152 = tpu.memref_squeeze %dma_start3A_151 : memref<1x125x80xi32, #tpu.memory_space<hbm>> -> memref<125x80xi32, #tpu.memory_space<hbm>>
      tpu.enqueue_dma source(%dma_start3A_152 : memref<125x80xi32, #tpu.memory_space<hbm>>) target(%arg8 : memref<125x80xi32, #tpu.memory_space<vmem>>) target_semaphore(%run_scoped3A_146 : memref<!tpu.dma_semaphore, #tpu.memory_space<semaphore_mem>>)
      %dma_wait3A_153 = arith.constant 0 : i32
      %dma_wait3A_154 = tpu.memref_slice %arg4[%run_scoped3A, %mul3A_6, %dma_wait3A_153] : memref<2x4000x80xi32, #tpu.memory_space<hbm>> -> memref<1x125x80xi32, #tpu.memory_space<hbm>>
      %dma_wait3A_155 = tpu.memref_squeeze %dma_wait3A_154 : memref<1x125x80xi32, #tpu.memory_space<hbm>> -> memref<125x80xi32, #tpu.memory_space<hbm>>
      %dma_wait3A_156 = arith.constant 0 : i32
      %dma_wait3A_157 = tpu.memref_slice %arg4[%run_scoped3A, %mul3A_6, %dma_wait3A_156] : memref<2x4000x80xi32, #tpu.memory_space<hbm>> -> memref<1x125x80xi32, #tpu.memory_space<hbm>>
      %dma_wait3A_158 = tpu.memref_squeeze %dma_wait3A_157 : memref<1x125x80xi32, #tpu.memory_space<hbm>> -> memref<125x80xi32, #tpu.memory_space<hbm>>
      tpu.wait_dma2 semaphore(%run_scoped3A_146 : memref<!tpu.dma_semaphore, #tpu.memory_space<semaphore_mem>>) src(%dma_wait3A_158 : memref<125x80xi32, #tpu.memory_space<hbm>>) dst(%arg8 : memref<125x80xi32, #tpu.memory_space<vmem>>)
      tpu.yield
    }) : () -> ()
    %mul3A_7 = arith.constant 125 : i32
    %mul3A_8 = arith.muli %add3A, %mul3A_7 : i32
    %run_scoped3A_9 = arith.constant 1 : i32
    "tpu.region"() ({
      %run_scoped3A_146 = tpu.sem_alloc : memref<!tpu.dma_semaphore, #tpu.memory_space<semaphore_mem>>
      %dma_start3A_147 = arith.constant 0 : i32
      %dma_start3A_148 = tpu.memref_slice %arg4[%run_scoped3A_9, %mul3A_8, %dma_start3A_147] : memref<2x4000x80xi32, #tpu.memory_space<hbm>> -> memref<1x125x80xi32, #tpu.memory_space<hbm>>
      %dma_start3A_149 = tpu.memref_squeeze %dma_start3A_148 : memref<1x125x80xi32, #tpu.memory_space<hbm>> -> memref<125x80xi32, #tpu.memory_space<hbm>>
      %dma_start3A_150 = arith.constant 0 : i32
      %dma_start3A_151 = tpu.memref_slice %arg4[%run_scoped3A_9, %mul3A_8, %dma_start3A_150] : memref<2x4000x80xi32, #tpu.memory_space<hbm>> -> memref<1x125x80xi32, #tpu.memory_space<hbm>>
      %dma_start3A_152 = tpu.memref_squeeze %dma_start3A_151 : memref<1x125x80xi32, #tpu.memory_space<hbm>> -> memref<125x80xi32, #tpu.memory_space<hbm>>
      tpu.enqueue_dma source(%dma_start3A_152 : memref<125x80xi32, #tpu.memory_space<hbm>>) target(%arg9 : memref<125x80xi32, #tpu.memory_space<vmem>>) target_semaphore(%run_scoped3A_146 : memref<!tpu.dma_semaphore, #tpu.memory_space<semaphore_mem>>)
      %dma_wait3A_153 = arith.constant 0 : i32
      %dma_wait3A_154 = tpu.memref_slice %arg4[%run_scoped3A_9, %mul3A_8, %dma_wait3A_153] : memref<2x4000x80xi32, #tpu.memory_space<hbm>> -> memref<1x125x80xi32, #tpu.memory_space<hbm>>
      %dma_wait3A_155 = tpu.memref_squeeze %dma_wait3A_154 : memref<1x125x80xi32, #tpu.memory_space<hbm>> -> memref<125x80xi32, #tpu.memory_space<hbm>>
      %dma_wait3A_156 = arith.constant 0 : i32
      %dma_wait3A_157 = tpu.memref_slice %arg4[%run_scoped3A_9, %mul3A_8, %dma_wait3A_156] : memref<2x4000x80xi32, #tpu.memory_space<hbm>> -> memref<1x125x80xi32, #tpu.memory_space<hbm>>
      %dma_wait3A_158 = tpu.memref_squeeze %dma_wait3A_157 : memref<1x125x80xi32, #tpu.memory_space<hbm>> -> memref<125x80xi32, #tpu.memory_space<hbm>>
      tpu.wait_dma2 semaphore(%run_scoped3A_146 : memref<!tpu.dma_semaphore, #tpu.memory_space<semaphore_mem>>) src(%dma_wait3A_158 : memref<125x80xi32, #tpu.memory_space<hbm>>) dst(%arg9 : memref<125x80xi32, #tpu.memory_space<vmem>>)
      tpu.yield
    }) : () -> ()
    %iota3A = tpu.iota {dimensions = array<i32: 0>} : vector<16xi32>
    %eq3A = arith.constant 0 : i32
    %eq3A_10 = vector.broadcast %eq3A : i32 to vector<16xi32>
    %eq3A_11 = arith.cmpi eq, %iota3A, %eq3A_10 : vector<16xi32>
    %jit3A = arith.constant 1.000000e+00 : f32
    %jit3A_12 = arith.constant 0.000000e+00 : f32
    %broadcast_in_dim3A = vector.broadcast %jit3A : f32 to vector<16xf32>
    %broadcast_in_dim3A_13 = vector.broadcast %jit3A_12 : f32 to vector<16xf32>
    %select_n3A = arith.select %eq3A_11, %broadcast_in_dim3A, %broadcast_in_dim3A_13 : vector<16xi1>, vector<16xf32>
    %scan3A = arith.constant 0 : i32
    %scan3A_14 = arith.constant 0 : i32
    %scan3A_15 = arith.constant 80 : i32
    %scan3A_16 = arith.addi %scan3A_14, %scan3A_15 : i32
    %scan3A_17 = arith.constant 1 : i32
    scf.for %scan3A_146 = %scan3A_14 to %scan3A_16 step %scan3A_17  : i32 {
      %swap3A = arith.index_cast %scan3A_146 : i32 to index
      %swap3A_147 = arith.constant 64 : index
      %swap3A_148 = tpu.vector_load %arg18[%swap3A, %swap3A_147] {strides = array<i32>} : memref<80x80xf32, #tpu.memory_space<vmem>>, vector<16xf32>,
      tpu.vector_store %arg18[%swap3A, %swap3A_147], %select_n3A {strides = array<i32>} : memref<80x80xf32, #tpu.memory_space<vmem>>, vector<16xf32>,
      %swap3A_149 = arith.index_cast %scan3A_146 : i32 to index
      %swap3A_150 = arith.constant 64 : index
      %swap3A_151 = tpu.vector_load %arg19[%swap3A_149, %swap3A_150] {strides = array<i32>} : memref<80x80xf32, #tpu.memory_space<vmem>>, vector<16xf32>,
      tpu.vector_store %arg19[%swap3A_149, %swap3A_150], %select_n3A {strides = array<i32>} : memref<80x80xf32, #tpu.memory_space<vmem>>, vector<16xf32>,
      %swap3A_152 = arith.index_cast %scan3A_146 : i32 to index
      %swap3A_153 = arith.constant 64 : index
      %swap3A_154 = tpu.vector_load %arg20[%swap3A_152, %swap3A_153] {strides = array<i32>} : memref<80x80xf32, #tpu.memory_space<vmem>>, vector<16xf32>,
      tpu.vector_store %arg20[%swap3A_152, %swap3A_153], %select_n3A {strides = array<i32>} : memref<80x80xf32, #tpu.memory_space<vmem>>, vector<16xf32>,
      %swap3A_155 = arith.index_cast %scan3A_146 : i32 to index
      %swap3A_156 = arith.constant 64 : index
      %swap3A_157 = tpu.vector_load %arg21[%swap3A_155, %swap3A_156] {strides = array<i32>} : memref<80x80xf32, #tpu.memory_space<vmem>>, vector<16xf32>,
      tpu.vector_store %arg21[%swap3A_155, %swap3A_156], %select_n3A {strides = array<i32>} : memref<80x80xf32, #tpu.memory_space<vmem>>, vector<16xf32>,
    }
    %scan3A_18 = arith.constant 80 : i32
    %barrier3A = arith.constant 0 : index
    tpu.barrier barrier_id(%barrier3A)
    %dma_start3A = arith.constant 0 : i32
    %dma_start3A_19 = arith.constant 0 : i32
    %dma_start3A_20 = tpu.memref_slice %arg8[%dma_start3A, %dma_start3A_19] : memref<125x80xi32, #tpu.memory_space<vmem>> -> memref<1x80xi32, #tpu.memory_space<vmem>>
    %dma_start3A_21 = tpu.memref_squeeze %dma_start3A_20 : memref<1x80xi32, #tpu.memory_space<vmem>> -> memref<80xi32, #tpu.memory_space<vmem>>
    %dma_start3A_22 = arith.constant 0 : i32
    %dma_start3A_23 = arith.constant 0 : i32
    %dma_start3A_24 = tpu.memref_slice %arg2[%dma_start3A_22, %dma_start3A_23] : memref<10000x64xbf16, #tpu.memory_space<hbm>> -> memref<10000x64xbf16, #tpu.memory_space<hbm>>
    tpu.enqueue_indirect_dma source(%dma_start3A_24 : memref<10000x64xbf16, #tpu.memory_space<hbm>>) target(%arg10 : memref<80x64xbf16, #tpu.memory_space<vmem>>) offsets(%dma_start3A_21 : memref<80xi32, #tpu.memory_space<vmem>>) semaphore(%arg23 : memref<!tpu.dma_semaphore, #tpu.memory_space<semaphore_mem>>)
    %dma_start3A_25 = arith.constant 0 : i32
    %dma_start3A_26 = arith.constant 0 : i32
    %dma_start3A_27 = tpu.memref_slice %arg9[%dma_start3A_25, %dma_start3A_26] : memref<125x80xi32, #tpu.memory_space<vmem>> -> memref<1x80xi32, #tpu.memory_space<vmem>>
    %dma_start3A_28 = tpu.memref_squeeze %dma_start3A_27 : memref<1x80xi32, #tpu.memory_space<vmem>> -> memref<80xi32, #tpu.memory_space<vmem>>
    %dma_start3A_29 = arith.constant 0 : i32
    %dma_start3A_30 = arith.constant 0 : i32
    %dma_start3A_31 = tpu.memref_slice %arg3[%dma_start3A_29, %dma_start3A_30] : memref<10000x64xbf16, #tpu.memory_space<hbm>> -> memref<10000x64xbf16, #tpu.memory_space<hbm>>
    tpu.enqueue_indirect_dma source(%dma_start3A_31 : memref<10000x64xbf16, #tpu.memory_space<hbm>>) target(%arg14 : memref<80x64xbf16, #tpu.memory_space<vmem>>) offsets(%dma_start3A_28 : memref<80xi32, #tpu.memory_space<vmem>>) semaphore(%arg27 : memref<!tpu.dma_semaphore, #tpu.memory_space<semaphore_mem>>)
    %dma_start3A_32 = arith.constant 1 : i32
    %dma_start3A_33 = arith.constant 0 : i32
    %dma_start3A_34 = tpu.memref_slice %arg8[%dma_start3A_32, %dma_start3A_33] : memref<125x80xi32, #tpu.memory_space<vmem>> -> memref<1x80xi32, #tpu.memory_space<vmem>>
    %dma_start3A_35 = tpu.memref_squeeze %dma_start3A_34 : memref<1x80xi32, #tpu.memory_space<vmem>> -> memref<80xi32, #tpu.memory_space<vmem>>
    %dma_start3A_36 = arith.constant 0 : i32
    %dma_start3A_37 = arith.constant 0 : i32
    %dma_start3A_38 = tpu.memref_slice %arg2[%dma_start3A_36, %dma_start3A_37] : memref<10000x64xbf16, #tpu.memory_space<hbm>> -> memref<10000x64xbf16, #tpu.memory_space<hbm>>
    tpu.enqueue_indirect_dma source(%dma_start3A_38 : memref<10000x64xbf16, #tpu.memory_space<hbm>>) target(%arg11 : memref<80x64xbf16, #tpu.memory_space<vmem>>) offsets(%dma_start3A_35 : memref<80xi32, #tpu.memory_space<vmem>>) semaphore(%arg24 : memref<!tpu.dma_semaphore, #tpu.memory_space<semaphore_mem>>)
    %dma_start3A_39 = arith.constant 1 : i32
    %dma_start3A_40 = arith.constant 0 : i32
    %dma_start3A_41 = tpu.memref_slice %arg9[%dma_start3A_39, %dma_start3A_40] : memref<125x80xi32, #tpu.memory_space<vmem>> -> memref<1x80xi32, #tpu.memory_space<vmem>>
    %dma_start3A_42 = tpu.memref_squeeze %dma_start3A_41 : memref<1x80xi32, #tpu.memory_space<vmem>> -> memref<80xi32, #tpu.memory_space<vmem>>
    %dma_start3A_43 = arith.constant 0 : i32
    %dma_start3A_44 = arith.constant 0 : i32
    %dma_start3A_45 = tpu.memref_slice %arg3[%dma_start3A_43, %dma_start3A_44] : memref<10000x64xbf16, #tpu.memory_space<hbm>> -> memref<10000x64xbf16, #tpu.memory_space<hbm>>
    tpu.enqueue_indirect_dma source(%dma_start3A_45 : memref<10000x64xbf16, #tpu.memory_space<hbm>>) target(%arg15 : memref<80x64xbf16, #tpu.memory_space<vmem>>) offsets(%dma_start3A_42 : memref<80xi32, #tpu.memory_space<vmem>>) semaphore(%arg28 : memref<!tpu.dma_semaphore, #tpu.memory_space<semaphore_mem>>)
    %dma_start3A_46 = arith.constant 2 : i32
    %dma_start3A_47 = arith.constant 0 : i32
    %dma_start3A_48 = tpu.memref_slice %arg8[%dma_start3A_46, %dma_start3A_47] : memref<125x80xi32, #tpu.memory_space<vmem>> -> memref<1x80xi32, #tpu.memory_space<vmem>>
    %dma_start3A_49 = tpu.memref_squeeze %dma_start3A_48 : memref<1x80xi32, #tpu.memory_space<vmem>> -> memref<80xi32, #tpu.memory_space<vmem>>
    %dma_start3A_50 = arith.constant 0 : i32
    %dma_start3A_51 = arith.constant 0 : i32
    %dma_start3A_52 = tpu.memref_slice %arg2[%dma_start3A_50, %dma_start3A_51] : memref<10000x64xbf16, #tpu.memory_space<hbm>> -> memref<10000x64xbf16, #tpu.memory_space<hbm>>
    tpu.enqueue_indirect_dma source(%dma_start3A_52 : memref<10000x64xbf16, #tpu.memory_space<hbm>>) target(%arg12 : memref<80x64xbf16, #tpu.memory_space<vmem>>) offsets(%dma_start3A_49 : memref<80xi32, #tpu.memory_space<vmem>>) semaphore(%arg25 : memref<!tpu.dma_semaphore, #tpu.memory_space<semaphore_mem>>)
    %dma_start3A_53 = arith.constant 2 : i32
    %dma_start3A_54 = arith.constant 0 : i32
    %dma_start3A_55 = tpu.memref_slice %arg9[%dma_start3A_53, %dma_start3A_54] : memref<125x80xi32, #tpu.memory_space<vmem>> -> memref<1x80xi32, #tpu.memory_space<vmem>>
    %dma_start3A_56 = tpu.memref_squeeze %dma_start3A_55 : memref<1x80xi32, #tpu.memory_space<vmem>> -> memref<80xi32, #tpu.memory_space<vmem>>
    %dma_start3A_57 = arith.constant 0 : i32
    %dma_start3A_58 = arith.constant 0 : i32
    %dma_start3A_59 = tpu.memref_slice %arg3[%dma_start3A_57, %dma_start3A_58] : memref<10000x64xbf16, #tpu.memory_space<hbm>> -> memref<10000x64xbf16, #tpu.memory_space<hbm>>
    tpu.enqueue_indirect_dma source(%dma_start3A_59 : memref<10000x64xbf16, #tpu.memory_space<hbm>>) target(%arg16 : memref<80x64xbf16, #tpu.memory_space<vmem>>) offsets(%dma_start3A_56 : memref<80xi32, #tpu.memory_space<vmem>>) semaphore(%arg29 : memref<!tpu.dma_semaphore, #tpu.memory_space<semaphore_mem>>)
    %dma_start3A_60 = arith.constant 3 : i32
    %dma_start3A_61 = arith.constant 0 : i32
    %dma_start3A_62 = tpu.memref_slice %arg8[%dma_start3A_60, %dma_start3A_61] : memref<125x80xi32, #tpu.memory_space<vmem>> -> memref<1x80xi32, #tpu.memory_space<vmem>>
    %dma_start3A_63 = tpu.memref_squeeze %dma_start3A_62 : memref<1x80xi32, #tpu.memory_space<vmem>> -> memref<80xi32, #tpu.memory_space<vmem>>
    %dma_start3A_64 = arith.constant 0 : i32
    %dma_start3A_65 = arith.constant 0 : i32
    %dma_start3A_66 = tpu.memref_slice %arg2[%dma_start3A_64, %dma_start3A_65] : memref<10000x64xbf16, #tpu.memory_space<hbm>> -> memref<10000x64xbf16, #tpu.memory_space<hbm>>
    tpu.enqueue_indirect_dma source(%dma_start3A_66 : memref<10000x64xbf16, #tpu.memory_space<hbm>>) target(%arg13 : memref<80x64xbf16, #tpu.memory_space<vmem>>) offsets(%dma_start3A_63 : memref<80xi32, #tpu.memory_space<vmem>>) semaphore(%arg26 : memref<!tpu.dma_semaphore, #tpu.memory_space<semaphore_mem>>)
    %dma_start3A_67 = arith.constant 3 : i32
    %dma_start3A_68 = arith.constant 0 : i32
    %dma_start3A_69 = tpu.memref_slice %arg9[%dma_start3A_67, %dma_start3A_68] : memref<125x80xi32, #tpu.memory_space<vmem>> -> memref<1x80xi32, #tpu.memory_space<vmem>>
    %dma_start3A_70 = tpu.memref_squeeze %dma_start3A_69 : memref<1x80xi32, #tpu.memory_space<vmem>> -> memref<80xi32, #tpu.memory_space<vmem>>
    %dma_start3A_71 = arith.constant 0 : i32
    %dma_start3A_72 = arith.constant 0 : i32
    %dma_start3A_73 = tpu.memref_slice %arg3[%dma_start3A_71, %dma_start3A_72] : memref<10000x64xbf16, #tpu.memory_space<hbm>> -> memref<10000x64xbf16, #tpu.memory_space<hbm>>
    tpu.enqueue_indirect_dma source(%dma_start3A_73 : memref<10000x64xbf16, #tpu.memory_space<hbm>>) target(%arg17 : memref<80x64xbf16, #tpu.memory_space<vmem>>) offsets(%dma_start3A_70 : memref<80xi32, #tpu.memory_space<vmem>>) semaphore(%arg30 : memref<!tpu.dma_semaphore, #tpu.memory_space<semaphore_mem>>)
    %scan3A_74 = arith.constant 0 : i32
    %scan3A_75 = arith.constant 0 : i32
    %scan3A_76 = arith.constant 31 : i32
    %scan3A_77 = arith.addi %scan3A_75, %scan3A_76 : i32
    %scan3A_78 = arith.constant 1 : i32
    scf.for %scan3A_146 = %scan3A_75 to %scan3A_77 step %scan3A_78  : i32 {
      %mul3A_147 = arith.constant 4 : i32
      %mul3A_148 = arith.muli %mul3A_147, %scan3A_146 : i32
      %add3A_149 = arith.constant 0 : i32
      %add3A_150 = arith.addi %mul3A_148, %add3A_149 : i32
      %dma_wait3A_151 = arith.constant 0 : i32
      %dma_wait3A_152 = tpu.memref_slice %arg8[%add3A_150, %dma_wait3A_151] : memref<125x80xi32, #tpu.memory_space<vmem>> -> memref<1x80xi32, #tpu.memory_space<vmem>>
      %dma_wait3A_153 = tpu.memref_squeeze %dma_wait3A_152 : memref<1x80xi32, #tpu.memory_space<vmem>> -> memref<80xi32, #tpu.memory_space<vmem>>
      %dma_wait3A_154 = arith.constant 0 : i32
      %dma_wait3A_155 = arith.constant 0 : i32
      %dma_wait3A_156 = tpu.memref_slice %arg2[%dma_wait3A_154, %dma_wait3A_155] : memref<10000x64xbf16, #tpu.memory_space<hbm>> -> memref<10000x64xbf16, #tpu.memory_space<hbm>>
      tpu.wait_indirect_dma semaphore(%arg23 : memref<!tpu.dma_semaphore, #tpu.memory_space<semaphore_mem>>) src(%dma_wait3A_156 : memref<10000x64xbf16, #tpu.memory_space<hbm>>) dst(%arg10 : memref<80x64xbf16, #tpu.memory_space<vmem>>)
      %dma_wait3A_157 = arith.constant 0 : i32
      %dma_wait3A_158 = tpu.memref_slice %arg9[%add3A_150, %dma_wait3A_157] : memref<125x80xi32, #tpu.memory_space<vmem>> -> memref<1x80xi32, #tpu.memory_space<vmem>>
      %dma_wait3A_159 = tpu.memref_squeeze %dma_wait3A_158 : memref<1x80xi32, #tpu.memory_space<vmem>> -> memref<80xi32, #tpu.memory_space<vmem>>
      %dma_wait3A_160 = arith.constant 0 : i32
      %dma_wait3A_161 = arith.constant 0 : i32
      %dma_wait3A_162 = tpu.memref_slice %arg3[%dma_wait3A_160, %dma_wait3A_161] : memref<10000x64xbf16, #tpu.memory_space<hbm>> -> memref<10000x64xbf16, #tpu.memory_space<hbm>>
      tpu.wait_indirect_dma semaphore(%arg27 : memref<!tpu.dma_semaphore, #tpu.memory_space<semaphore_mem>>) src(%dma_wait3A_162 : memref<10000x64xbf16, #tpu.memory_space<hbm>>) dst(%arg14 : memref<80x64xbf16, #tpu.memory_space<vmem>>)
      %gt3A = arith.constant 0 : i32
      %gt3A_163 = arith.cmpi sgt, %scan3A_146, %gt3A : i32
      %convert_element_type3A_164 = arith.extui %gt3A_163 : i1 to i32
      %cond3A_165 = arith.constant 0 : i32
      %cond3A_166 = arith.cmpi ne, %convert_element_type3A_164, %cond3A_165 : i32
      scf.if %cond3A_166 {
        %dma_wait3A_293 = arith.constant 0 : i32
        %dma_wait3A_294 = tpu.memref_slice %arg9[%add3A_150, %dma_wait3A_293] : memref<125x80xi32, #tpu.memory_space<vmem>> -> memref<1x80xi32, #tpu.memory_space<vmem>>
        %dma_wait3A_295 = tpu.memref_squeeze %dma_wait3A_294 : memref<1x80xi32, #tpu.memory_space<vmem>> -> memref<80xi32, #tpu.memory_space<vmem>>
        %dma_wait3A_296 = arith.constant 0 : i32
        %dma_wait3A_297 = arith.constant 0 : i32
        %dma_wait3A_298 = tpu.memref_slice %arg22[%dma_wait3A_296, %dma_wait3A_297] : memref<10240x80xf32, #tpu.memory_space<vmem_shared>> -> memref<10240x80xf32, #tpu.memory_space<vmem_shared>>
        tpu.wait_indirect_dma semaphore(%arg31 : memref<!tpu.dma_semaphore, #tpu.memory_space<semaphore_mem>>) src(%arg18 : memref<80x80xf32, #tpu.memory_space<vmem>>) dst(%dma_wait3A_298 : memref<10240x80xf32, #tpu.memory_space<vmem_shared>>)
      } else {
      }
      %parallel_loop3A_167 = arith.constant 0 : i32
      %parallel_loop3A_168 = arith.constant 80 : i32
      %parallel_loop3A_169 = arith.constant 1 : i32
      scf.for %parallel_loop3A_293 = %parallel_loop3A_167 to %parallel_loop3A_168 step %parallel_loop3A_169  : i32 {
        %parallel_loop3A_294 = arith.index_cast %parallel_loop3A_293 : i32 to index
        %parallel_loop3A_295 = arith.constant 0 : index
        %parallel_loop3A_296 = tpu.vector_load %arg10[%parallel_loop3A_294, %parallel_loop3A_295] {strides = array<i32>} : memref<80x64xbf16, #tpu.memory_space<vmem>>, vector<32xbf16>,
        %parallel_loop3A_297 = tpu.unpack_subelements %parallel_loop3A_296, 0 {pack_format = #tpu.pack_format<interleaved>} : vector<32xbf16> -> vector<16xf32>
        %parallel_loop3A_298 = tpu.unpack_subelements %parallel_loop3A_296, 1 {pack_format = #tpu.pack_format<interleaved>} : vector<32xbf16> -> vector<16xf32>
        %parallel_loop3A_299 = arith.index_cast %parallel_loop3A_293 : i32 to index
        %parallel_loop3A_300 = arith.constant 0 : index
        %parallel_loop3A_301 = tpu.vector_load %arg14[%parallel_loop3A_299, %parallel_loop3A_300] {strides = array<i32>} : memref<80x64xbf16, #tpu.memory_space<vmem>>, vector<32xbf16>,
        %parallel_loop3A_302 = tpu.unpack_subelements %parallel_loop3A_301, 0 {pack_format = #tpu.pack_format<interleaved>} : vector<32xbf16> -> vector<16xf32>
        %parallel_loop3A_303 = tpu.unpack_subelements %parallel_loop3A_301, 1 {pack_format = #tpu.pack_format<interleaved>} : vector<32xbf16> -> vector<16xf32>
        %parallel_loop3A_304 = arith.addf %parallel_loop3A_297, %parallel_loop3A_302 : vector<16xf32>
        %parallel_loop3A_305 = arith.constant 0.000000e+00 : f32
        %parallel_loop3A_306 = vector.broadcast %parallel_loop3A_305 : f32 to vector<16xf32>
        %parallel_loop3A_307 = arith.maximumf %parallel_loop3A_304, %parallel_loop3A_306 : vector<16xf32>
        %parallel_loop3A_308 = arith.index_cast %parallel_loop3A_293 : i32 to index
        %parallel_loop3A_309 = arith.constant 0 : index
        %parallel_loop3A_310 = tpu.vector_load %arg18[%parallel_loop3A_308, %parallel_loop3A_309] {strides = array<i32>} : memref<80x80xf32, #tpu.memory_space<vmem>>, vector<16xf32>,
        tpu.vector_store %arg18[%parallel_loop3A_308, %parallel_loop3A_309], %parallel_loop3A_307 {strides = array<i32>} : memref<80x80xf32, #tpu.memory_space<vmem>>, vector<16xf32>,
        %parallel_loop3A_311 = arith.addf %parallel_loop3A_298, %parallel_loop3A_303 : vector<16xf32>
        %parallel_loop3A_312 = arith.constant 0.000000e+00 : f32
        %parallel_loop3A_313 = vector.broadcast %parallel_loop3A_312 : f32 to vector<16xf32>
        %parallel_loop3A_314 = arith.maximumf %parallel_loop3A_311, %parallel_loop3A_313 : vector<16xf32>
        %parallel_loop3A_315 = arith.index_cast %parallel_loop3A_293 : i32 to index
        %parallel_loop3A_316 = arith.constant 16 : index
        %parallel_loop3A_317 = tpu.vector_load %arg18[%parallel_loop3A_315, %parallel_loop3A_316] {strides = array<i32>} : memref<80x80xf32, #tpu.memory_space<vmem>>, vector<16xf32>,
        tpu.vector_store %arg18[%parallel_loop3A_315, %parallel_loop3A_316], %parallel_loop3A_314 {strides = array<i32>} : memref<80x80xf32, #tpu.memory_space<vmem>>, vector<16xf32>,
        %parallel_loop3A_318 = arith.index_cast %parallel_loop3A_293 : i32 to index
        %parallel_loop3A_319 = arith.constant 32 : index
        %parallel_loop3A_320 = tpu.vector_load %arg10[%parallel_loop3A_318, %parallel_loop3A_319] {strides = array<i32>} : memref<80x64xbf16, #tpu.memory_space<vmem>>, vector<32xbf16>,
        %parallel_loop3A_321 = tpu.unpack_subelements %parallel_loop3A_320, 0 {pack_format = #tpu.pack_format<interleaved>} : vector<32xbf16> -> vector<16xf32>
        %parallel_loop3A_322 = tpu.unpack_subelements %parallel_loop3A_320, 1 {pack_format = #tpu.pack_format<interleaved>} : vector<32xbf16> -> vector<16xf32>
        %parallel_loop3A_323 = arith.index_cast %parallel_loop3A_293 : i32 to index
        %parallel_loop3A_324 = arith.constant 32 : index
        %parallel_loop3A_325 = tpu.vector_load %arg14[%parallel_loop3A_323, %parallel_loop3A_324] {strides = array<i32>} : memref<80x64xbf16, #tpu.memory_space<vmem>>, vector<32xbf16>,
        %parallel_loop3A_326 = tpu.unpack_subelements %parallel_loop3A_325, 0 {pack_format = #tpu.pack_format<interleaved>} : vector<32xbf16> -> vector<16xf32>
        %parallel_loop3A_327 = tpu.unpack_subelements %parallel_loop3A_325, 1 {pack_format = #tpu.pack_format<interleaved>} : vector<32xbf16> -> vector<16xf32>
        %parallel_loop3A_328 = arith.addf %parallel_loop3A_321, %parallel_loop3A_326 : vector<16xf32>
        %parallel_loop3A_329 = arith.constant 0.000000e+00 : f32
        %parallel_loop3A_330 = vector.broadcast %parallel_loop3A_329 : f32 to vector<16xf32>
        %parallel_loop3A_331 = arith.maximumf %parallel_loop3A_328, %parallel_loop3A_330 : vector<16xf32>
        %parallel_loop3A_332 = arith.index_cast %parallel_loop3A_293 : i32 to index
        %parallel_loop3A_333 = arith.constant 32 : index
        %parallel_loop3A_334 = tpu.vector_load %arg18[%parallel_loop3A_332, %parallel_loop3A_333] {strides = array<i32>} : memref<80x80xf32, #tpu.memory_space<vmem>>, vector<16xf32>,
        tpu.vector_store %arg18[%parallel_loop3A_332, %parallel_loop3A_333], %parallel_loop3A_331 {strides = array<i32>} : memref<80x80xf32, #tpu.memory_space<vmem>>, vector<16xf32>,
        %parallel_loop3A_335 = arith.addf %parallel_loop3A_322, %parallel_loop3A_327 : vector<16xf32>
        %parallel_loop3A_336 = arith.constant 0.000000e+00 : f32
        %parallel_loop3A_337 = vector.broadcast %parallel_loop3A_336 : f32 to vector<16xf32>
        %parallel_loop3A_338 = arith.maximumf %parallel_loop3A_335, %parallel_loop3A_337 : vector<16xf32>
        %parallel_loop3A_339 = arith.index_cast %parallel_loop3A_293 : i32 to index
        %parallel_loop3A_340 = arith.constant 48 : index
        %parallel_loop3A_341 = tpu.vector_load %arg18[%parallel_loop3A_339, %parallel_loop3A_340] {strides = array<i32>} : memref<80x80xf32, #tpu.memory_space<vmem>>, vector<16xf32>,
        tpu.vector_store %arg18[%parallel_loop3A_339, %parallel_loop3A_340], %parallel_loop3A_338 {strides = array<i32>} : memref<80x80xf32, #tpu.memory_space<vmem>>, vector<16xf32>,
      } {sc.loop_unroll_factor = 8 : i64, sc.parallel_access}
      %dma_start3A_170 = arith.constant 0 : i32
      %dma_start3A_171 = tpu.memref_slice %arg9[%add3A_150, %dma_start3A_170] : memref<125x80xi32, #tpu.memory_space<vmem>> -> memref<1x80xi32, #tpu.memory_space<vmem>>
      %dma_start3A_172 = tpu.memref_squeeze %dma_start3A_171 : memref<1x80xi32, #tpu.memory_space<vmem>> -> memref<80xi32, #tpu.memory_space<vmem>>
      %dma_start3A_173 = arith.constant 0 : i32
      %dma_start3A_174 = arith.constant 0 : i32
      %dma_start3A_175 = tpu.memref_slice %arg22[%dma_start3A_173, %dma_start3A_174] : memref<10240x80xf32, #tpu.memory_space<vmem_shared>> -> memref<10240x80xf32, #tpu.memory_space<vmem_shared>>
      tpu.enqueue_indirect_dma source(%arg18 : memref<80x80xf32, #tpu.memory_space<vmem>>) target(%dma_start3A_175 : memref<10240x80xf32, #tpu.memory_space<vmem_shared>>) offsets(%dma_start3A_172 : memref<80xi32, #tpu.memory_space<vmem>>) semaphore(%arg31 : memref<!tpu.dma_semaphore, #tpu.memory_space<semaphore_mem>>) {add = true}
      %add3A_176 = arith.constant 4 : i32
      %add3A_177 = arith.addi %add3A_150, %add3A_176 : i32
      %lt3A = arith.constant 125 : i32
      %lt3A_178 = arith.cmpi slt, %add3A_177, %lt3A : i32
      %convert_element_type3A_179 = arith.extui %lt3A_178 : i1 to i32
      %cond3A_180 = arith.constant 0 : i32
      %cond3A_181 = arith.cmpi ne, %convert_element_type3A_179, %cond3A_180 : i32
      scf.if %cond3A_181 {
        %add3A_293 = arith.constant 4 : i32
        %add3A_294 = arith.addi %add3A_150, %add3A_293 : i32
        %dma_start3A_295 = arith.constant 0 : i32
        %dma_start3A_296 = tpu.memref_slice %arg8[%add3A_294, %dma_start3A_295] : memref<125x80xi32, #tpu.memory_space<vmem>> -> memref<1x80xi32, #tpu.memory_space<vmem>>
        %dma_start3A_297 = tpu.memref_squeeze %dma_start3A_296 : memref<1x80xi32, #tpu.memory_space<vmem>> -> memref<80xi32, #tpu.memory_space<vmem>>
        %dma_start3A_298 = arith.constant 0 : i32
        %dma_start3A_299 = arith.constant 0 : i32
        %dma_start3A_300 = tpu.memref_slice %arg2[%dma_start3A_298, %dma_start3A_299] : memref<10000x64xbf16, #tpu.memory_space<hbm>> -> memref<10000x64xbf16, #tpu.memory_space<hbm>>
        tpu.enqueue_indirect_dma source(%dma_start3A_300 : memref<10000x64xbf16, #tpu.memory_space<hbm>>) target(%arg10 : memref<80x64xbf16, #tpu.memory_space<vmem>>) offsets(%dma_start3A_297 : memref<80xi32, #tpu.memory_space<vmem>>) semaphore(%arg23 : memref<!tpu.dma_semaphore, #tpu.memory_space<semaphore_mem>>)
        %dma_start3A_301 = arith.constant 0 : i32
        %dma_start3A_302 = tpu.memref_slice %arg9[%add3A_294, %dma_start3A_301] : memref<125x80xi32, #tpu.memory_space<vmem>> -> memref<1x80xi32, #tpu.memory_space<vmem>>
        %dma_start3A_303 = tpu.memref_squeeze %dma_start3A_302 : memref<1x80xi32, #tpu.memory_space<vmem>> -> memref<80xi32, #tpu.memory_space<vmem>>
        %dma_start3A_304 = arith.constant 0 : i32
        %dma_start3A_305 = arith.constant 0 : i32
        %dma_start3A_306 = tpu.memref_slice %arg3[%dma_start3A_304, %dma_start3A_305] : memref<10000x64xbf16, #tpu.memory_space<hbm>> -> memref<10000x64xbf16, #tpu.memory_space<hbm>>
        tpu.enqueue_indirect_dma source(%dma_start3A_306 : memref<10000x64xbf16, #tpu.memory_space<hbm>>) target(%arg14 : memref<80x64xbf16, #tpu.memory_space<vmem>>) offsets(%dma_start3A_303 : memref<80xi32, #tpu.memory_space<vmem>>) semaphore(%arg27 : memref<!tpu.dma_semaphore, #tpu.memory_space<semaphore_mem>>)
      } else {
      }
      %mul3A_182 = arith.constant 4 : i32
      %mul3A_183 = arith.muli %mul3A_182, %scan3A_146 : i32
      %add3A_184 = arith.constant 1 : i32
      %add3A_185 = arith.addi %mul3A_183, %add3A_184 : i32
      %dma_wait3A_186 = arith.constant 0 : i32
      %dma_wait3A_187 = tpu.memref_slice %arg8[%add3A_185, %dma_wait3A_186] : memref<125x80xi32, #tpu.memory_space<vmem>> -> memref<1x80xi32, #tpu.memory_space<vmem>>
      %dma_wait3A_188 = tpu.memref_squeeze %dma_wait3A_187 : memref<1x80xi32, #tpu.memory_space<vmem>> -> memref<80xi32, #tpu.memory_space<vmem>>
      %dma_wait3A_189 = arith.constant 0 : i32
      %dma_wait3A_190 = arith.constant 0 : i32
      %dma_wait3A_191 = tpu.memref_slice %arg2[%dma_wait3A_189, %dma_wait3A_190] : memref<10000x64xbf16, #tpu.memory_space<hbm>> -> memref<10000x64xbf16, #tpu.memory_space<hbm>>
      tpu.wait_indirect_dma semaphore(%arg24 : memref<!tpu.dma_semaphore, #tpu.memory_space<semaphore_mem>>) src(%dma_wait3A_191 : memref<10000x64xbf16, #tpu.memory_space<hbm>>) dst(%arg11 : memref<80x64xbf16, #tpu.memory_space<vmem>>)
      %dma_wait3A_192 = arith.constant 0 : i32
      %dma_wait3A_193 = tpu.memref_slice %arg9[%add3A_185, %dma_wait3A_192] : memref<125x80xi32, #tpu.memory_space<vmem>> -> memref<1x80xi32, #tpu.memory_space<vmem>>
      %dma_wait3A_194 = tpu.memref_squeeze %dma_wait3A_193 : memref<1x80xi32, #tpu.memory_space<vmem>> -> memref<80xi32, #tpu.memory_space<vmem>>
      %dma_wait3A_195 = arith.constant 0 : i32
      %dma_wait3A_196 = arith.constant 0 : i32
      %dma_wait3A_197 = tpu.memref_slice %arg3[%dma_wait3A_195, %dma_wait3A_196] : memref<10000x64xbf16, #tpu.memory_space<hbm>> -> memref<10000x64xbf16, #tpu.memory_space<hbm>>
      tpu.wait_indirect_dma semaphore(%arg28 : memref<!tpu.dma_semaphore, #tpu.memory_space<semaphore_mem>>) src(%dma_wait3A_197 : memref<10000x64xbf16, #tpu.memory_space<hbm>>) dst(%arg15 : memref<80x64xbf16, #tpu.memory_space<vmem>>)
      %gt3A_198 = arith.constant 0 : i32
      %gt3A_199 = arith.cmpi sgt, %scan3A_146, %gt3A_198 : i32
      %convert_element_type3A_200 = arith.extui %gt3A_199 : i1 to i32
      %cond3A_201 = arith.constant 0 : i32
      %cond3A_202 = arith.cmpi ne, %convert_element_type3A_200, %cond3A_201 : i32
      scf.if %cond3A_202 {
        %dma_wait3A_293 = arith.constant 0 : i32
        %dma_wait3A_294 = tpu.memref_slice %arg9[%add3A_185, %dma_wait3A_293] : memref<125x80xi32, #tpu.memory_space<vmem>> -> memref<1x80xi32, #tpu.memory_space<vmem>>
        %dma_wait3A_295 = tpu.memref_squeeze %dma_wait3A_294 : memref<1x80xi32, #tpu.memory_space<vmem>> -> memref<80xi32, #tpu.memory_space<vmem>>
        %dma_wait3A_296 = arith.constant 0 : i32
        %dma_wait3A_297 = arith.constant 0 : i32
        %dma_wait3A_298 = tpu.memref_slice %arg22[%dma_wait3A_296, %dma_wait3A_297] : memref<10240x80xf32, #tpu.memory_space<vmem_shared>> -> memref<10240x80xf32, #tpu.memory_space<vmem_shared>>
        tpu.wait_indirect_dma semaphore(%arg32 : memref<!tpu.dma_semaphore, #tpu.memory_space<semaphore_mem>>) src(%arg19 : memref<80x80xf32, #tpu.memory_space<vmem>>) dst(%dma_wait3A_298 : memref<10240x80xf32, #tpu.memory_space<vmem_shared>>)
      } else {
      }
      %parallel_loop3A_203 = arith.constant 0 : i32
      %parallel_loop3A_204 = arith.constant 80 : i32
      %parallel_loop3A_205 = arith.constant 1 : i32
      scf.for %parallel_loop3A_293 = %parallel_loop3A_203 to %parallel_loop3A_204 step %parallel_loop3A_205  : i32 {
        %parallel_loop3A_294 = arith.index_cast %parallel_loop3A_293 : i32 to index
        %parallel_loop3A_295 = arith.constant 0 : index
        %parallel_loop3A_296 = tpu.vector_load %arg11[%parallel_loop3A_294, %parallel_loop3A_295] {strides = array<i32>} : memref<80x64xbf16, #tpu.memory_space<vmem>>, vector<32xbf16>,
        %parallel_loop3A_297 = tpu.unpack_subelements %parallel_loop3A_296, 0 {pack_format = #tpu.pack_format<interleaved>} : vector<32xbf16> -> vector<16xf32>
        %parallel_loop3A_298 = tpu.unpack_subelements %parallel_loop3A_296, 1 {pack_format = #tpu.pack_format<interleaved>} : vector<32xbf16> -> vector<16xf32>
        %parallel_loop3A_299 = arith.index_cast %parallel_loop3A_293 : i32 to index
        %parallel_loop3A_300 = arith.constant 0 : index
        %parallel_loop3A_301 = tpu.vector_load %arg15[%parallel_loop3A_299, %parallel_loop3A_300] {strides = array<i32>} : memref<80x64xbf16, #tpu.memory_space<vmem>>, vector<32xbf16>,
        %parallel_loop3A_302 = tpu.unpack_subelements %parallel_loop3A_301, 0 {pack_format = #tpu.pack_format<interleaved>} : vector<32xbf16> -> vector<16xf32>
        %parallel_loop3A_303 = tpu.unpack_subelements %parallel_loop3A_301, 1 {pack_format = #tpu.pack_format<interleaved>} : vector<32xbf16> -> vector<16xf32>
        %parallel_loop3A_304 = arith.addf %parallel_loop3A_297, %parallel_loop3A_302 : vector<16xf32>
        %parallel_loop3A_305 = arith.constant 0.000000e+00 : f32
        %parallel_loop3A_306 = vector.broadcast %parallel_loop3A_305 : f32 to vector<16xf32>
        %parallel_loop3A_307 = arith.maximumf %parallel_loop3A_304, %parallel_loop3A_306 : vector<16xf32>
        %parallel_loop3A_308 = arith.index_cast %parallel_loop3A_293 : i32 to index
        %parallel_loop3A_309 = arith.constant 0 : index
        %parallel_loop3A_310 = tpu.vector_load %arg19[%parallel_loop3A_308, %parallel_loop3A_309] {strides = array<i32>} : memref<80x80xf32, #tpu.memory_space<vmem>>, vector<16xf32>,
        tpu.vector_store %arg19[%parallel_loop3A_308, %parallel_loop3A_309], %parallel_loop3A_307 {strides = array<i32>} : memref<80x80xf32, #tpu.memory_space<vmem>>, vector<16xf32>,
        %parallel_loop3A_311 = arith.addf %parallel_loop3A_298, %parallel_loop3A_303 : vector<16xf32>
        %parallel_loop3A_312 = arith.constant 0.000000e+00 : f32
        %parallel_loop3A_313 = vector.broadcast %parallel_loop3A_312 : f32 to vector<16xf32>
        %parallel_loop3A_314 = arith.maximumf %parallel_loop3A_311, %parallel_loop3A_313 : vector<16xf32>
        %parallel_loop3A_315 = arith.index_cast %parallel_loop3A_293 : i32 to index
        %parallel_loop3A_316 = arith.constant 16 : index
        %parallel_loop3A_317 = tpu.vector_load %arg19[%parallel_loop3A_315, %parallel_loop3A_316] {strides = array<i32>} : memref<80x80xf32, #tpu.memory_space<vmem>>, vector<16xf32>,
        tpu.vector_store %arg19[%parallel_loop3A_315, %parallel_loop3A_316], %parallel_loop3A_314 {strides = array<i32>} : memref<80x80xf32, #tpu.memory_space<vmem>>, vector<16xf32>,
        %parallel_loop3A_318 = arith.index_cast %parallel_loop3A_293 : i32 to index
        %parallel_loop3A_319 = arith.constant 32 : index
        %parallel_loop3A_320 = tpu.vector_load %arg11[%parallel_loop3A_318, %parallel_loop3A_319] {strides = array<i32>} : memref<80x64xbf16, #tpu.memory_space<vmem>>, vector<32xbf16>,
        %parallel_loop3A_321 = tpu.unpack_subelements %parallel_loop3A_320, 0 {pack_format = #tpu.pack_format<interleaved>} : vector<32xbf16> -> vector<16xf32>
        %parallel_loop3A_322 = tpu.unpack_subelements %parallel_loop3A_320, 1 {pack_format = #tpu.pack_format<interleaved>} : vector<32xbf16> -> vector<16xf32>
        %parallel_loop3A_323 = arith.index_cast %parallel_loop3A_293 : i32 to index
        %parallel_loop3A_324 = arith.constant 32 : index
        %parallel_loop3A_325 = tpu.vector_load %arg15[%parallel_loop3A_323, %parallel_loop3A_324] {strides = array<i32>} : memref<80x64xbf16, #tpu.memory_space<vmem>>, vector<32xbf16>,
        %parallel_loop3A_326 = tpu.unpack_subelements %parallel_loop3A_325, 0 {pack_format = #tpu.pack_format<interleaved>} : vector<32xbf16> -> vector<16xf32>
        %parallel_loop3A_327 = tpu.unpack_subelements %parallel_loop3A_325, 1 {pack_format = #tpu.pack_format<interleaved>} : vector<32xbf16> -> vector<16xf32>
        %parallel_loop3A_328 = arith.addf %parallel_loop3A_321, %parallel_loop3A_326 : vector<16xf32>
        %parallel_loop3A_329 = arith.constant 0.000000e+00 : f32
        %parallel_loop3A_330 = vector.broadcast %parallel_loop3A_329 : f32 to vector<16xf32>
        %parallel_loop3A_331 = arith.maximumf %parallel_loop3A_328, %parallel_loop3A_330 : vector<16xf32>
        %parallel_loop3A_332 = arith.index_cast %parallel_loop3A_293 : i32 to index
        %parallel_loop3A_333 = arith.constant 32 : index
        %parallel_loop3A_334 = tpu.vector_load %arg19[%parallel_loop3A_332, %parallel_loop3A_333] {strides = array<i32>} : memref<80x80xf32, #tpu.memory_space<vmem>>, vector<16xf32>,
        tpu.vector_store %arg19[%parallel_loop3A_332, %parallel_loop3A_333], %parallel_loop3A_331 {strides = array<i32>} : memref<80x80xf32, #tpu.memory_space<vmem>>, vector<16xf32>,
        %parallel_loop3A_335 = arith.addf %parallel_loop3A_322, %parallel_loop3A_327 : vector<16xf32>
        %parallel_loop3A_336 = arith.constant 0.000000e+00 : f32
        %parallel_loop3A_337 = vector.broadcast %parallel_loop3A_336 : f32 to vector<16xf32>
        %parallel_loop3A_338 = arith.maximumf %parallel_loop3A_335, %parallel_loop3A_337 : vector<16xf32>
        %parallel_loop3A_339 = arith.index_cast %parallel_loop3A_293 : i32 to index
        %parallel_loop3A_340 = arith.constant 48 : index
        %parallel_loop3A_341 = tpu.vector_load %arg19[%parallel_loop3A_339, %parallel_loop3A_340] {strides = array<i32>} : memref<80x80xf32, #tpu.memory_space<vmem>>, vector<16xf32>,
        tpu.vector_store %arg19[%parallel_loop3A_339, %parallel_loop3A_340], %parallel_loop3A_338 {strides = array<i32>} : memref<80x80xf32, #tpu.memory_space<vmem>>, vector<16xf32>,
      } {sc.loop_unroll_factor = 8 : i64, sc.parallel_access}
      %dma_start3A_206 = arith.constant 0 : i32
      %dma_start3A_207 = tpu.memref_slice %arg9[%add3A_185, %dma_start3A_206] : memref<125x80xi32, #tpu.memory_space<vmem>> -> memref<1x80xi32, #tpu.memory_space<vmem>>
      %dma_start3A_208 = tpu.memref_squeeze %dma_start3A_207 : memref<1x80xi32, #tpu.memory_space<vmem>> -> memref<80xi32, #tpu.memory_space<vmem>>
      %dma_start3A_209 = arith.constant 0 : i32
      %dma_start3A_210 = arith.constant 0 : i32
      %dma_start3A_211 = tpu.memref_slice %arg22[%dma_start3A_209, %dma_start3A_210] : memref<10240x80xf32, #tpu.memory_space<vmem_shared>> -> memref<10240x80xf32, #tpu.memory_space<vmem_shared>>
      tpu.enqueue_indirect_dma source(%arg19 : memref<80x80xf32, #tpu.memory_space<vmem>>) target(%dma_start3A_211 : memref<10240x80xf32, #tpu.memory_space<vmem_shared>>) offsets(%dma_start3A_208 : memref<80xi32, #tpu.memory_space<vmem>>) semaphore(%arg32 : memref<!tpu.dma_semaphore, #tpu.memory_space<semaphore_mem>>) {add = true}
      %add3A_212 = arith.constant 4 : i32
      %add3A_213 = arith.addi %add3A_185, %add3A_212 : i32
      %lt3A_214 = arith.constant 125 : i32
      %lt3A_215 = arith.cmpi slt, %add3A_213, %lt3A_214 : i32
      %convert_element_type3A_216 = arith.extui %lt3A_215 : i1 to i32
      %cond3A_217 = arith.constant 0 : i32
      %cond3A_218 = arith.cmpi ne, %convert_element_type3A_216, %cond3A_217 : i32
      scf.if %cond3A_218 {
        %add3A_293 = arith.constant 4 : i32
        %add3A_294 = arith.addi %add3A_185, %add3A_293 : i32
        %dma_start3A_295 = arith.constant 0 : i32
        %dma_start3A_296 = tpu.memref_slice %arg8[%add3A_294, %dma_start3A_295] : memref<125x80xi32, #tpu.memory_space<vmem>> -> memref<1x80xi32, #tpu.memory_space<vmem>>
        %dma_start3A_297 = tpu.memref_squeeze %dma_start3A_296 : memref<1x80xi32, #tpu.memory_space<vmem>> -> memref<80xi32, #tpu.memory_space<vmem>>
        %dma_start3A_298 = arith.constant 0 : i32
        %dma_start3A_299 = arith.constant 0 : i32
        %dma_start3A_300 = tpu.memref_slice %arg2[%dma_start3A_298, %dma_start3A_299] : memref<10000x64xbf16, #tpu.memory_space<hbm>> -> memref<10000x64xbf16, #tpu.memory_space<hbm>>
        tpu.enqueue_indirect_dma source(%dma_start3A_300 : memref<10000x64xbf16, #tpu.memory_space<hbm>>) target(%arg11 : memref<80x64xbf16, #tpu.memory_space<vmem>>) offsets(%dma_start3A_297 : memref<80xi32, #tpu.memory_space<vmem>>) semaphore(%arg24 : memref<!tpu.dma_semaphore, #tpu.memory_space<semaphore_mem>>)
        %dma_start3A_301 = arith.constant 0 : i32
        %dma_start3A_302 = tpu.memref_slice %arg9[%add3A_294, %dma_start3A_301] : memref<125x80xi32, #tpu.memory_space<vmem>> -> memref<1x80xi32, #tpu.memory_space<vmem>>
        %dma_start3A_303 = tpu.memref_squeeze %dma_start3A_302 : memref<1x80xi32, #tpu.memory_space<vmem>> -> memref<80xi32, #tpu.memory_space<vmem>>
        %dma_start3A_304 = arith.constant 0 : i32
        %dma_start3A_305 = arith.constant 0 : i32
        %dma_start3A_306 = tpu.memref_slice %arg3[%dma_start3A_304, %dma_start3A_305] : memref<10000x64xbf16, #tpu.memory_space<hbm>> -> memref<10000x64xbf16, #tpu.memory_space<hbm>>
        tpu.enqueue_indirect_dma source(%dma_start3A_306 : memref<10000x64xbf16, #tpu.memory_space<hbm>>) target(%arg15 : memref<80x64xbf16, #tpu.memory_space<vmem>>) offsets(%dma_start3A_303 : memref<80xi32, #tpu.memory_space<vmem>>) semaphore(%arg28 : memref<!tpu.dma_semaphore, #tpu.memory_space<semaphore_mem>>)
      } else {
      }
      %mul3A_219 = arith.constant 4 : i32
      %mul3A_220 = arith.muli %mul3A_219, %scan3A_146 : i32
      %add3A_221 = arith.constant 2 : i32
      %add3A_222 = arith.addi %mul3A_220, %add3A_221 : i32
      %dma_wait3A_223 = arith.constant 0 : i32
      %dma_wait3A_224 = tpu.memref_slice %arg8[%add3A_222, %dma_wait3A_223] : memref<125x80xi32, #tpu.memory_space<vmem>> -> memref<1x80xi32, #tpu.memory_space<vmem>>
      %dma_wait3A_225 = tpu.memref_squeeze %dma_wait3A_224 : memref<1x80xi32, #tpu.memory_space<vmem>> -> memref<80xi32, #tpu.memory_space<vmem>>
      %dma_wait3A_226 = arith.constant 0 : i32
      %dma_wait3A_227 = arith.constant 0 : i32
      %dma_wait3A_228 = tpu.memref_slice %arg2[%dma_wait3A_226, %dma_wait3A_227] : memref<10000x64xbf16, #tpu.memory_space<hbm>> -> memref<10000x64xbf16, #tpu.memory_space<hbm>>
      tpu.wait_indirect_dma semaphore(%arg25 : memref<!tpu.dma_semaphore, #tpu.memory_space<semaphore_mem>>) src(%dma_wait3A_228 : memref<10000x64xbf16, #tpu.memory_space<hbm>>) dst(%arg12 : memref<80x64xbf16, #tpu.memory_space<vmem>>)
      %dma_wait3A_229 = arith.constant 0 : i32
      %dma_wait3A_230 = tpu.memref_slice %arg9[%add3A_222, %dma_wait3A_229] : memref<125x80xi32, #tpu.memory_space<vmem>> -> memref<1x80xi32, #tpu.memory_space<vmem>>
      %dma_wait3A_231 = tpu.memref_squeeze %dma_wait3A_230 : memref<1x80xi32, #tpu.memory_space<vmem>> -> memref<80xi32, #tpu.memory_space<vmem>>
      %dma_wait3A_232 = arith.constant 0 : i32
      %dma_wait3A_233 = arith.constant 0 : i32
      %dma_wait3A_234 = tpu.memref_slice %arg3[%dma_wait3A_232, %dma_wait3A_233] : memref<10000x64xbf16, #tpu.memory_space<hbm>> -> memref<10000x64xbf16, #tpu.memory_space<hbm>>
      tpu.wait_indirect_dma semaphore(%arg29 : memref<!tpu.dma_semaphore, #tpu.memory_space<semaphore_mem>>) src(%dma_wait3A_234 : memref<10000x64xbf16, #tpu.memory_space<hbm>>) dst(%arg16 : memref<80x64xbf16, #tpu.memory_space<vmem>>)
      %gt3A_235 = arith.constant 0 : i32
      %gt3A_236 = arith.cmpi sgt, %scan3A_146, %gt3A_235 : i32
      %convert_element_type3A_237 = arith.extui %gt3A_236 : i1 to i32
      %cond3A_238 = arith.constant 0 : i32
      %cond3A_239 = arith.cmpi ne, %convert_element_type3A_237, %cond3A_238 : i32
      scf.if %cond3A_239 {
        %dma_wait3A_293 = arith.constant 0 : i32
        %dma_wait3A_294 = tpu.memref_slice %arg9[%add3A_222, %dma_wait3A_293] : memref<125x80xi32, #tpu.memory_space<vmem>> -> memref<1x80xi32, #tpu.memory_space<vmem>>
        %dma_wait3A_295 = tpu.memref_squeeze %dma_wait3A_294 : memref<1x80xi32, #tpu.memory_space<vmem>> -> memref<80xi32, #tpu.memory_space<vmem>>
        %dma_wait3A_296 = arith.constant 0 : i32
        %dma_wait3A_297 = arith.constant 0 : i32
        %dma_wait3A_298 = tpu.memref_slice %arg22[%dma_wait3A_296, %dma_wait3A_297] : memref<10240x80xf32, #tpu.memory_space<vmem_shared>> -> memref<10240x80xf32, #tpu.memory_space<vmem_shared>>
        tpu.wait_indirect_dma semaphore(%arg33 : memref<!tpu.dma_semaphore, #tpu.memory_space<semaphore_mem>>) src(%arg20 : memref<80x80xf32, #tpu.memory_space<vmem>>) dst(%dma_wait3A_298 : memref<10240x80xf32, #tpu.memory_space<vmem_shared>>)
      } else {
      }
      %parallel_loop3A_240 = arith.constant 0 : i32
      %parallel_loop3A_241 = arith.constant 80 : i32
      %parallel_loop3A_242 = arith.constant 1 : i32
      scf.for %parallel_loop3A_293 = %parallel_loop3A_240 to %parallel_loop3A_241 step %parallel_loop3A_242  : i32 {
        %parallel_loop3A_294 = arith.index_cast %parallel_loop3A_293 : i32 to index
        %parallel_loop3A_295 = arith.constant 0 : index
        %parallel_loop3A_296 = tpu.vector_load %arg12[%parallel_loop3A_294, %parallel_loop3A_295] {strides = array<i32>} : memref<80x64xbf16, #tpu.memory_space<vmem>>, vector<32xbf16>,
        %parallel_loop3A_297 = tpu.unpack_subelements %parallel_loop3A_296, 0 {pack_format = #tpu.pack_format<interleaved>} : vector<32xbf16> -> vector<16xf32>
        %parallel_loop3A_298 = tpu.unpack_subelements %parallel_loop3A_296, 1 {pack_format = #tpu.pack_format<interleaved>} : vector<32xbf16> -> vector<16xf32>
        %parallel_loop3A_299 = arith.index_cast %parallel_loop3A_293 : i32 to index
        %parallel_loop3A_300 = arith.constant 0 : index
        %parallel_loop3A_301 = tpu.vector_load %arg16[%parallel_loop3A_299, %parallel_loop3A_300] {strides = array<i32>} : memref<80x64xbf16, #tpu.memory_space<vmem>>, vector<32xbf16>,
        %parallel_loop3A_302 = tpu.unpack_subelements %parallel_loop3A_301, 0 {pack_format = #tpu.pack_format<interleaved>} : vector<32xbf16> -> vector<16xf32>
        %parallel_loop3A_303 = tpu.unpack_subelements %parallel_loop3A_301, 1 {pack_format = #tpu.pack_format<interleaved>} : vector<32xbf16> -> vector<16xf32>
        %parallel_loop3A_304 = arith.addf %parallel_loop3A_297, %parallel_loop3A_302 : vector<16xf32>
        %parallel_loop3A_305 = arith.constant 0.000000e+00 : f32
        %parallel_loop3A_306 = vector.broadcast %parallel_loop3A_305 : f32 to vector<16xf32>
        %parallel_loop3A_307 = arith.maximumf %parallel_loop3A_304, %parallel_loop3A_306 : vector<16xf32>
        %parallel_loop3A_308 = arith.index_cast %parallel_loop3A_293 : i32 to index
        %parallel_loop3A_309 = arith.constant 0 : index
        %parallel_loop3A_310 = tpu.vector_load %arg20[%parallel_loop3A_308, %parallel_loop3A_309] {strides = array<i32>} : memref<80x80xf32, #tpu.memory_space<vmem>>, vector<16xf32>,
        tpu.vector_store %arg20[%parallel_loop3A_308, %parallel_loop3A_309], %parallel_loop3A_307 {strides = array<i32>} : memref<80x80xf32, #tpu.memory_space<vmem>>, vector<16xf32>,
        %parallel_loop3A_311 = arith.addf %parallel_loop3A_298, %parallel_loop3A_303 : vector<16xf32>
        %parallel_loop3A_312 = arith.constant 0.000000e+00 : f32
        %parallel_loop3A_313 = vector.broadcast %parallel_loop3A_312 : f32 to vector<16xf32>
        %parallel_loop3A_314 = arith.maximumf %parallel_loop3A_311, %parallel_loop3A_313 : vector<16xf32>
        %parallel_loop3A_315 = arith.index_cast %parallel_loop3A_293 : i32 to index
        %parallel_loop3A_316 = arith.constant 16 : index
        %parallel_loop3A_317 = tpu.vector_load %arg20[%parallel_loop3A_315, %parallel_loop3A_316] {strides = array<i32>} : memref<80x80xf32, #tpu.memory_space<vmem>>, vector<16xf32>,
        tpu.vector_store %arg20[%parallel_loop3A_315, %parallel_loop3A_316], %parallel_loop3A_314 {strides = array<i32>} : memref<80x80xf32, #tpu.memory_space<vmem>>, vector<16xf32>,
        %parallel_loop3A_318 = arith.index_cast %parallel_loop3A_293 : i32 to index
        %parallel_loop3A_319 = arith.constant 32 : index
        %parallel_loop3A_320 = tpu.vector_load %arg12[%parallel_loop3A_318, %parallel_loop3A_319] {strides = array<i32>} : memref<80x64xbf16, #tpu.memory_space<vmem>>, vector<32xbf16>,
        %parallel_loop3A_321 = tpu.unpack_subelements %parallel_loop3A_320, 0 {pack_format = #tpu.pack_format<interleaved>} : vector<32xbf16> -> vector<16xf32>
        %parallel_loop3A_322 = tpu.unpack_subelements %parallel_loop3A_320, 1 {pack_format = #tpu.pack_format<interleaved>} : vector<32xbf16> -> vector<16xf32>
        %parallel_loop3A_323 = arith.index_cast %parallel_loop3A_293 : i32 to index
        %parallel_loop3A_324 = arith.constant 32 : index
        %parallel_loop3A_325 = tpu.vector_load %arg16[%parallel_loop3A_323, %parallel_loop3A_324] {strides = array<i32>} : memref<80x64xbf16, #tpu.memory_space<vmem>>, vector<32xbf16>,
        %parallel_loop3A_326 = tpu.unpack_subelements %parallel_loop3A_325, 0 {pack_format = #tpu.pack_format<interleaved>} : vector<32xbf16> -> vector<16xf32>
        %parallel_loop3A_327 = tpu.unpack_subelements %parallel_loop3A_325, 1 {pack_format = #tpu.pack_format<interleaved>} : vector<32xbf16> -> vector<16xf32>
        %parallel_loop3A_328 = arith.addf %parallel_loop3A_321, %parallel_loop3A_326 : vector<16xf32>
        %parallel_loop3A_329 = arith.constant 0.000000e+00 : f32
        %parallel_loop3A_330 = vector.broadcast %parallel_loop3A_329 : f32 to vector<16xf32>
        %parallel_loop3A_331 = arith.maximumf %parallel_loop3A_328, %parallel_loop3A_330 : vector<16xf32>
        %parallel_loop3A_332 = arith.index_cast %parallel_loop3A_293 : i32 to index
        %parallel_loop3A_333 = arith.constant 32 : index
        %parallel_loop3A_334 = tpu.vector_load %arg20[%parallel_loop3A_332, %parallel_loop3A_333] {strides = array<i32>} : memref<80x80xf32, #tpu.memory_space<vmem>>, vector<16xf32>,
        tpu.vector_store %arg20[%parallel_loop3A_332, %parallel_loop3A_333], %parallel_loop3A_331 {strides = array<i32>} : memref<80x80xf32, #tpu.memory_space<vmem>>, vector<16xf32>,
        %parallel_loop3A_335 = arith.addf %parallel_loop3A_322, %parallel_loop3A_327 : vector<16xf32>
        %parallel_loop3A_336 = arith.constant 0.000000e+00 : f32
        %parallel_loop3A_337 = vector.broadcast %parallel_loop3A_336 : f32 to vector<16xf32>
        %parallel_loop3A_338 = arith.maximumf %parallel_loop3A_335, %parallel_loop3A_337 : vector<16xf32>
        %parallel_loop3A_339 = arith.index_cast %parallel_loop3A_293 : i32 to index
        %parallel_loop3A_340 = arith.constant 48 : index
        %parallel_loop3A_341 = tpu.vector_load %arg20[%parallel_loop3A_339, %parallel_loop3A_340] {strides = array<i32>} : memref<80x80xf32, #tpu.memory_space<vmem>>, vector<16xf32>,
        tpu.vector_store %arg20[%parallel_loop3A_339, %parallel_loop3A_340], %parallel_loop3A_338 {strides = array<i32>} : memref<80x80xf32, #tpu.memory_space<vmem>>, vector<16xf32>,
      } {sc.loop_unroll_factor = 8 : i64, sc.parallel_access}
      %dma_start3A_243 = arith.constant 0 : i32
      %dma_start3A_244 = tpu.memref_slice %arg9[%add3A_222, %dma_start3A_243] : memref<125x80xi32, #tpu.memory_space<vmem>> -> memref<1x80xi32, #tpu.memory_space<vmem>>
      %dma_start3A_245 = tpu.memref_squeeze %dma_start3A_244 : memref<1x80xi32, #tpu.memory_space<vmem>> -> memref<80xi32, #tpu.memory_space<vmem>>
      %dma_start3A_246 = arith.constant 0 : i32
      %dma_start3A_247 = arith.constant 0 : i32
      %dma_start3A_248 = tpu.memref_slice %arg22[%dma_start3A_246, %dma_start3A_247] : memref<10240x80xf32, #tpu.memory_space<vmem_shared>> -> memref<10240x80xf32, #tpu.memory_space<vmem_shared>>
      tpu.enqueue_indirect_dma source(%arg20 : memref<80x80xf32, #tpu.memory_space<vmem>>) target(%dma_start3A_248 : memref<10240x80xf32, #tpu.memory_space<vmem_shared>>) offsets(%dma_start3A_245 : memref<80xi32, #tpu.memory_space<vmem>>) semaphore(%arg33 : memref<!tpu.dma_semaphore, #tpu.memory_space<semaphore_mem>>) {add = true}
      %add3A_249 = arith.constant 4 : i32
      %add3A_250 = arith.addi %add3A_222, %add3A_249 : i32
      %lt3A_251 = arith.constant 125 : i32
      %lt3A_252 = arith.cmpi slt, %add3A_250, %lt3A_251 : i32
      %convert_element_type3A_253 = arith.extui %lt3A_252 : i1 to i32
      %cond3A_254 = arith.constant 0 : i32
      %cond3A_255 = arith.cmpi ne, %convert_element_type3A_253, %cond3A_254 : i32
      scf.if %cond3A_255 {
        %add3A_293 = arith.constant 4 : i32
        %add3A_294 = arith.addi %add3A_222, %add3A_293 : i32
        %dma_start3A_295 = arith.constant 0 : i32
        %dma_start3A_296 = tpu.memref_slice %arg8[%add3A_294, %dma_start3A_295] : memref<125x80xi32, #tpu.memory_space<vmem>> -> memref<1x80xi32, #tpu.memory_space<vmem>>
        %dma_start3A_297 = tpu.memref_squeeze %dma_start3A_296 : memref<1x80xi32, #tpu.memory_space<vmem>> -> memref<80xi32, #tpu.memory_space<vmem>>
        %dma_start3A_298 = arith.constant 0 : i32
        %dma_start3A_299 = arith.constant 0 : i32
        %dma_start3A_300 = tpu.memref_slice %arg2[%dma_start3A_298, %dma_start3A_299] : memref<10000x64xbf16, #tpu.memory_space<hbm>> -> memref<10000x64xbf16, #tpu.memory_space<hbm>>
        tpu.enqueue_indirect_dma source(%dma_start3A_300 : memref<10000x64xbf16, #tpu.memory_space<hbm>>) target(%arg12 : memref<80x64xbf16, #tpu.memory_space<vmem>>) offsets(%dma_start3A_297 : memref<80xi32, #tpu.memory_space<vmem>>) semaphore(%arg25 : memref<!tpu.dma_semaphore, #tpu.memory_space<semaphore_mem>>)
        %dma_start3A_301 = arith.constant 0 : i32
        %dma_start3A_302 = tpu.memref_slice %arg9[%add3A_294, %dma_start3A_301] : memref<125x80xi32, #tpu.memory_space<vmem>> -> memref<1x80xi32, #tpu.memory_space<vmem>>
        %dma_start3A_303 = tpu.memref_squeeze %dma_start3A_302 : memref<1x80xi32, #tpu.memory_space<vmem>> -> memref<80xi32, #tpu.memory_space<vmem>>
        %dma_start3A_304 = arith.constant 0 : i32
        %dma_start3A_305 = arith.constant 0 : i32
        %dma_start3A_306 = tpu.memref_slice %arg3[%dma_start3A_304, %dma_start3A_305] : memref<10000x64xbf16, #tpu.memory_space<hbm>> -> memref<10000x64xbf16, #tpu.memory_space<hbm>>
        tpu.enqueue_indirect_dma source(%dma_start3A_306 : memref<10000x64xbf16, #tpu.memory_space<hbm>>) target(%arg16 : memref<80x64xbf16, #tpu.memory_space<vmem>>) offsets(%dma_start3A_303 : memref<80xi32, #tpu.memory_space<vmem>>) semaphore(%arg29 : memref<!tpu.dma_semaphore, #tpu.memory_space<semaphore_mem>>)
      } else {
      }
      %mul3A_256 = arith.constant 4 : i32
      %mul3A_257 = arith.muli %mul3A_256, %scan3A_146 : i32
      %add3A_258 = arith.constant 3 : i32
      %add3A_259 = arith.addi %mul3A_257, %add3A_258 : i32
      %dma_wait3A_260 = arith.constant 0 : i32
      %dma_wait3A_261 = tpu.memref_slice %arg8[%add3A_259, %dma_wait3A_260] : memref<125x80xi32, #tpu.memory_space<vmem>> -> memref<1x80xi32, #tpu.memory_space<vmem>>
      %dma_wait3A_262 = tpu.memref_squeeze %dma_wait3A_261 : memref<1x80xi32, #tpu.memory_space<vmem>> -> memref<80xi32, #tpu.memory_space<vmem>>
      %dma_wait3A_263 = arith.constant 0 : i32
      %dma_wait3A_264 = arith.constant 0 : i32
      %dma_wait3A_265 = tpu.memref_slice %arg2[%dma_wait3A_263, %dma_wait3A_264] : memref<10000x64xbf16, #tpu.memory_space<hbm>> -> memref<10000x64xbf16, #tpu.memory_space<hbm>>
      tpu.wait_indirect_dma semaphore(%arg26 : memref<!tpu.dma_semaphore, #tpu.memory_space<semaphore_mem>>) src(%dma_wait3A_265 : memref<10000x64xbf16, #tpu.memory_space<hbm>>) dst(%arg13 : memref<80x64xbf16, #tpu.memory_space<vmem>>)
      %dma_wait3A_266 = arith.constant 0 : i32
      %dma_wait3A_267 = tpu.memref_slice %arg9[%add3A_259, %dma_wait3A_266] : memref<125x80xi32, #tpu.memory_space<vmem>> -> memref<1x80xi32, #tpu.memory_space<vmem>>
      %dma_wait3A_268 = tpu.memref_squeeze %dma_wait3A_267 : memref<1x80xi32, #tpu.memory_space<vmem>> -> memref<80xi32, #tpu.memory_space<vmem>>
      %dma_wait3A_269 = arith.constant 0 : i32
      %dma_wait3A_270 = arith.constant 0 : i32
      %dma_wait3A_271 = tpu.memref_slice %arg3[%dma_wait3A_269, %dma_wait3A_270] : memref<10000x64xbf16, #tpu.memory_space<hbm>> -> memref<10000x64xbf16, #tpu.memory_space<hbm>>
      tpu.wait_indirect_dma semaphore(%arg30 : memref<!tpu.dma_semaphore, #tpu.memory_space<semaphore_mem>>) src(%dma_wait3A_271 : memref<10000x64xbf16, #tpu.memory_space<hbm>>) dst(%arg17 : memref<80x64xbf16, #tpu.memory_space<vmem>>)
      %gt3A_272 = arith.constant 0 : i32
      %gt3A_273 = arith.cmpi sgt, %scan3A_146, %gt3A_272 : i32
      %convert_element_type3A_274 = arith.extui %gt3A_273 : i1 to i32
      %cond3A_275 = arith.constant 0 : i32
      %cond3A_276 = arith.cmpi ne, %convert_element_type3A_274, %cond3A_275 : i32
      scf.if %cond3A_276 {
        %dma_wait3A_293 = arith.constant 0 : i32
        %dma_wait3A_294 = tpu.memref_slice %arg9[%add3A_259, %dma_wait3A_293] : memref<125x80xi32, #tpu.memory_space<vmem>> -> memref<1x80xi32, #tpu.memory_space<vmem>>
        %dma_wait3A_295 = tpu.memref_squeeze %dma_wait3A_294 : memref<1x80xi32, #tpu.memory_space<vmem>> -> memref<80xi32, #tpu.memory_space<vmem>>
        %dma_wait3A_296 = arith.constant 0 : i32
        %dma_wait3A_297 = arith.constant 0 : i32
        %dma_wait3A_298 = tpu.memref_slice %arg22[%dma_wait3A_296, %dma_wait3A_297] : memref<10240x80xf32, #tpu.memory_space<vmem_shared>> -> memref<10240x80xf32, #tpu.memory_space<vmem_shared>>
        tpu.wait_indirect_dma semaphore(%arg34 : memref<!tpu.dma_semaphore, #tpu.memory_space<semaphore_mem>>) src(%arg21 : memref<80x80xf32, #tpu.memory_space<vmem>>) dst(%dma_wait3A_298 : memref<10240x80xf32, #tpu.memory_space<vmem_shared>>)
      } else {
      }
      %parallel_loop3A_277 = arith.constant 0 : i32
      %parallel_loop3A_278 = arith.constant 80 : i32
      %parallel_loop3A_279 = arith.constant 1 : i32
      scf.for %parallel_loop3A_293 = %parallel_loop3A_277 to %parallel_loop3A_278 step %parallel_loop3A_279  : i32 {
        %parallel_loop3A_294 = arith.index_cast %parallel_loop3A_293 : i32 to index
        %parallel_loop3A_295 = arith.constant 0 : index
        %parallel_loop3A_296 = tpu.vector_load %arg13[%parallel_loop3A_294, %parallel_loop3A_295] {strides = array<i32>} : memref<80x64xbf16, #tpu.memory_space<vmem>>, vector<32xbf16>,
        %parallel_loop3A_297 = tpu.unpack_subelements %parallel_loop3A_296, 0 {pack_format = #tpu.pack_format<interleaved>} : vector<32xbf16> -> vector<16xf32>
        %parallel_loop3A_298 = tpu.unpack_subelements %parallel_loop3A_296, 1 {pack_format = #tpu.pack_format<interleaved>} : vector<32xbf16> -> vector<16xf32>
        %parallel_loop3A_299 = arith.index_cast %parallel_loop3A_293 : i32 to index
        %parallel_loop3A_300 = arith.constant 0 : index
        %parallel_loop3A_301 = tpu.vector_load %arg17[%parallel_loop3A_299, %parallel_loop3A_300] {strides = array<i32>} : memref<80x64xbf16, #tpu.memory_space<vmem>>, vector<32xbf16>,
        %parallel_loop3A_302 = tpu.unpack_subelements %parallel_loop3A_301, 0 {pack_format = #tpu.pack_format<interleaved>} : vector<32xbf16> -> vector<16xf32>
        %parallel_loop3A_303 = tpu.unpack_subelements %parallel_loop3A_301, 1 {pack_format = #tpu.pack_format<interleaved>} : vector<32xbf16> -> vector<16xf32>
        %parallel_loop3A_304 = arith.addf %parallel_loop3A_297, %parallel_loop3A_302 : vector<16xf32>
        %parallel_loop3A_305 = arith.constant 0.000000e+00 : f32
        %parallel_loop3A_306 = vector.broadcast %parallel_loop3A_305 : f32 to vector<16xf32>
        %parallel_loop3A_307 = arith.maximumf %parallel_loop3A_304, %parallel_loop3A_306 : vector<16xf32>
        %parallel_loop3A_308 = arith.index_cast %parallel_loop3A_293 : i32 to index
        %parallel_loop3A_309 = arith.constant 0 : index
        %parallel_loop3A_310 = tpu.vector_load %arg21[%parallel_loop3A_308, %parallel_loop3A_309] {strides = array<i32>} : memref<80x80xf32, #tpu.memory_space<vmem>>, vector<16xf32>,
        tpu.vector_store %arg21[%parallel_loop3A_308, %parallel_loop3A_309], %parallel_loop3A_307 {strides = array<i32>} : memref<80x80xf32, #tpu.memory_space<vmem>>, vector<16xf32>,
        %parallel_loop3A_311 = arith.addf %parallel_loop3A_298, %parallel_loop3A_303 : vector<16xf32>
        %parallel_loop3A_312 = arith.constant 0.000000e+00 : f32
        %parallel_loop3A_313 = vector.broadcast %parallel_loop3A_312 : f32 to vector<16xf32>
        %parallel_loop3A_314 = arith.maximumf %parallel_loop3A_311, %parallel_loop3A_313 : vector<16xf32>
        %parallel_loop3A_315 = arith.index_cast %parallel_loop3A_293 : i32 to index
        %parallel_loop3A_316 = arith.constant 16 : index
        %parallel_loop3A_317 = tpu.vector_load %arg21[%parallel_loop3A_315, %parallel_loop3A_316] {strides = array<i32>} : memref<80x80xf32, #tpu.memory_space<vmem>>, vector<16xf32>,
        tpu.vector_store %arg21[%parallel_loop3A_315, %parallel_loop3A_316], %parallel_loop3A_314 {strides = array<i32>} : memref<80x80xf32, #tpu.memory_space<vmem>>, vector<16xf32>,
        %parallel_loop3A_318 = arith.index_cast %parallel_loop3A_293 : i32 to index
        %parallel_loop3A_319 = arith.constant 32 : index
        %parallel_loop3A_320 = tpu.vector_load %arg13[%parallel_loop3A_318, %parallel_loop3A_319] {strides = array<i32>} : memref<80x64xbf16, #tpu.memory_space<vmem>>, vector<32xbf16>,
        %parallel_loop3A_321 = tpu.unpack_subelements %parallel_loop3A_320, 0 {pack_format = #tpu.pack_format<interleaved>} : vector<32xbf16> -> vector<16xf32>
        %parallel_loop3A_322 = tpu.unpack_subelements %parallel_loop3A_320, 1 {pack_format = #tpu.pack_format<interleaved>} : vector<32xbf16> -> vector<16xf32>
        %parallel_loop3A_323 = arith.index_cast %parallel_loop3A_293 : i32 to index
        %parallel_loop3A_324 = arith.constant 32 : index
        %parallel_loop3A_325 = tpu.vector_load %arg17[%parallel_loop3A_323, %parallel_loop3A_324] {strides = array<i32>} : memref<80x64xbf16, #tpu.memory_space<vmem>>, vector<32xbf16>,
        %parallel_loop3A_326 = tpu.unpack_subelements %parallel_loop3A_325, 0 {pack_format = #tpu.pack_format<interleaved>} : vector<32xbf16> -> vector<16xf32>
        %parallel_loop3A_327 = tpu.unpack_subelements %parallel_loop3A_325, 1 {pack_format = #tpu.pack_format<interleaved>} : vector<32xbf16> -> vector<16xf32>
        %parallel_loop3A_328 = arith.addf %parallel_loop3A_321, %parallel_loop3A_326 : vector<16xf32>
        %parallel_loop3A_329 = arith.constant 0.000000e+00 : f32
        %parallel_loop3A_330 = vector.broadcast %parallel_loop3A_329 : f32 to vector<16xf32>
        %parallel_loop3A_331 = arith.maximumf %parallel_loop3A_328, %parallel_loop3A_330 : vector<16xf32>
        %parallel_loop3A_332 = arith.index_cast %parallel_loop3A_293 : i32 to index
        %parallel_loop3A_333 = arith.constant 32 : index
        %parallel_loop3A_334 = tpu.vector_load %arg21[%parallel_loop3A_332, %parallel_loop3A_333] {strides = array<i32>} : memref<80x80xf32, #tpu.memory_space<vmem>>, vector<16xf32>,
        tpu.vector_store %arg21[%parallel_loop3A_332, %parallel_loop3A_333], %parallel_loop3A_331 {strides = array<i32>} : memref<80x80xf32, #tpu.memory_space<vmem>>, vector<16xf32>,
        %parallel_loop3A_335 = arith.addf %parallel_loop3A_322, %parallel_loop3A_327 : vector<16xf32>
        %parallel_loop3A_336 = arith.constant 0.000000e+00 : f32
        %parallel_loop3A_337 = vector.broadcast %parallel_loop3A_336 : f32 to vector<16xf32>
        %parallel_loop3A_338 = arith.maximumf %parallel_loop3A_335, %parallel_loop3A_337 : vector<16xf32>
        %parallel_loop3A_339 = arith.index_cast %parallel_loop3A_293 : i32 to index
        %parallel_loop3A_340 = arith.constant 48 : index
        %parallel_loop3A_341 = tpu.vector_load %arg21[%parallel_loop3A_339, %parallel_loop3A_340] {strides = array<i32>} : memref<80x80xf32, #tpu.memory_space<vmem>>, vector<16xf32>,
        tpu.vector_store %arg21[%parallel_loop3A_339, %parallel_loop3A_340], %parallel_loop3A_338 {strides = array<i32>} : memref<80x80xf32, #tpu.memory_space<vmem>>, vector<16xf32>,
      } {sc.loop_unroll_factor = 8 : i64, sc.parallel_access}
      %dma_start3A_280 = arith.constant 0 : i32
      %dma_start3A_281 = tpu.memref_slice %arg9[%add3A_259, %dma_start3A_280] : memref<125x80xi32, #tpu.memory_space<vmem>> -> memref<1x80xi32, #tpu.memory_space<vmem>>
      %dma_start3A_282 = tpu.memref_squeeze %dma_start3A_281 : memref<1x80xi32, #tpu.memory_space<vmem>> -> memref<80xi32, #tpu.memory_space<vmem>>
      %dma_start3A_283 = arith.constant 0 : i32
      %dma_start3A_284 = arith.constant 0 : i32
      %dma_start3A_285 = tpu.memref_slice %arg22[%dma_start3A_283, %dma_start3A_284] : memref<10240x80xf32, #tpu.memory_space<vmem_shared>> -> memref<10240x80xf32, #tpu.memory_space<vmem_shared>>
      tpu.enqueue_indirect_dma source(%arg21 : memref<80x80xf32, #tpu.memory_space<vmem>>) target(%dma_start3A_285 : memref<10240x80xf32, #tpu.memory_space<vmem_shared>>) offsets(%dma_start3A_282 : memref<80xi32, #tpu.memory_space<vmem>>) semaphore(%arg34 : memref<!tpu.dma_semaphore, #tpu.memory_space<semaphore_mem>>) {add = true}
      %add3A_286 = arith.constant 4 : i32
      %add3A_287 = arith.addi %add3A_259, %add3A_286 : i32
      %lt3A_288 = arith.constant 125 : i32
      %lt3A_289 = arith.cmpi slt, %add3A_287, %lt3A_288 : i32
      %convert_element_type3A_290 = arith.extui %lt3A_289 : i1 to i32
      %cond3A_291 = arith.constant 0 : i32
      %cond3A_292 = arith.cmpi ne, %convert_element_type3A_290, %cond3A_291 : i32
      scf.if %cond3A_292 {
        %add3A_293 = arith.constant 4 : i32
        %add3A_294 = arith.addi %add3A_259, %add3A_293 : i32
        %dma_start3A_295 = arith.constant 0 : i32
        %dma_start3A_296 = tpu.memref_slice %arg8[%add3A_294, %dma_start3A_295] : memref<125x80xi32, #tpu.memory_space<vmem>> -> memref<1x80xi32, #tpu.memory_space<vmem>>
        %dma_start3A_297 = tpu.memref_squeeze %dma_start3A_296 : memref<1x80xi32, #tpu.memory_space<vmem>> -> memref<80xi32, #tpu.memory_space<vmem>>
        %dma_start3A_298 = arith.constant 0 : i32
        %dma_start3A_299 = arith.constant 0 : i32
        %dma_start3A_300 = tpu.memref_slice %arg2[%dma_start3A_298, %dma_start3A_299] : memref<10000x64xbf16, #tpu.memory_space<hbm>> -> memref<10000x64xbf16, #tpu.memory_space<hbm>>
        tpu.enqueue_indirect_dma source(%dma_start3A_300 : memref<10000x64xbf16, #tpu.memory_space<hbm>>) target(%arg13 : memref<80x64xbf16, #tpu.memory_space<vmem>>) offsets(%dma_start3A_297 : memref<80xi32, #tpu.memory_space<vmem>>) semaphore(%arg26 : memref<!tpu.dma_semaphore, #tpu.memory_space<semaphore_mem>>)
        %dma_start3A_301 = arith.constant 0 : i32
        %dma_start3A_302 = tpu.memref_slice %arg9[%add3A_294, %dma_start3A_301] : memref<125x80xi32, #tpu.memory_space<vmem>> -> memref<1x80xi32, #tpu.memory_space<vmem>>
        %dma_start3A_303 = tpu.memref_squeeze %dma_start3A_302 : memref<1x80xi32, #tpu.memory_space<vmem>> -> memref<80xi32, #tpu.memory_space<vmem>>
        %dma_start3A_304 = arith.constant 0 : i32
        %dma_start3A_305 = arith.constant 0 : i32
        %dma_start3A_306 = tpu.memref_slice %arg3[%dma_start3A_304, %dma_start3A_305] : memref<10000x64xbf16, #tpu.memory_space<hbm>> -> memref<10000x64xbf16, #tpu.memory_space<hbm>>
        tpu.enqueue_indirect_dma source(%dma_start3A_306 : memref<10000x64xbf16, #tpu.memory_space<hbm>>) target(%arg17 : memref<80x64xbf16, #tpu.memory_space<vmem>>) offsets(%dma_start3A_303 : memref<80xi32, #tpu.memory_space<vmem>>) semaphore(%arg30 : memref<!tpu.dma_semaphore, #tpu.memory_space<semaphore_mem>>)
      } else {
      }
    }
    %scan3A_79 = arith.constant 31 : i32
    %dma_wait3A = arith.constant 124 : i32
    %dma_wait3A_80 = arith.constant 0 : i32
    %dma_wait3A_81 = tpu.memref_slice %arg8[%dma_wait3A, %dma_wait3A_80] : memref<125x80xi32, #tpu.memory_space<vmem>> -> memref<1x80xi32, #tpu.memory_space<vmem>>
    %dma_wait3A_82 = tpu.memref_squeeze %dma_wait3A_81 : memref<1x80xi32, #tpu.memory_space<vmem>> -> memref<80xi32, #tpu.memory_space<vmem>>
    %dma_wait3A_83 = arith.constant 0 : i32
    %dma_wait3A_84 = arith.constant 0 : i32
    %dma_wait3A_85 = tpu.memref_slice %arg2[%dma_wait3A_83, %dma_wait3A_84] : memref<10000x64xbf16, #tpu.memory_space<hbm>> -> memref<10000x64xbf16, #tpu.memory_space<hbm>>
    tpu.wait_indirect_dma semaphore(%arg23 : memref<!tpu.dma_semaphore, #tpu.memory_space<semaphore_mem>>) src(%dma_wait3A_85 : memref<10000x64xbf16, #tpu.memory_space<hbm>>) dst(%arg10 : memref<80x64xbf16, #tpu.memory_space<vmem>>)
    %dma_wait3A_86 = arith.constant 124 : i32
    %dma_wait3A_87 = arith.constant 0 : i32
    %dma_wait3A_88 = tpu.memref_slice %arg9[%dma_wait3A_86, %dma_wait3A_87] : memref<125x80xi32, #tpu.memory_space<vmem>> -> memref<1x80xi32, #tpu.memory_space<vmem>>
    %dma_wait3A_89 = tpu.memref_squeeze %dma_wait3A_88 : memref<1x80xi32, #tpu.memory_space<vmem>> -> memref<80xi32, #tpu.memory_space<vmem>>
    %dma_wait3A_90 = arith.constant 0 : i32
    %dma_wait3A_91 = arith.constant 0 : i32
    %dma_wait3A_92 = tpu.memref_slice %arg3[%dma_wait3A_90, %dma_wait3A_91] : memref<10000x64xbf16, #tpu.memory_space<hbm>> -> memref<10000x64xbf16, #tpu.memory_space<hbm>>
    tpu.wait_indirect_dma semaphore(%arg27 : memref<!tpu.dma_semaphore, #tpu.memory_space<semaphore_mem>>) src(%dma_wait3A_92 : memref<10000x64xbf16, #tpu.memory_space<hbm>>) dst(%arg14 : memref<80x64xbf16, #tpu.memory_space<vmem>>)
    %dma_wait3A_93 = arith.constant 124 : i32
    %dma_wait3A_94 = arith.constant 0 : i32
    %dma_wait3A_95 = tpu.memref_slice %arg9[%dma_wait3A_93, %dma_wait3A_94] : memref<125x80xi32, #tpu.memory_space<vmem>> -> memref<1x80xi32, #tpu.memory_space<vmem>>
    %dma_wait3A_96 = tpu.memref_squeeze %dma_wait3A_95 : memref<1x80xi32, #tpu.memory_space<vmem>> -> memref<80xi32, #tpu.memory_space<vmem>>
    %dma_wait3A_97 = arith.constant 0 : i32
    %dma_wait3A_98 = arith.constant 0 : i32
    %dma_wait3A_99 = tpu.memref_slice %arg22[%dma_wait3A_97, %dma_wait3A_98] : memref<10240x80xf32, #tpu.memory_space<vmem_shared>> -> memref<10240x80xf32, #tpu.memory_space<vmem_shared>>
    tpu.wait_indirect_dma semaphore(%arg31 : memref<!tpu.dma_semaphore, #tpu.memory_space<semaphore_mem>>) src(%arg18 : memref<80x80xf32, #tpu.memory_space<vmem>>) dst(%dma_wait3A_99 : memref<10240x80xf32, #tpu.memory_space<vmem_shared>>)
    %parallel_loop3A = arith.constant 0 : i32
    %parallel_loop3A_100 = arith.constant 80 : i32
    %parallel_loop3A_101 = arith.constant 1 : i32
    scf.for %parallel_loop3A_146 = %parallel_loop3A to %parallel_loop3A_100 step %parallel_loop3A_101  : i32 {
      %parallel_loop3A_147 = arith.index_cast %parallel_loop3A_146 : i32 to index
      %parallel_loop3A_148 = arith.constant 0 : index
      %parallel_loop3A_149 = tpu.vector_load %arg10[%parallel_loop3A_147, %parallel_loop3A_148] {strides = array<i32>} : memref<80x64xbf16, #tpu.memory_space<vmem>>, vector<32xbf16>,
      %parallel_loop3A_150 = tpu.unpack_subelements %parallel_loop3A_149, 0 {pack_format = #tpu.pack_format<interleaved>} : vector<32xbf16> -> vector<16xf32>
      %parallel_loop3A_151 = tpu.unpack_subelements %parallel_loop3A_149, 1 {pack_format = #tpu.pack_format<interleaved>} : vector<32xbf16> -> vector<16xf32>
      %parallel_loop3A_152 = arith.index_cast %parallel_loop3A_146 : i32 to index
      %parallel_loop3A_153 = arith.constant 0 : index
      %parallel_loop3A_154 = tpu.vector_load %arg14[%parallel_loop3A_152, %parallel_loop3A_153] {strides = array<i32>} : memref<80x64xbf16, #tpu.memory_space<vmem>>, vector<32xbf16>,
      %parallel_loop3A_155 = tpu.unpack_subelements %parallel_loop3A_154, 0 {pack_format = #tpu.pack_format<interleaved>} : vector<32xbf16> -> vector<16xf32>
      %parallel_loop3A_156 = tpu.unpack_subelements %parallel_loop3A_154, 1 {pack_format = #tpu.pack_format<interleaved>} : vector<32xbf16> -> vector<16xf32>
      %parallel_loop3A_157 = arith.addf %parallel_loop3A_150, %parallel_loop3A_155 : vector<16xf32>
      %parallel_loop3A_158 = arith.constant 0.000000e+00 : f32
      %parallel_loop3A_159 = vector.broadcast %parallel_loop3A_158 : f32 to vector<16xf32>
      %parallel_loop3A_160 = arith.maximumf %parallel_loop3A_157, %parallel_loop3A_159 : vector<16xf32>
      %parallel_loop3A_161 = arith.index_cast %parallel_loop3A_146 : i32 to index
      %parallel_loop3A_162 = arith.constant 0 : index
      %parallel_loop3A_163 = tpu.vector_load %arg18[%parallel_loop3A_161, %parallel_loop3A_162] {strides = array<i32>} : memref<80x80xf32, #tpu.memory_space<vmem>>, vector<16xf32>,
      tpu.vector_store %arg18[%parallel_loop3A_161, %parallel_loop3A_162], %parallel_loop3A_160 {strides = array<i32>} : memref<80x80xf32, #tpu.memory_space<vmem>>, vector<16xf32>,
      %parallel_loop3A_164 = arith.addf %parallel_loop3A_151, %parallel_loop3A_156 : vector<16xf32>
      %parallel_loop3A_165 = arith.constant 0.000000e+00 : f32
      %parallel_loop3A_166 = vector.broadcast %parallel_loop3A_165 : f32 to vector<16xf32>
      %parallel_loop3A_167 = arith.maximumf %parallel_loop3A_164, %parallel_loop3A_166 : vector<16xf32>
      %parallel_loop3A_168 = arith.index_cast %parallel_loop3A_146 : i32 to index
      %parallel_loop3A_169 = arith.constant 16 : index
      %parallel_loop3A_170 = tpu.vector_load %arg18[%parallel_loop3A_168, %parallel_loop3A_169] {strides = array<i32>} : memref<80x80xf32, #tpu.memory_space<vmem>>, vector<16xf32>,
      tpu.vector_store %arg18[%parallel_loop3A_168, %parallel_loop3A_169], %parallel_loop3A_167 {strides = array<i32>} : memref<80x80xf32, #tpu.memory_space<vmem>>, vector<16xf32>,
      %parallel_loop3A_171 = arith.index_cast %parallel_loop3A_146 : i32 to index
      %parallel_loop3A_172 = arith.constant 32 : index
      %parallel_loop3A_173 = tpu.vector_load %arg10[%parallel_loop3A_171, %parallel_loop3A_172] {strides = array<i32>} : memref<80x64xbf16, #tpu.memory_space<vmem>>, vector<32xbf16>,
      %parallel_loop3A_174 = tpu.unpack_subelements %parallel_loop3A_173, 0 {pack_format = #tpu.pack_format<interleaved>} : vector<32xbf16> -> vector<16xf32>
      %parallel_loop3A_175 = tpu.unpack_subelements %parallel_loop3A_173, 1 {pack_format = #tpu.pack_format<interleaved>} : vector<32xbf16> -> vector<16xf32>
      %parallel_loop3A_176 = arith.index_cast %parallel_loop3A_146 : i32 to index
      %parallel_loop3A_177 = arith.constant 32 : index
      %parallel_loop3A_178 = tpu.vector_load %arg14[%parallel_loop3A_176, %parallel_loop3A_177] {strides = array<i32>} : memref<80x64xbf16, #tpu.memory_space<vmem>>, vector<32xbf16>,
      %parallel_loop3A_179 = tpu.unpack_subelements %parallel_loop3A_178, 0 {pack_format = #tpu.pack_format<interleaved>} : vector<32xbf16> -> vector<16xf32>
      %parallel_loop3A_180 = tpu.unpack_subelements %parallel_loop3A_178, 1 {pack_format = #tpu.pack_format<interleaved>} : vector<32xbf16> -> vector<16xf32>
      %parallel_loop3A_181 = arith.addf %parallel_loop3A_174, %parallel_loop3A_179 : vector<16xf32>
      %parallel_loop3A_182 = arith.constant 0.000000e+00 : f32
      %parallel_loop3A_183 = vector.broadcast %parallel_loop3A_182 : f32 to vector<16xf32>
      %parallel_loop3A_184 = arith.maximumf %parallel_loop3A_181, %parallel_loop3A_183 : vector<16xf32>
      %parallel_loop3A_185 = arith.index_cast %parallel_loop3A_146 : i32 to index
      %parallel_loop3A_186 = arith.constant 32 : index
      %parallel_loop3A_187 = tpu.vector_load %arg18[%parallel_loop3A_185, %parallel_loop3A_186] {strides = array<i32>} : memref<80x80xf32, #tpu.memory_space<vmem>>, vector<16xf32>,
      tpu.vector_store %arg18[%parallel_loop3A_185, %parallel_loop3A_186], %parallel_loop3A_184 {strides = array<i32>} : memref<80x80xf32, #tpu.memory_space<vmem>>, vector<16xf32>,
      %parallel_loop3A_188 = arith.addf %parallel_loop3A_175, %parallel_loop3A_180 : vector<16xf32>
      %parallel_loop3A_189 = arith.constant 0.000000e+00 : f32
      %parallel_loop3A_190 = vector.broadcast %parallel_loop3A_189 : f32 to vector<16xf32>
      %parallel_loop3A_191 = arith.maximumf %parallel_loop3A_188, %parallel_loop3A_190 : vector<16xf32>
      %parallel_loop3A_192 = arith.index_cast %parallel_loop3A_146 : i32 to index
      %parallel_loop3A_193 = arith.constant 48 : index
      %parallel_loop3A_194 = tpu.vector_load %arg18[%parallel_loop3A_192, %parallel_loop3A_193] {strides = array<i32>} : memref<80x80xf32, #tpu.memory_space<vmem>>, vector<16xf32>,
      tpu.vector_store %arg18[%parallel_loop3A_192, %parallel_loop3A_193], %parallel_loop3A_191 {strides = array<i32>} : memref<80x80xf32, #tpu.memory_space<vmem>>, vector<16xf32>,
    } {sc.loop_unroll_factor = 8 : i64, sc.parallel_access}
    %dma_start3A_102 = arith.constant 124 : i32
    %dma_start3A_103 = arith.constant 0 : i32
    %dma_start3A_104 = tpu.memref_slice %arg9[%dma_start3A_102, %dma_start3A_103] : memref<125x80xi32, #tpu.memory_space<vmem>> -> memref<1x80xi32, #tpu.memory_space<vmem>>
    %dma_start3A_105 = tpu.memref_squeeze %dma_start3A_104 : memref<1x80xi32, #tpu.memory_space<vmem>> -> memref<80xi32, #tpu.memory_space<vmem>>
    %dma_start3A_106 = arith.constant 0 : i32
    %dma_start3A_107 = arith.constant 0 : i32
    %dma_start3A_108 = tpu.memref_slice %arg22[%dma_start3A_106, %dma_start3A_107] : memref<10240x80xf32, #tpu.memory_space<vmem_shared>> -> memref<10240x80xf32, #tpu.memory_space<vmem_shared>>
    tpu.enqueue_indirect_dma source(%arg18 : memref<80x80xf32, #tpu.memory_space<vmem>>) target(%dma_start3A_108 : memref<10240x80xf32, #tpu.memory_space<vmem_shared>>) offsets(%dma_start3A_105 : memref<80xi32, #tpu.memory_space<vmem>>) semaphore(%arg31 : memref<!tpu.dma_semaphore, #tpu.memory_space<semaphore_mem>>) {add = true}
    %dma_wait3A_109 = arith.constant 124 : i32
    %dma_wait3A_110 = arith.constant 0 : i32
    %dma_wait3A_111 = tpu.memref_slice %arg9[%dma_wait3A_109, %dma_wait3A_110] : memref<125x80xi32, #tpu.memory_space<vmem>> -> memref<1x80xi32, #tpu.memory_space<vmem>>
    %dma_wait3A_112 = tpu.memref_squeeze %dma_wait3A_111 : memref<1x80xi32, #tpu.memory_space<vmem>> -> memref<80xi32, #tpu.memory_space<vmem>>
    %dma_wait3A_113 = arith.constant 0 : i32
    %dma_wait3A_114 = arith.constant 0 : i32
    %dma_wait3A_115 = tpu.memref_slice %arg22[%dma_wait3A_113, %dma_wait3A_114] : memref<10240x80xf32, #tpu.memory_space<vmem_shared>> -> memref<10240x80xf32, #tpu.memory_space<vmem_shared>>
    tpu.wait_indirect_dma semaphore(%arg31 : memref<!tpu.dma_semaphore, #tpu.memory_space<semaphore_mem>>) src(%arg18 : memref<80x80xf32, #tpu.memory_space<vmem>>) dst(%dma_wait3A_115 : memref<10240x80xf32, #tpu.memory_space<vmem_shared>>)
    %dma_wait3A_116 = arith.constant 124 : i32
    %dma_wait3A_117 = arith.constant 0 : i32
    %dma_wait3A_118 = tpu.memref_slice %arg9[%dma_wait3A_116, %dma_wait3A_117] : memref<125x80xi32, #tpu.memory_space<vmem>> -> memref<1x80xi32, #tpu.memory_space<vmem>>
    %dma_wait3A_119 = tpu.memref_squeeze %dma_wait3A_118 : memref<1x80xi32, #tpu.memory_space<vmem>> -> memref<80xi32, #tpu.memory_space<vmem>>
    %dma_wait3A_120 = arith.constant 0 : i32
    %dma_wait3A_121 = arith.constant 0 : i32
    %dma_wait3A_122 = tpu.memref_slice %arg22[%dma_wait3A_120, %dma_wait3A_121] : memref<10240x80xf32, #tpu.memory_space<vmem_shared>> -> memref<10240x80xf32, #tpu.memory_space<vmem_shared>>
    tpu.wait_indirect_dma semaphore(%arg32 : memref<!tpu.dma_semaphore, #tpu.memory_space<semaphore_mem>>) src(%arg19 : memref<80x80xf32, #tpu.memory_space<vmem>>) dst(%dma_wait3A_122 : memref<10240x80xf32, #tpu.memory_space<vmem_shared>>)
    %dma_wait3A_123 = arith.constant 124 : i32
    %dma_wait3A_124 = arith.constant 0 : i32
    %dma_wait3A_125 = tpu.memref_slice %arg9[%dma_wait3A_123, %dma_wait3A_124] : memref<125x80xi32, #tpu.memory_space<vmem>> -> memref<1x80xi32, #tpu.memory_space<vmem>>
    %dma_wait3A_126 = tpu.memref_squeeze %dma_wait3A_125 : memref<1x80xi32, #tpu.memory_space<vmem>> -> memref<80xi32, #tpu.memory_space<vmem>>
    %dma_wait3A_127 = arith.constant 0 : i32
    %dma_wait3A_128 = arith.constant 0 : i32
    %dma_wait3A_129 = tpu.memref_slice %arg22[%dma_wait3A_127, %dma_wait3A_128] : memref<10240x80xf32, #tpu.memory_space<vmem_shared>> -> memref<10240x80xf32, #tpu.memory_space<vmem_shared>>
    tpu.wait_indirect_dma semaphore(%arg33 : memref<!tpu.dma_semaphore, #tpu.memory_space<semaphore_mem>>) src(%arg20 : memref<80x80xf32, #tpu.memory_space<vmem>>) dst(%dma_wait3A_129 : memref<10240x80xf32, #tpu.memory_space<vmem_shared>>)
    %dma_wait3A_130 = arith.constant 124 : i32
    %dma_wait3A_131 = arith.constant 0 : i32
    %dma_wait3A_132 = tpu.memref_slice %arg9[%dma_wait3A_130, %dma_wait3A_131] : memref<125x80xi32, #tpu.memory_space<vmem>> -> memref<1x80xi32, #tpu.memory_space<vmem>>
    %dma_wait3A_133 = tpu.memref_squeeze %dma_wait3A_132 : memref<1x80xi32, #tpu.memory_space<vmem>> -> memref<80xi32, #tpu.memory_space<vmem>>
    %dma_wait3A_134 = arith.constant 0 : i32
    %dma_wait3A_135 = arith.constant 0 : i32
    %dma_wait3A_136 = tpu.memref_slice %arg22[%dma_wait3A_134, %dma_wait3A_135] : memref<10240x80xf32, #tpu.memory_space<vmem_shared>> -> memref<10240x80xf32, #tpu.memory_space<vmem_shared>>
    tpu.wait_indirect_dma semaphore(%arg34 : memref<!tpu.dma_semaphore, #tpu.memory_space<semaphore_mem>>) src(%arg21 : memref<80x80xf32, #tpu.memory_space<vmem>>) dst(%dma_wait3A_136 : memref<10240x80xf32, #tpu.memory_space<vmem_shared>>)
    %barrier3A_137 = arith.constant 0 : index
    tpu.barrier barrier_id(%barrier3A_137)
    %eq3A_138 = arith.constant 0 : i32
    %eq3A_139 = arith.cmpi eq, %arg0, %eq3A_138 : i32
    %convert_element_type3A = arith.extui %eq3A_139 : i1 to i32
    %cond3A = arith.constant 0 : i32
    %cond3A_140 = arith.cmpi ne, %convert_element_type3A, %cond3A : i32
    scf.if %cond3A_140 {
      %mul3A_146 = arith.constant 640 : i32
      %mul3A_147 = arith.muli %arg1, %mul3A_146 : i32
      %mul3A_148 = arith.constant 640 : i32
      %mul3A_149 = arith.muli %arg1, %mul3A_148 : i32
      "tpu.region"() ({
        %run_scoped3A_150 = tpu.sem_alloc : memref<!tpu.dma_semaphore, #tpu.memory_space<semaphore_mem>>
        %dma_start3A_151 = arith.constant 0 : i32
        %dma_start3A_152 = tpu.memref_slice %arg6[%mul3A_149, %dma_start3A_151] : memref<10240x80xf32, #tpu.memory_space<hbm>> -> memref<640x80xf32, #tpu.memory_space<hbm>>
        %dma_start3A_153 = arith.constant 0 : i32
        %dma_start3A_154 = tpu.memref_slice %arg22[%mul3A_147, %dma_start3A_153] : memref<10240x80xf32, #tpu.memory_space<vmem_shared>> -> memref<640x80xf32, #tpu.memory_space<vmem_shared>>
        tpu.enqueue_dma source(%dma_start3A_154 : memref<640x80xf32, #tpu.memory_space<vmem_shared>>) target(%dma_start3A_152 : memref<640x80xf32, #tpu.memory_space<hbm>>) target_semaphore(%run_scoped3A_150 : memref<!tpu.dma_semaphore, #tpu.memory_space<semaphore_mem>>)
        %dma_wait3A_155 = arith.constant 0 : i32
        %dma_wait3A_156 = tpu.memref_slice %arg6[%mul3A_149, %dma_wait3A_155] : memref<10240x80xf32, #tpu.memory_space<hbm>> -> memref<640x80xf32, #tpu.memory_space<hbm>>
        %dma_wait3A_157 = arith.constant 0 : i32
        %dma_wait3A_158 = tpu.memref_slice %arg22[%mul3A_147, %dma_wait3A_157] : memref<10240x80xf32, #tpu.memory_space<vmem_shared>> -> memref<640x80xf32, #tpu.memory_space<vmem_shared>>
        tpu.wait_dma2 semaphore(%run_scoped3A_150 : memref<!tpu.dma_semaphore, #tpu.memory_space<semaphore_mem>>) src(%dma_wait3A_158 : memref<640x80xf32, #tpu.memory_space<vmem_shared>>) dst(%dma_wait3A_156 : memref<640x80xf32, #tpu.memory_space<hbm>>)
        tpu.yield
      }) : () -> ()
    } else {
    }
    %eq3A_141 = arith.constant 1 : i32
    %eq3A_142 = arith.cmpi eq, %arg0, %eq3A_141 : i32
    %convert_element_type3A_143 = arith.extui %eq3A_142 : i1 to i32
    %cond3A_144 = arith.constant 0 : i32
    %cond3A_145 = arith.cmpi ne, %convert_element_type3A_143, %cond3A_144 : i32
    scf.if %cond3A_145 {
      %mul3A_146 = arith.constant 640 : i32
      %mul3A_147 = arith.muli %arg1, %mul3A_146 : i32
      %mul3A_148 = arith.constant 640 : i32
      %mul3A_149 = arith.muli %arg1, %mul3A_148 : i32
      "tpu.region"() ({
        %run_scoped3A_150 = tpu.sem_alloc : memref<!tpu.dma_semaphore, #tpu.memory_space<semaphore_mem>>
        %dma_start3A_151 = arith.constant 0 : i32
        %dma_start3A_152 = tpu.memref_slice %arg7[%mul3A_149, %dma_start3A_151] : memref<10240x80xf32, #tpu.memory_space<hbm>> -> memref<640x80xf32, #tpu.memory_space<hbm>>
        %dma_start3A_153 = arith.constant 0 : i32
        %dma_start3A_154 = tpu.memref_slice %arg22[%mul3A_147, %dma_start3A_153] : memref<10240x80xf32, #tpu.memory_space<vmem_shared>> -> memref<640x80xf32, #tpu.memory_space<vmem_shared>>
        tpu.enqueue_dma source(%dma_start3A_154 : memref<640x80xf32, #tpu.memory_space<vmem_shared>>) target(%dma_start3A_152 : memref<640x80xf32, #tpu.memory_space<hbm>>) target_semaphore(%run_scoped3A_150 : memref<!tpu.dma_semaphore, #tpu.memory_space<semaphore_mem>>)
        %dma_wait3A_155 = arith.constant 0 : i32
        %dma_wait3A_156 = tpu.memref_slice %arg7[%mul3A_149, %dma_wait3A_155] : memref<10240x80xf32, #tpu.memory_space<hbm>> -> memref<640x80xf32, #tpu.memory_space<hbm>>
        %dma_wait3A_157 = arith.constant 0 : i32
        %dma_wait3A_158 = tpu.memref_slice %arg22[%mul3A_147, %dma_wait3A_157] : memref<10240x80xf32, #tpu.memory_space<vmem_shared>> -> memref<640x80xf32, #tpu.memory_space<vmem_shared>>
        tpu.wait_dma2 semaphore(%run_scoped3A_150 : memref<!tpu.dma_semaphore, #tpu.memory_space<semaphore_mem>>) src(%dma_wait3A_158 : memref<640x80xf32, #tpu.memory_space<vmem_shared>>) dst(%dma_wait3A_156 : memref<640x80xf32, #tpu.memory_space<hbm>>)
        tpu.yield
      }) : () -> ()
    } else {
    }
    return
  }
}

module attributes {stable_mosaic.version = 14 : i64} {
  func.func @_enc_body(%arg0: i32, %arg1: memref<2000x128xf32, #tpu.memory_space<vmem>>, %arg2: memref<128x64xf32, #tpu.memory_space<vmem>>, %arg3: memref<1x64xf32, #tpu.memory_space<vmem>>, %arg4: memref<64x64xf32, #tpu.memory_space<vmem>>, %arg5: memref<1x64xf32, #tpu.memory_space<vmem>>, %arg6: memref<128x64xf32, #tpu.memory_space<vmem>>, %arg7: memref<1x64xf32, #tpu.memory_space<vmem>>, %arg8: memref<2000x64xf32, #tpu.memory_space<vmem>>, %arg9: memref<2000x64xbf16, #tpu.memory_space<vmem>>, %arg10: memref<2000x64xbf16, #tpu.memory_space<vmem>>) attributes {dimension_semantics = [#tpu.dimension_semantics<arbitrary>], iteration_bounds = array<i64: 5>, scalar_prefetch = 0 : i64, scratch_operands = 0 : i64, tpu.core_type = #tpu.core_type<tc>, window_params = [{transform_indices = @transform_0, window_bounds = array<i64: 2000, 128>}, {pipeline_mode = #tpu.pipeline_mode<synchronous>, transform_indices = @transform_1, window_bounds = array<i64: 128, 64>}, {pipeline_mode = #tpu.pipeline_mode<synchronous>, transform_indices = @transform_2, window_bounds = array<i64: 1, 64>}, {pipeline_mode = #tpu.pipeline_mode<synchronous>, transform_indices = @transform_3, window_bounds = array<i64: 64, 64>}, {pipeline_mode = #tpu.pipeline_mode<synchronous>, transform_indices = @transform_4, window_bounds = array<i64: 1, 64>}, {pipeline_mode = #tpu.pipeline_mode<synchronous>, transform_indices = @transform_5, window_bounds = array<i64: 128, 64>}, {pipeline_mode = #tpu.pipeline_mode<synchronous>, transform_indices = @transform_6, window_bounds = array<i64: 1, 64>}, {transform_indices = @transform_7, window_bounds = array<i64: 2000, 64>}, {transform_indices = @transform_8, window_bounds = array<i64: 2000, 64>}, {transform_indices = @transform_9, window_bounds = array<i64: 2000, 64>}]} {
    %get3A = arith.constant 0 : index
    %get3A_0 = arith.constant 0 : index
    %get3A_1 = vector.load %arg1[%get3A, %get3A_0] : memref<2000x128xf32, #tpu.memory_space<vmem>>, vector<2000x128xf32>
    %get3A_2 = arith.constant 0 : index
    %get3A_3 = arith.constant 0 : index
    %get3A_4 = vector.load %arg2[%get3A_2, %get3A_3] : memref<128x64xf32, #tpu.memory_space<vmem>>, vector<128x64xf32>
    %dot_general3A = arith.constant dense<0.000000e+00> : vector<2000x64xf32>
    %dot_general3A_5 = tpu.matmul %get3A_1, %get3A_4, %dot_general3A {dimension_numbers = #tpu.dot_dimension_numbers<[1], [0], [0], [1], [0, 0, 1, 1], [], []>, transpose_lhs_hint = false} : vector<2000x128xf32>, vector<128x64xf32>, vector<2000x64xf32> -> vector<2000x64xf32>
    %get3A_6 = arith.constant 0 : index
    %get3A_7 = arith.constant 0 : index
    %get3A_8 = vector.load %arg3[%get3A_6, %get3A_7] : memref<1x64xf32, #tpu.memory_space<vmem>>, vector<1x64xf32>
    %add3A = vector.broadcast %get3A_8 : vector<1x64xf32> to vector<2000x64xf32>
    %add3A_9 = arith.addf %dot_general3A_5, %add3A : vector<2000x64xf32>
    %max3A = arith.constant 0.000000e+00 : f32
    %max3A_10 = vector.broadcast %max3A : f32 to vector<2000x64xf32>
    %max3A_11 = arith.maximumf %add3A_9, %max3A_10 : vector<2000x64xf32>
    %get3A_12 = arith.constant 0 : index
    %get3A_13 = arith.constant 0 : index
    %get3A_14 = vector.load %arg4[%get3A_12, %get3A_13] : memref<64x64xf32, #tpu.memory_space<vmem>>, vector<64x64xf32>
    %dot_general3A_15 = arith.constant dense<0.000000e+00> : vector<2000x64xf32>
    %dot_general3A_16 = tpu.matmul %max3A_11, %get3A_14, %dot_general3A_15 {dimension_numbers = #tpu.dot_dimension_numbers<[1], [0], [0], [1], [0, 0, 1, 1], [], []>, transpose_lhs_hint = false} : vector<2000x64xf32>, vector<64x64xf32>, vector<2000x64xf32> -> vector<2000x64xf32>
    %get3A_17 = arith.constant 0 : index
    %get3A_18 = arith.constant 0 : index
    %get3A_19 = vector.load %arg5[%get3A_17, %get3A_18] : memref<1x64xf32, #tpu.memory_space<vmem>>, vector<1x64xf32>
    %add3A_20 = vector.broadcast %get3A_19 : vector<1x64xf32> to vector<2000x64xf32>
    %add3A_21 = arith.addf %dot_general3A_16, %add3A_20 : vector<2000x64xf32>
    %swap3A = arith.constant 0 : index
    %swap3A_22 = arith.constant 0 : index
    %swap3A_23 = vector.load %arg8[%swap3A, %swap3A_22] : memref<2000x64xf32, #tpu.memory_space<vmem>>, vector<2000x64xf32>
    tpu.vector_store %arg8[%swap3A, %swap3A_22], %add3A_21 {strides = array<i32>} : memref<2000x64xf32, #tpu.memory_space<vmem>>, vector<2000x64xf32>,
    %get3A_24 = arith.constant 0 : index
    %get3A_25 = arith.constant 0 : index
    %get3A_26 = vector.load %arg6[%get3A_24, %get3A_25] : memref<128x64xf32, #tpu.memory_space<vmem>>, vector<128x64xf32>
    %slice3A = vector.extract_strided_slice %get3A_26 {offsets = [0, 0], sizes = [64, 64], strides = [1, 1]} : vector<128x64xf32> to vector<64x64xf32>
    %dot_general3A_27 = arith.constant dense<0.000000e+00> : vector<2000x64xf32>
    %dot_general3A_28 = tpu.matmul %add3A_21, %slice3A, %dot_general3A_27 {dimension_numbers = #tpu.dot_dimension_numbers<[1], [0], [0], [1], [0, 0, 1, 1], [], []>, transpose_lhs_hint = false} : vector<2000x64xf32>, vector<64x64xf32>, vector<2000x64xf32> -> vector<2000x64xf32>
    %get3A_29 = arith.constant 0 : index
    %get3A_30 = arith.constant 0 : index
    %get3A_31 = vector.load %arg7[%get3A_29, %get3A_30] : memref<1x64xf32, #tpu.memory_space<vmem>>, vector<1x64xf32>
    %add3A_32 = vector.broadcast %get3A_31 : vector<1x64xf32> to vector<2000x64xf32>
    %add3A_33 = arith.addf %dot_general3A_28, %add3A_32 : vector<2000x64xf32>
    %convert_element_type3A = arith.truncf %add3A_33 : vector<2000x64xf32> to vector<2000x64xbf16>
    %swap3A_34 = arith.constant 0 : index
    %swap3A_35 = arith.constant 0 : index
    %swap3A_36 = vector.load %arg9[%swap3A_34, %swap3A_35] : memref<2000x64xbf16, #tpu.memory_space<vmem>>, vector<2000x64xbf16>
    tpu.vector_store %arg9[%swap3A_34, %swap3A_35], %convert_element_type3A {strides = array<i32>} : memref<2000x64xbf16, #tpu.memory_space<vmem>>, vector<2000x64xbf16>,
    %slice3A_37 = vector.extract_strided_slice %get3A_26 {offsets = [64, 0], sizes = [64, 64], strides = [1, 1]} : vector<128x64xf32> to vector<64x64xf32>
    %dot_general3A_38 = arith.constant dense<0.000000e+00> : vector<2000x64xf32>
    %dot_general3A_39 = tpu.matmul %add3A_21, %slice3A_37, %dot_general3A_38 {dimension_numbers = #tpu.dot_dimension_numbers<[1], [0], [0], [1], [0, 0, 1, 1], [], []>, transpose_lhs_hint = false} : vector<2000x64xf32>, vector<64x64xf32>, vector<2000x64xf32> -> vector<2000x64xf32>
    %convert_element_type3A_40 = arith.truncf %dot_general3A_39 : vector<2000x64xf32> to vector<2000x64xbf16>
    %swap3A_41 = arith.constant 0 : index
    %swap3A_42 = arith.constant 0 : index
    %swap3A_43 = vector.load %arg10[%swap3A_41, %swap3A_42] : memref<2000x64xbf16, #tpu.memory_space<vmem>>, vector<2000x64xbf16>
    tpu.vector_store %arg10[%swap3A_41, %swap3A_42], %convert_element_type3A_40 {strides = array<i32>} : memref<2000x64xbf16, #tpu.memory_space<vmem>>, vector<2000x64xbf16>,
    return
  }
  func.func @transform_0(%arg0: i32) -> (i32, i32) {
    %c0_i32 = arith.constant 0 : i32
    %c0_i32_0 = arith.constant 0 : i32
    return %arg0, %c0_i32 : i32, i32
  }
  func.func @transform_1(%arg0: i32) -> (i32, i32) {
    %c0_i32 = arith.constant 0 : i32
    %c0_i32_0 = arith.constant 0 : i32
    %c0_i32_1 = arith.constant 0 : i32
    return %c0_i32, %c0_i32_0 : i32, i32
  }
  func.func @transform_2(%arg0: i32) -> (i32, i32) {
    %c0_i32 = arith.constant 0 : i32
    %c0_i32_0 = arith.constant 0 : i32
    %c0_i32_1 = arith.constant 0 : i32
    return %c0_i32, %c0_i32_0 : i32, i32
  }
  func.func @transform_3(%arg0: i32) -> (i32, i32) {
    %c0_i32 = arith.constant 0 : i32
    %c0_i32_0 = arith.constant 0 : i32
    %c0_i32_1 = arith.constant 0 : i32
    return %c0_i32, %c0_i32_0 : i32, i32
  }
  func.func @transform_4(%arg0: i32) -> (i32, i32) {
    %c0_i32 = arith.constant 0 : i32
    %c0_i32_0 = arith.constant 0 : i32
    %c0_i32_1 = arith.constant 0 : i32
    return %c0_i32, %c0_i32_0 : i32, i32
  }
  func.func @transform_5(%arg0: i32) -> (i32, i32) {
    %c0_i32 = arith.constant 0 : i32
    %c0_i32_0 = arith.constant 0 : i32
    %c0_i32_1 = arith.constant 0 : i32
    return %c0_i32, %c0_i32_0 : i32, i32
  }
  func.func @transform_6(%arg0: i32) -> (i32, i32) {
    %c0_i32 = arith.constant 0 : i32
    %c0_i32_0 = arith.constant 0 : i32
    %c0_i32_1 = arith.constant 0 : i32
    return %c0_i32, %c0_i32_0 : i32, i32
  }
  func.func @transform_7(%arg0: i32) -> (i32, i32) {
    %c0_i32 = arith.constant 0 : i32
    %c0_i32_0 = arith.constant 0 : i32
    return %arg0, %c0_i32 : i32, i32
  }
  func.func @transform_8(%arg0: i32) -> (i32, i32) {
    %c0_i32 = arith.constant 0 : i32
    %c0_i32_0 = arith.constant 0 : i32
    return %arg0, %c0_i32 : i32, i32
  }
  func.func @transform_9(%arg0: i32) -> (i32, i32) {
    %c0_i32 = arith.constant 0 : i32
    %c0_i32_0 = arith.constant 0 : i32
    return %arg0, %c0_i32 : i32, i32
  }
}

module attributes {stable_mosaic.version = 14 : i64} {
  func.func @_upd_body(%arg0: i32, %arg1: memref<2000x64xf32, #tpu.memory_space<vmem>>, %arg2: memref<2000x80xf32, #tpu.memory_space<vmem>>, %arg3: memref<2000x80xf32, #tpu.memory_space<vmem>>, %arg4: memref<64x64xf32, #tpu.memory_space<vmem>>, %arg5: memref<1x64xf32, #tpu.memory_space<vmem>>, %arg6: memref<128x64xf32, #tpu.memory_space<vmem>>, %arg7: memref<1x64xf32, #tpu.memory_space<vmem>>, %arg8: memref<64x32xf32, #tpu.memory_space<vmem>>, %arg9: memref<1x32xf32, #tpu.memory_space<vmem>>, %arg10: memref<32x64xf32, #tpu.memory_space<vmem>>, %arg11: memref<1x64xf32, #tpu.memory_space<vmem>>, %arg12: memref<64x16xf32, #tpu.memory_space<vmem>>, %arg13: memref<1x16xf32, #tpu.memory_space<vmem>>, %arg14: memref<16x4xf32, #tpu.memory_space<vmem>>, %arg15: memref<1x4xf32, #tpu.memory_space<vmem>>, %arg16: memref<2000x32xf32, #tpu.memory_space<vmem>>, %arg17: memref<2000x4xf32, #tpu.memory_space<vmem>>) attributes {dimension_semantics = [#tpu.dimension_semantics<arbitrary>], iteration_bounds = array<i64: 5>, scalar_prefetch = 0 : i64, scratch_operands = 0 : i64, tpu.core_type = #tpu.core_type<tc>, window_params = [{transform_indices = @transform_0, window_bounds = array<i64: 2000, 64>}, {transform_indices = @transform_1, window_bounds = array<i64: 2000, 80>}, {transform_indices = @transform_2, window_bounds = array<i64: 2000, 80>}, {pipeline_mode = #tpu.pipeline_mode<synchronous>, transform_indices = @transform_3, window_bounds = array<i64: 64, 64>}, {pipeline_mode = #tpu.pipeline_mode<synchronous>, transform_indices = @transform_4, window_bounds = array<i64: 1, 64>}, {pipeline_mode = #tpu.pipeline_mode<synchronous>, transform_indices = @transform_5, window_bounds = array<i64: 128, 64>}, {pipeline_mode = #tpu.pipeline_mode<synchronous>, transform_indices = @transform_6, window_bounds = array<i64: 1, 64>}, {pipeline_mode = #tpu.pipeline_mode<synchronous>, transform_indices = @transform_7, window_bounds = array<i64: 64, 32>}, {pipeline_mode = #tpu.pipeline_mode<synchronous>, transform_indices = @transform_8, window_bounds = array<i64: 1, 32>}, {pipeline_mode = #tpu.pipeline_mode<synchronous>, transform_indices = @transform_9, window_bounds = array<i64: 32, 64>}, {pipeline_mode = #tpu.pipeline_mode<synchronous>, transform_indices = @transform_10, window_bounds = array<i64: 1, 64>}, {pipeline_mode = #tpu.pipeline_mode<synchronous>, transform_indices = @transform_11, window_bounds = array<i64: 64, 16>}, {pipeline_mode = #tpu.pipeline_mode<synchronous>, transform_indices = @transform_12, window_bounds = array<i64: 1, 16>}, {pipeline_mode = #tpu.pipeline_mode<synchronous>, transform_indices = @transform_13, window_bounds = array<i64: 16, 4>}, {pipeline_mode = #tpu.pipeline_mode<synchronous>, transform_indices = @transform_14, window_bounds = array<i64: 1, 4>}, {transform_indices = @transform_15, window_bounds = array<i64: 2000, 32>}, {transform_indices = @transform_16, window_bounds = array<i64: 2000, 4>}]} {
    %get3A = arith.constant 0 : index
    %get3A_0 = arith.constant 0 : index
    %get3A_1 = vector.load %arg2[%get3A, %get3A_0] : memref<2000x80xf32, #tpu.memory_space<vmem>>, vector<2000x80xf32>
    %get3A_2 = arith.constant 0 : index
    %get3A_3 = arith.constant 0 : index
    %get3A_4 = vector.load %arg3[%get3A_2, %get3A_3] : memref<2000x80xf32, #tpu.memory_space<vmem>>, vector<2000x80xf32>
    %add3A = arith.addf %get3A_1, %get3A_4 : vector<2000x80xf32>
    %slice3A = vector.extract_strided_slice %add3A {offsets = [0, 0], sizes = [2000, 64], strides = [1, 1]} : vector<2000x80xf32> to vector<2000x64xf32>
    %slice3A_5 = vector.extract_strided_slice %add3A {offsets = [0, 64], sizes = [2000, 1], strides = [1, 1]} : vector<2000x80xf32> to vector<2000x1xf32>
    %gt3A = arith.constant 0.000000e+00 : f32
    %gt3A_6 = vector.broadcast %gt3A : f32 to vector<2000x1xf32>
    %gt3A_7 = arith.cmpf ogt, %slice3A_5, %gt3A_6 : vector<2000x1xf32>
    %convert_element_type3A = arith.extui %gt3A_7 : vector<2000x1xi1> to vector<2000x1xi32>
    %convert_element_type3A_8 = arith.sitofp %convert_element_type3A : vector<2000x1xi32> to vector<2000x1xf32>
    %max3A = arith.constant 1.000000e+00 : f32
    %max3A_9 = vector.broadcast %max3A : f32 to vector<2000x1xf32>
    %max3A_10 = arith.maximumf %slice3A_5, %max3A_9 : vector<2000x1xf32>
    %div3A = arith.divf %convert_element_type3A_8, %max3A_10 : vector<2000x1xf32>
    %mul3A = vector.broadcast %div3A : vector<2000x1xf32> to vector<2000x64xf32>
    %mul3A_11 = arith.mulf %slice3A, %mul3A : vector<2000x64xf32>
    %get3A_12 = arith.constant 0 : index
    %get3A_13 = arith.constant 0 : index
    %get3A_14 = vector.load %arg4[%get3A_12, %get3A_13] : memref<64x64xf32, #tpu.memory_space<vmem>>, vector<64x64xf32>
    %dot_general3A = arith.constant dense<0.000000e+00> : vector<2000x64xf32>
    %dot_general3A_15 = tpu.matmul %mul3A_11, %get3A_14, %dot_general3A {dimension_numbers = #tpu.dot_dimension_numbers<[1], [0], [0], [1], [0, 0, 1, 1], [], []>, transpose_lhs_hint = false} : vector<2000x64xf32>, vector<64x64xf32>, vector<2000x64xf32> -> vector<2000x64xf32>
    %get3A_16 = arith.constant 0 : index
    %get3A_17 = arith.constant 0 : index
    %get3A_18 = vector.load %arg5[%get3A_16, %get3A_17] : memref<1x64xf32, #tpu.memory_space<vmem>>, vector<1x64xf32>
    %mul3A_19 = vector.broadcast %convert_element_type3A_8 : vector<2000x1xf32> to vector<2000x64xf32>
    %mul3A_20 = vector.broadcast %get3A_18 : vector<1x64xf32> to vector<2000x64xf32>
    %mul3A_21 = arith.mulf %mul3A_19, %mul3A_20 : vector<2000x64xf32>
    %add3A_22 = arith.addf %dot_general3A_15, %mul3A_21 : vector<2000x64xf32>
    %get3A_23 = arith.constant 0 : index
    %get3A_24 = arith.constant 0 : index
    %get3A_25 = vector.load %arg1[%get3A_23, %get3A_24] : memref<2000x64xf32, #tpu.memory_space<vmem>>, vector<2000x64xf32>
    %get3A_26 = arith.constant 0 : index
    %get3A_27 = arith.constant 0 : index
    %get3A_28 = vector.load %arg6[%get3A_26, %get3A_27] : memref<128x64xf32, #tpu.memory_space<vmem>>, vector<128x64xf32>
    %slice3A_29 = vector.extract_strided_slice %get3A_28 {offsets = [0, 0], sizes = [64, 64], strides = [1, 1]} : vector<128x64xf32> to vector<64x64xf32>
    %dot_general3A_30 = arith.constant dense<0.000000e+00> : vector<2000x64xf32>
    %dot_general3A_31 = tpu.matmul %get3A_25, %slice3A_29, %dot_general3A_30 {dimension_numbers = #tpu.dot_dimension_numbers<[1], [0], [0], [1], [0, 0, 1, 1], [], []>, transpose_lhs_hint = false} : vector<2000x64xf32>, vector<64x64xf32>, vector<2000x64xf32> -> vector<2000x64xf32>
    %slice3A_32 = vector.extract_strided_slice %get3A_28 {offsets = [64, 0], sizes = [64, 64], strides = [1, 1]} : vector<128x64xf32> to vector<64x64xf32>
    %dot_general3A_33 = arith.constant dense<0.000000e+00> : vector<2000x64xf32>
    %dot_general3A_34 = tpu.matmul %add3A_22, %slice3A_32, %dot_general3A_33 {dimension_numbers = #tpu.dot_dimension_numbers<[1], [0], [0], [1], [0, 0, 1, 1], [], []>, transpose_lhs_hint = false} : vector<2000x64xf32>, vector<64x64xf32>, vector<2000x64xf32> -> vector<2000x64xf32>
    %add3A_35 = arith.addf %dot_general3A_31, %dot_general3A_34 : vector<2000x64xf32>
    %get3A_36 = arith.constant 0 : index
    %get3A_37 = arith.constant 0 : index
    %get3A_38 = vector.load %arg7[%get3A_36, %get3A_37] : memref<1x64xf32, #tpu.memory_space<vmem>>, vector<1x64xf32>
    %add3A_39 = vector.broadcast %get3A_38 : vector<1x64xf32> to vector<2000x64xf32>
    %add3A_40 = arith.addf %add3A_35, %add3A_39 : vector<2000x64xf32>
    %max3A_41 = arith.constant 0.000000e+00 : f32
    %max3A_42 = vector.broadcast %max3A_41 : f32 to vector<2000x64xf32>
    %max3A_43 = arith.maximumf %add3A_40, %max3A_42 : vector<2000x64xf32>
    %get3A_44 = arith.constant 0 : index
    %get3A_45 = arith.constant 0 : index
    %get3A_46 = vector.load %arg8[%get3A_44, %get3A_45] : memref<64x32xf32, #tpu.memory_space<vmem>>, vector<64x32xf32>
    %dot_general3A_47 = arith.constant dense<0.000000e+00> : vector<2000x32xf32>
    %dot_general3A_48 = tpu.matmul %max3A_43, %get3A_46, %dot_general3A_47 {dimension_numbers = #tpu.dot_dimension_numbers<[1], [0], [0], [1], [0, 0, 1, 1], [], []>, transpose_lhs_hint = false} : vector<2000x64xf32>, vector<64x32xf32>, vector<2000x32xf32> -> vector<2000x32xf32>
    %get3A_49 = arith.constant 0 : index
    %get3A_50 = arith.constant 0 : index
    %get3A_51 = vector.load %arg9[%get3A_49, %get3A_50] : memref<1x32xf32, #tpu.memory_space<vmem>>, vector<1x32xf32>
    %add3A_52 = vector.broadcast %get3A_51 : vector<1x32xf32> to vector<2000x32xf32>
    %add3A_53 = arith.addf %dot_general3A_48, %add3A_52 : vector<2000x32xf32>
    %swap3A = arith.constant 0 : index
    %swap3A_54 = arith.constant 0 : index
    %swap3A_55 = vector.load %arg16[%swap3A, %swap3A_54] : memref<2000x32xf32, #tpu.memory_space<vmem>>, vector<2000x32xf32>
    tpu.vector_store %arg16[%swap3A, %swap3A_54], %add3A_53 {strides = array<i32>} : memref<2000x32xf32, #tpu.memory_space<vmem>>, vector<2000x32xf32>,
    %get3A_56 = arith.constant 0 : index
    %get3A_57 = arith.constant 0 : index
    %get3A_58 = vector.load %arg10[%get3A_56, %get3A_57] : memref<32x64xf32, #tpu.memory_space<vmem>>, vector<32x64xf32>
    %dot_general3A_59 = arith.constant dense<0.000000e+00> : vector<2000x64xf32>
    %dot_general3A_60 = tpu.matmul %add3A_53, %get3A_58, %dot_general3A_59 {dimension_numbers = #tpu.dot_dimension_numbers<[1], [0], [0], [1], [0, 0, 1, 1], [], []>, transpose_lhs_hint = false} : vector<2000x32xf32>, vector<32x64xf32>, vector<2000x64xf32> -> vector<2000x64xf32>
    %get3A_61 = arith.constant 0 : index
    %get3A_62 = arith.constant 0 : index
    %get3A_63 = vector.load %arg11[%get3A_61, %get3A_62] : memref<1x64xf32, #tpu.memory_space<vmem>>, vector<1x64xf32>
    %add3A_64 = vector.broadcast %get3A_63 : vector<1x64xf32> to vector<2000x64xf32>
    %add3A_65 = arith.addf %dot_general3A_60, %add3A_64 : vector<2000x64xf32>
    %max3A_66 = arith.constant 0.000000e+00 : f32
    %max3A_67 = vector.broadcast %max3A_66 : f32 to vector<2000x64xf32>
    %max3A_68 = arith.maximumf %add3A_65, %max3A_67 : vector<2000x64xf32>
    %get3A_69 = arith.constant 0 : index
    %get3A_70 = arith.constant 0 : index
    %get3A_71 = vector.load %arg12[%get3A_69, %get3A_70] : memref<64x16xf32, #tpu.memory_space<vmem>>, vector<64x16xf32>
    %dot_general3A_72 = arith.constant dense<0.000000e+00> : vector<2000x16xf32>
    %dot_general3A_73 = tpu.matmul %max3A_68, %get3A_71, %dot_general3A_72 {dimension_numbers = #tpu.dot_dimension_numbers<[1], [0], [0], [1], [0, 0, 1, 1], [], []>, transpose_lhs_hint = false} : vector<2000x64xf32>, vector<64x16xf32>, vector<2000x16xf32> -> vector<2000x16xf32>
    %get3A_74 = arith.constant 0 : index
    %get3A_75 = arith.constant 0 : index
    %get3A_76 = vector.load %arg13[%get3A_74, %get3A_75] : memref<1x16xf32, #tpu.memory_space<vmem>>, vector<1x16xf32>
    %add3A_77 = vector.broadcast %get3A_76 : vector<1x16xf32> to vector<2000x16xf32>
    %add3A_78 = arith.addf %dot_general3A_73, %add3A_77 : vector<2000x16xf32>
    %max3A_79 = arith.constant 0.000000e+00 : f32
    %max3A_80 = vector.broadcast %max3A_79 : f32 to vector<2000x16xf32>
    %max3A_81 = arith.maximumf %add3A_78, %max3A_80 : vector<2000x16xf32>
    %get3A_82 = arith.constant 0 : index
    %get3A_83 = arith.constant 0 : index
    %get3A_84 = vector.load %arg14[%get3A_82, %get3A_83] : memref<16x4xf32, #tpu.memory_space<vmem>>, vector<16x4xf32>
    %dot_general3A_85 = arith.constant dense<0.000000e+00> : vector<2000x4xf32>
    %dot_general3A_86 = tpu.matmul %max3A_81, %get3A_84, %dot_general3A_85 {dimension_numbers = #tpu.dot_dimension_numbers<[1], [0], [0], [1], [0, 0, 1, 1], [], []>, transpose_lhs_hint = false} : vector<2000x16xf32>, vector<16x4xf32>, vector<2000x4xf32> -> vector<2000x4xf32>
    %get3A_87 = arith.constant 0 : index
    %get3A_88 = arith.constant 0 : index
    %get3A_89 = vector.load %arg15[%get3A_87, %get3A_88] : memref<1x4xf32, #tpu.memory_space<vmem>>, vector<1x4xf32>
    %add3A_90 = vector.broadcast %get3A_89 : vector<1x4xf32> to vector<2000x4xf32>
    %add3A_91 = arith.addf %dot_general3A_86, %add3A_90 : vector<2000x4xf32>
    %swap3A_92 = arith.constant 0 : index
    %swap3A_93 = arith.constant 0 : index
    %swap3A_94 = vector.load %arg17[%swap3A_92, %swap3A_93] : memref<2000x4xf32, #tpu.memory_space<vmem>>, vector<2000x4xf32>
    tpu.vector_store %arg17[%swap3A_92, %swap3A_93], %add3A_91 {strides = array<i32>} : memref<2000x4xf32, #tpu.memory_space<vmem>>, vector<2000x4xf32>,
    return
  }
  func.func @transform_0(%arg0: i32) -> (i32, i32) {
    %c0_i32 = arith.constant 0 : i32
    %c0_i32_0 = arith.constant 0 : i32
    return %arg0, %c0_i32 : i32, i32
  }
  func.func @transform_1(%arg0: i32) -> (i32, i32) {
    %c0_i32 = arith.constant 0 : i32
    %c0_i32_0 = arith.constant 0 : i32
    return %arg0, %c0_i32 : i32, i32
  }
  func.func @transform_2(%arg0: i32) -> (i32, i32) {
    %c0_i32 = arith.constant 0 : i32
    %c0_i32_0 = arith.constant 0 : i32
    return %arg0, %c0_i32 : i32, i32
  }
  func.func @transform_3(%arg0: i32) -> (i32, i32) {
    %c0_i32 = arith.constant 0 : i32
    %c0_i32_0 = arith.constant 0 : i32
    %c0_i32_1 = arith.constant 0 : i32
    return %c0_i32, %c0_i32_0 : i32, i32
  }
  func.func @transform_4(%arg0: i32) -> (i32, i32) {
    %c0_i32 = arith.constant 0 : i32
    %c0_i32_0 = arith.constant 0 : i32
    %c0_i32_1 = arith.constant 0 : i32
    return %c0_i32, %c0_i32_0 : i32, i32
  }
  func.func @transform_5(%arg0: i32) -> (i32, i32) {
    %c0_i32 = arith.constant 0 : i32
    %c0_i32_0 = arith.constant 0 : i32
    %c0_i32_1 = arith.constant 0 : i32
    return %c0_i32, %c0_i32_0 : i32, i32
  }
  func.func @transform_6(%arg0: i32) -> (i32, i32) {
    %c0_i32 = arith.constant 0 : i32
    %c0_i32_0 = arith.constant 0 : i32
    %c0_i32_1 = arith.constant 0 : i32
    return %c0_i32, %c0_i32_0 : i32, i32
  }
  func.func @transform_7(%arg0: i32) -> (i32, i32) {
    %c0_i32 = arith.constant 0 : i32
    %c0_i32_0 = arith.constant 0 : i32
    %c0_i32_1 = arith.constant 0 : i32
    return %c0_i32, %c0_i32_0 : i32, i32
  }
  func.func @transform_8(%arg0: i32) -> (i32, i32) {
    %c0_i32 = arith.constant 0 : i32
    %c0_i32_0 = arith.constant 0 : i32
    %c0_i32_1 = arith.constant 0 : i32
    return %c0_i32, %c0_i32_0 : i32, i32
  }
  func.func @transform_9(%arg0: i32) -> (i32, i32) {
    %c0_i32 = arith.constant 0 : i32
    %c0_i32_0 = arith.constant 0 : i32
    %c0_i32_1 = arith.constant 0 : i32
    return %c0_i32, %c0_i32_0 : i32, i32
  }
  func.func @transform_10(%arg0: i32) -> (i32, i32) {
    %c0_i32 = arith.constant 0 : i32
    %c0_i32_0 = arith.constant 0 : i32
    %c0_i32_1 = arith.constant 0 : i32
    return %c0_i32, %c0_i32_0 : i32, i32
  }
  func.func @transform_11(%arg0: i32) -> (i32, i32) {
    %c0_i32 = arith.constant 0 : i32
    %c0_i32_0 = arith.constant 0 : i32
    %c0_i32_1 = arith.constant 0 : i32
    return %c0_i32, %c0_i32_0 : i32, i32
  }
  func.func @transform_12(%arg0: i32) -> (i32, i32) {
    %c0_i32 = arith.constant 0 : i32
    %c0_i32_0 = arith.constant 0 : i32
    %c0_i32_1 = arith.constant 0 : i32
    return %c0_i32, %c0_i32_0 : i32, i32
  }
  func.func @transform_13(%arg0: i32) -> (i32, i32) {
    %c0_i32 = arith.constant 0 : i32
    %c0_i32_0 = arith.constant 0 : i32
    %c0_i32_1 = arith.constant 0 : i32
    return %c0_i32, %c0_i32_0 : i32, i32
  }
  func.func @transform_14(%arg0: i32) -> (i32, i32) {
    %c0_i32 = arith.constant 0 : i32
    %c0_i32_0 = arith.constant 0 : i32
    %c0_i32_1 = arith.constant 0 : i32
    return %c0_i32, %c0_i32_0 : i32, i32
  }
  func.func @transform_15(%arg0: i32) -> (i32, i32) {
    %c0_i32 = arith.constant 0 : i32
    %c0_i32_0 = arith.constant 0 : i32
    return %arg0, %c0_i32 : i32, i32
  }
  func.func @transform_16(%arg0: i32) -> (i32, i32) {
    %c0_i32 = arith.constant 0 : i32
    %c0_i32_0 = arith.constant 0 : i32
    return %arg0, %c0_i32 : i32, i32
  }
}

</mosaic_0001>

<sc_bundles>
// kernel: kernel.5.cloned.1.call-start
scs
__scs_entry_jumppad:
0x0: {  	(pc) =	sbr.rel $0x88, $3  }
0x1: {  	(tag) =	ssettag $0x0;
	lr =	simm.s32 $0x1  }
0x2: {  	[smem:$0x3F8D] =	sst lr;
	_ =	strace $0xD0000000  }
0x3: {  	_ = 	snop  }
0x4: {  	_ = 	snop  }
0x5: {  	_ = 	snop  }
0x6: {  	_ = 	snop  }
0x7: {  	_ = 	snop  }
__scs_overlays_trampoline_lowered:
0x8: {  	[smem:$0x3F9C] =	sst s0  }
0x9: {  	[smem:$0x3F9D] =	sst s1  }
0xa: {  	[smem:$0x3F9E] =	sst s2  }
0xb: {  	[smem:$0x3F9F] =	sst s3  }
0xc: {  	[smem:$0x3FA0] =	sst s4  }
0xd: {  	[smem:$0x3FA1] =	sst s5  }
0xe: {  	[smem:$0x3FA2] =	sst s6  }
0xf: {  	[smem:$0x3FA3] =	sst s7  }
0x10: {  	[smem:$0x3FA4] =	sst s8  }
0x11: {  	[smem:$0x3FA5] =	sst s9;
	s0 =	simm.s32 @!p0 $0x0  }
0x12: {  	s1 =	sld [smem:$0x3F8B];
	s0 =	simm.s32 @p0 $0x1  }
0x13: {  	[smem:$0x3FA6] =	sst s0;
	s0 =	simm.s32 @!p1 $0x0  }
0x14: {  	s2 =	sld [smem:$0x3F8A];
	s0 =	simm.s32 @p1 $0x1  }
0x15: {  	[smem:$0x3FA7] =	sst s0;
	s0 =	simm.s32 @!p2 $0x0  }
0x16: {  	s3 =	sld [smem:$0x3FDB];
	s0 =	simm.s32 @p2 $0x1  }
0x17: {  	s4 =	simm.s32 $0x1BF5;
	[smem:$0x3FA9] =	sst s0  }
0x18: {  	s0 =	sld [smem:$0x3F8C];
	_ =	swait.ge [sflag:s4], $0x0  }
0x19: {  	s7 =	sld [smem:$0x3F8D]  }
0x1a: {  	s8 =	sadd.s32 $0xFFFFE003, lr  }
0x1b: {  	s9 =	sadd.s32 $0xFFFFFEF7, lr;
	s5 =	simm.s32 $0xFFFFFFFF;
	p2 =	slt.u32 s8, $0xFFFFF086  }
0x1c: {  	p1 =	slt.u32 s9, $0xF7A;
	s5 =	simm.s32 @!p2 $0x0  }
0x1d: {  	s5 =	simm.s32 @p1 $0x1;
	p0 =	seq.s32 s7, s2  }
0x1e: {  	s7 =	smul.u32 @!p0 $0xF7A, s2;
	p2 =	seq.s32 @!p0 s5, $0x0  }
0x1f: {  	s9 =	smul.u32 $0xF7A, s1;
	s8 =	simm.s32 @!p0 $0x1BF5;
	p2 =	por !p2, p0  }
0x20: {  	[sflag:s8] =	ssyncset.s32 @!p0 $0xFFFFF086;
	s6 =	sadd.s32 @!p0 s3, s7;
	s7 =	simm.s32 @!p0 $0x108  }
0x21: {  	s3 =	sadd.s32 s3, s9;
	s6 =	sadd.s32 @!p0 $0x88, s6;
	s7 =	simm.s32 @p2 $0x1082  }
0x22: {  	[simem:s7], [sflag:s8] =	dma.local @!p0 [hbm:s6], $0xF7A  }
0x23: {  	s9 =	sor.u32 $0xD0000000, s2;
	s6 =	simm.s32 $0x108;
	_ =	swait.ge @!p0 [sflag:s8], $0x0  }
0x24: {  	s3 =	sadd.s32 $0x88, s3;
	s6 =	simm.s32 @!p1 $0x1082;
	[sflag:s4] =	ssyncset.s32 $0xFFFFF086  }
0x25: {  	[simem:s6], [sflag:s4] =	dma.local [hbm:s3], $0xF7A  }
0x26: {  	[smem:$0x3F8D] =	sst s1;
	(tag) =	ssettag s2;
	_ =	strace s9  }
0x27: {  	s1 =	sld [smem:$0x3F9D]  }
0x28: {  	s2 =	sld [smem:$0x3F9E]  }
0x29: {  	s4 =	sld [smem:$0x3FA0]  }
0x2a: {  	p0 =	seq.s32 s5, $0x0;
	s5 =	sld [smem:$0x3FA1]  }
0x2b: {  	s6 =	sld [smem:$0x3FA2]  }
0x2c: {  	s7 =	sld [smem:$0x3FA3]  }
0x2d: {  	s3 =	simm.s32 $0x108;
	s8 =	sld [smem:$0x3FA4]  }
0x2e: {  	s3 =	simm.s32 @!p0 $0x1082;
	s9 =	sld [smem:$0x3FA5]  }
0x2f: {  	lr =	sadd.s32 s0, s3;
	s0 =	sld [smem:$0x3F9C]  }
0x30: {  	s3 =	sld [smem:$0x3F9F]  }
0x31: {  	[smem:$0x3FA8] =	sst s10  }
0x32: {  	s10 =	sld [smem:$0x3FA6];
	_ =	sdelay $0x3  }
0x33: {  	p0 =	seq.s32 s10, $0x1;
	s10 =	sld [smem:$0x3FA8];
	_ =	sdelay $0x3  }
0x34: {  	[smem:$0x3FA8] =	sst s10  }
0x35: {  	s10 =	sld [smem:$0x3FA7];
	_ =	sdelay $0x3  }
0x36: {  	p1 =	seq.s32 s10, $0x1;
	s10 =	sld [smem:$0x3FA8];
	_ =	sdelay $0x3  }
0x37: {  	[smem:$0x3FA8] =	sst s10  }
0x38: {  	s10 =	sld [smem:$0x3FA9]  }
0x39: {  	_ = 	snop;
	(pc) =	sbr.ind lr, $3  }
0x3a: {  	_ = 	snop  }
0x3b: {  	_ = 	snop  }
0x3c: {  	p2 =	seq.s32 s10, $0x1;
	s10 =	sld [smem:$0x3FA8]  }
0x3d: {  	_ =	shalt  }
0x3e: {  	_ =	shalt  }
0x3f: {  	_ =	shalt  }
0x40: {  	_ =	shalt  }
0x41: {  	_ =	shalt  }
0x42: {  	_ =	shalt  }
0x43: {  	_ =	shalt  }
0x44: {  	_ =	shalt  }
0x45: {  	_ =	shalt  }
0x46: {  	_ =	shalt  }
0x47: {  	_ =	shalt  }
0x48: {  	_ =	shalt  }
0x49: {  	_ =	shalt  }
0x4a: {  	_ =	shalt  }
0x4b: {  	_ =	shalt  }
0x4c: {  	_ =	shalt  }
0x4d: {  	_ =	shalt  }
0x4e: {  	_ =	shalt  }
0x4f: {  	_ =	shalt  }
0x50: {  	_ =	shalt  }
0x51: {  	_ =	shalt  }
0x52: {  	_ =	shalt  }
0x53: {  	_ =	shalt  }
0x54: {  	_ =	shalt  }
0x55: {  	_ =	shalt  }
0x56: {  	_ =	shalt  }
0x57: {  	_ =	shalt  }
0x58: {  	_ =	shalt  }
0x59: {  	_ =	shalt  }
0x5a: {  	_ =	shalt  }
0x5b: {  	_ =	shalt  }
0x5c: {  	_ =	shalt  }
0x5d: {  	_ =	shalt  }
0x5e: {  	_ =	shalt  }
0x5f: {  	_ =	shalt  }
0x60: {  	_ =	shalt  }
0x61: {  	_ =	shalt  }
0x62: {  	_ =	shalt  }
0x63: {  	_ =	shalt  }
0x64: {  	_ =	shalt  }
0x65: {  	_ =	shalt  }
0x66: {  	_ =	shalt  }
0x67: {  	_ =	shalt  }
0x68: {  	_ =	shalt  }
0x69: {  	_ =	shalt  }
0x6a: {  	_ =	shalt  }
0x6b: {  	_ =	shalt  }
0x6c: {  	_ =	shalt  }
0x6d: {  	_ =	shalt  }
0x6e: {  	_ =	shalt  }
0x6f: {  	_ =	shalt  }
0x70: {  	_ =	shalt  }
0x71: {  	_ =	shalt  }
0x72: {  	_ =	shalt  }
0x73: {  	_ =	shalt  }
0x74: {  	_ =	shalt  }
0x75: {  	_ =	shalt  }
0x76: {  	_ =	shalt  }
0x77: {  	_ =	shalt  }
0x78: {  	_ =	shalt  }
0x79: {  	_ =	shalt  }
0x7a: {  	_ =	shalt  }
0x7b: {  	_ =	shalt  }
0x7c: {  	_ =	shalt  }
0x7d: {  	_ =	shalt  }
0x7e: {  	_ =	shalt  }
0x7f: {  	_ =	shalt  }
0x80: {  	_ =	shalt  }
0x81: {  	_ =	shalt  }
0x82: {  	_ =	shalt  }
0x83: {  	_ =	shalt  }
0x84: {  	_ =	shalt  }
0x85: {  	_ =	shalt  }
0x86: {  	_ =	shalt  }
0x87: {  	_ =	shalt  }
.Lfunc_end0:
.L_simem_size_0:
called_computation_lowered:
.L_overlay_start_0:
0x88: {  	s2 =	sld [smem:$0x3FD9]  }
0x89: {  	s3 =	sld [smem:$0x3FFE];
	_ =	sdelay $0x1  }
0x8a: {  	s1 =	srdreg.scid  }
0x8b: {  	s0 =	sand.u32 $0x1, s1  }
0x8c: {  	s14 =	sshll.u32 s0, $0xA;
	s2 =	sadd.s32 s3, s2  }
0x8d: {  	s2 =	sadd.s32 s2, s14  }
0x8e: {  	[smem:$0x3FB4] =	sst s2  }
0x8f: {  	_ = 	snop  }
0x90: {  	s2 =	sld [smem:$0x3FD0];
	_ =	sdelay $0x2  }
0x91: {  	s15 =	simm.s32 $0xA;
	s4 =	simm.s32 $0x10  }
0x92: {  	[smem:s4], [sflag:s15] =	dma.local [hbm:s2], $0x1  }
0x93: {  	_ =	swait.eq [sflag:s15], $0x1  }
0x94: {  	[sflag:s15] =	ssyncset.done $0x0  }
0x95: {  	[sflag:s15] =	ssyncadd.s32 $0xFFFFFFFF  }
0x96: {  	s16 =	sld [smem:$0x10];
	(tm) =	ssettm $0x1  }
0x97: {  	s17 =	sld [smem:$0x3FFB];
	_ =	sdelay $0x3  }
0x98: {  	_ =	strace s17  }
0x99: {  	s3 =	sld [smem:$0x3FFC];
	_ =	sdelay $0x3  }
0x9a: {  	_ =	strace s3  }
0x9b: {  	s3 =	sld [smem:$0x3FFD];
	_ =	sdelay $0x3  }
0x9c: {  	_ =	strace s3  }
0x9d: {  	_ =	strace $0x8FFFFFFF  }
0x9e: {  	s18 =	sld [smem:$0x3FDB];
	_ =	sdelay $0x1  }
0x9f: {  	s19 =	simm.s32 $_scs_section_size  }
0xa0: {  	s5 =	simm.s32 $_size__tile_overlayer_lowered;
	s6 =	simm.s32 $_tile_overlayer_lowered  }
0xa1: {  	s22 =	simm.s32 $0x1BFF;
	s21 =	sshll.u32 s6, $0x1;
	s3 =	sadd.s32 s19, s18  }
0xa2: {  	s7 =	simm.s32 $0x0;
	s20 =	sshll.u32 s5, $0x1;
	s5 =	sadd.s32 s21, s3  }
0xa3: {  	[timem:s7], [sflag:s22] =	dma.local [hbm:s5], s20  }
0xa4: {  	_ =	swait.ge [sflag:s22], s20  }
0xa5: {  	s4 =	ssub.s32 $0x0, s20;
	[sflag:s22] =	ssyncset.done $0x0  }
0xa6: {  	[sflag:s22] =	ssyncadd.s32 s4;
	_ =	sdelay $0x1  }
0xa7: {  	s23 =	simm.s32 $0x1B8B  }
0xa8: {  	_ =	swait.ge [sflag:s23], $0x1  }
0xa9: {  	[sflag:s23] =	ssyncset.done $0x0  }
0xaa: {  	s25 =	simm.s32 $0x1B8E;
	s24 =	sld [smem:$0x3FFE];
	[sflag:s23] =	ssyncadd.s32 $0xFFFFFFFF  }
0xab: {  	s26 =	simm.s32 $execute0_lowered;
	[smem:$0x3FD2] =	sst s25  }
0xac: {  	s5 =	sshll.u32 s26, $0x1;
	_ =	strace $0x80000046;
	[dreg:$0x1] =	wrdreg $0xFFFFFFFF  }
0xad: {  	s28 =	simm.s32 $_size_execute0_lowered;
	s3 =	sadd.s32 s3, s5;
	[dreg:$0x0] =	wrdreg $0x0  }
0xae: {  	s5 =	sshll.u32 s28, $0x1;
	[dreg:$0x2] =	wrdreg s3  }
0xaf: {  	[dreg:$0x3] =	wrdreg s5  }
0xb0: {  	[dreg:$0x4] =	wrdreg $0xC0  }
0xb1: {  	_ =	task [dreg:s7], $0x5FFFF  }
0xb2: {  	[dreg:$0x1] =	wrdreg $0xFFFFFFFF  }
0xb3: {  	[dreg:$0x0] =	wrdreg $0x60  }
0xb4: {  	[dreg:$0x2] =	wrdreg s16  }
0xb5: {  	[dreg:$0x3] =	wrdreg s24  }
0xb6: {  	[dreg:$0x4] =	wrdreg $0x102200  }
0xb7: {  	[dreg:$0x5] =	wrdreg $0x9  }
0xb8: {  	_ =	task.clear_ibuf [dreg:s7], $0x6FFFF;
	_ =	strace $0x90000046  }
0xb9: {  	s29 =	simm.s32 $0x9;
	_ =	strace $0x80000048  }
0xba: {  	_ =	swait.ge [sflag:s29], $0x1  }
0xbb: {  	[sflag:s29] =	ssyncadd.s32 $0xFFFFFFFF  }
0xbc: {  	_ =	strace $0x90000048  }
0xbd: {  	_ =	sfence  }
0xbe: {  	s30 =	sld [smem:$0x0];
	_ =	sdelay $0x2  }
0xbf: {  	s31 =	sshll.u32 s1, $0xD;
	s1 =	sshrl.u32 s1, $0x2  }
0xc0: {  	s3 =	sand.u32 $0x4000, s31;
	s1 =	sadd.s32 s1, s30  }
0xc1: {  	s0 =	sor.u32 s3, s0;
	s1 =	sshll.u32 s1, $0x11  }
0xc2: {  	s0 =	sor.u32 s1, s0  }
0xc3: {  	s0 =	sadd.s32 $0x8F2B, s0  }
0xc4: {  	[sflag:s0] =	ssyncadd.remote.s32 $0x1  }
0xc5: {  	_ =	sfence.sel $0xFFFF  }
0xc6: {  	[dreg:$0x0] =	wrdreg $0xFFFFFFFF;
	(pc) =	sbr.abs _section_cstart, $3  }
0xc7: {  	[dreg:$0x1] =	wrdreg $0xFFFFFFFF  }
0xc8: {  	_ =	task.clear_ibuf [dreg:s7], $0x2FFFF;
	_ =	strace $0x9FFFFFFF  }
0xc9: {  	(tm) =	ssettm $0x7FFFFFFF  }
tec
execute0_lowered:
.L_overlay_start_1:
0x0: {  	(tag) =	ssettag $0x1  }
0x1: {  	s0 =	rddreg [dreg:$0x0]  }
0x2: {  	s2 =	rddreg [dreg:$0x1]  }
0x3: {  	s1 =	srdreg.scid;
	s3 =	rddreg [dreg:$0x2]  }
0x4: {  	s10 =	stileid.u32;
	s5 =	simm.s32 $0x0;
	s13 =	simm.s32 $0xD  }
0x5: {  	s15 =	simm.s32 $0x50;
	s16 =	simm.s32 $0x4E20;
	s17 =	simm.s32 $0x7620  }
0x6: {  	s29 =	simm.s32 $0x9420;
	s30 =	simm.s32 $0x1;
	s31 =	simm.s32 $0x5  }
0x7: {  	s18 =	simm.s32 $0x6;
	s19 =	simm.s32 $0xB720;
	s20 =	simm.s32 $0x3  }
0x8: {  	s21 =	simm.s32 $0x7;
	s22 =	simm.s32 $0xD020;
	s28 =	simm.s32 $0x9  }
0x9: {  	s1 =	sand.u32 $0x1, s1;
	[smem:$0x7FF] =	sst s5;
	s6 =	smul.u32 $0xC800, s10  }
0xa: {  	s5 =	sadd.s32 $0x16C00, s2;
	s23 =	sshll.u32 s10, $0x6;
	s4 =	sshll.u32 s1, $0x4  }
0xb: {  	_ =	strace $0x80000047;
	s7 =	ssub.s32 $0x2, s1;
	p0 =	seq.s32 s1, $0x1  }
0xc: {  	s1 =	simm.s32 $0x39A00;
	s4 =	sor.u32 s10, s4;
	s8 =	sshrl.u32 s6, $0x3  }
0xd: {  	s9 =	sshrl.u32 s7, $0x1;
	s6 =	sadd.s32 s6, s3;
	s4 =	smul.u32 $0x2710, s4  }
0xe: {  	s7 =	ssub.s32 s7, s9;
	s9 =	sor.u32 $0x1C0D, s23;
	s6 =	sshrl.u32 s6, $0x3  }
0xf: {  	s26 =	smax.u32 s7, $0x1;
	[dreg:$0x5] =	wrdreg s9;
	s4 =	sshrl.u32 s4, $0x3  }
0x10: {  	[dreg:$0xa] =	wrdreg s6;
	s4 =	sadd.s32 s4, s2;
	s2 =	sadd.s32 s8, s2  }
0x11: {  	s1 =	simm.s32 @!p0 $0x52A00;
	[dreg:$0x8] =	wrdreg s26;
	s24 =	sadd.s32 $0x20A00, s2  }
0x12: {  	s10 =	simm.s32 $0x2710;
	s25 =	sadd.s32 $0x3200, s4;
	[dreg:$0x4] =	wrdreg s24  }
0x13: {  	s23 =	simm.s32 $0x4;
	s4 =	sadd.s32 $0xCE40, s4;
	[dreg:$0x6] =	wrdreg s25  }
0x14: {  	s26 =	simm.s32 $0x6C20;
	s1 =	sadd.s32 s1, s2;
	[dreg:$0x7] =	wrdreg s4  }
0x15: {  	v0 =	vimm.f32 $0.0e+00;
	vm0 =	vcmask $0x300;
	s8 =	simm.s32 $0x0;
	s2 =	simm.s32 $0x2;
	[dreg:$0x9] =	wrdreg s1  }
0x16: {  	v0 =	vsel vm0, $0x3F800000, v0;
	s1 =	simm.s32 $0x9E20;
	s24 =	simm.s32 $0x8;
	s25 =	simm.s32 $0xE920  }
.LBB2_1:
0x17: {  	s4 =	rddreg [dreg:$0x4]  }
0x18: {  	[spmem:s6], [sflag:s9] =	dma.local [hbm:s4], $0x1900  }
0x19: {  	_ =	swait.ge [sflag:s13], $0x1900  }
0x1a: {  	[sflag:s13] =	ssyncset.done $0x0  }
0x1b: {  	s11 =	simm.s32 $0x0;
	s12 =	rddreg [dreg:$0x6];
	[sflag:s13] =	ssyncadd.s32 $0xFFFFE700  }
0x1c: {  	[tilespmem:s11], [sflag:$0xD] =	stream.linear.gather [hbm4b:s12+s11], $0x2710, $0x38;
	[tilespmem:$0x1CA20] =	vst v63  }
0x1d: {  	_ =	swait.ge [sflag:s13], $0x2710  }
0x1e: {  	[sflag:s13] =	ssyncset.done $0x0  }
0x1f: {  	s14 =	rddreg [dreg:$0x7];
	[sflag:s13] =	ssyncadd.s32 $0xFFFFD8F0  }
0x20: {  	[tilespmem:s10], [sflag:$0xD] =	stream.linear.gather [hbm4b:s14+s11], $0x2710, $0x38;
	[tilespmem:$0x1CA20] =	vst v63  }
0x21: {  	_ =	swait.ge [sflag:s13], $0x2710  }
0x22: {  	[sflag:s13] =	ssyncset.done $0x0  }
0x23: {  	s6 =	simm.s32 $0x240;
	s4 =	simm.s32 $0x40;
	[sflag:s13] =	ssyncadd.s32 $0xFFFFD8F0  }
.LBB2_2:
0x24: {  	p0 =	sne.s32 s6, $0x63C0;
	[tilespmem:s4+$0xE920] =	vst v0;
	s7 =	smov.u32 s6;
	s6 =	sadd.s32 $0x140, s6  }
.Ltmp0:
0x25: {  	[tilespmem:s4+$0xD020] =	vst v0;
	(pc) =	sbr.rel @p0 .LBB2_2-.Ltmp0, $3  }
0x26: {  	[tilespmem:s4+$0x9E20] =	vst v0  }
0x27: {  	[tilespmem:s4+$0xB720] =	vst v0;
	_ =	sdelay $0x1  }
0x28: {  	s4 =	sshra.s32 s7, $0x2  }
0x29: {  	[tilespmem:s4+$0xE920] =	vst v0  }
0x2a: {  	[tilespmem:s4+$0xD020] =	vst v0  }
0x2b: {  	[tilespmem:s4+$0x9E20] =	vst v0  }
0x2c: {  	[tilespmem:s4+$0xB720] =	vst v0  }
0x2d: {  	s9 =	simm.s32 $0x0;
	[bflag:$0x0] =	sbarrier.arrive $0xFFFF  }
0x2e: {  	[tilespmem:s16], [sflag:$0x1] =	stream.indirect.gather [hbm4b:s0+s15], $0x20, s9, s15, $0xb8;
	[tilespmem:$0x1CA20] =	vst v63  }
0x2f: {  	_ = 	snop  }
0x30: {  	[tilespmem:s17], [sflag:$0x5] =	stream.indirect.gather [hbm4b:s5+s15], $0x20, s10, s15, $0xb8;
	[tilespmem:$0x1CA20] =	vst v63  }
0x31: {  	s12 =	simm.s32 $0x5820  }
0x32: {  	[tilespmem:s12], [sflag:$0x2] =	stream.indirect.gather [hbm4b:s0+s15], $0x20, s15, s15, $0xb8;
	[tilespmem:$0x1CA20] =	vst v63  }
0x33: {  	s14 =	simm.s32 $0x2760;
	s6 =	simm.s32 $0x8020  }
0x34: {  	[tilespmem:s6], [sflag:$0x6] =	stream.indirect.gather [hbm4b:s5+s15], $0x20, s14, s15, $0xb8;
	[tilespmem:$0x1CA20] =	vst v63  }
0x35: {  	s7 =	simm.s32 $0x6220;
	s6 =	simm.s32 $0xA0  }
0x36: {  	[tilespmem:s7], [sflag:$0x3] =	stream.indirect.gather [hbm4b:s0+s15], $0x20, s6, s15, $0xb8;
	[tilespmem:$0x1CA20] =	vst v63  }
0x37: {  	s11 =	simm.s32 $0x8A20;
	s10 =	simm.s32 $0x27B0  }
0x38: {  	[tilespmem:s11], [sflag:$0x7] =	stream.indirect.gather [hbm4b:s5+s15], $0x20, s10, s15, $0xb8;
	[tilespmem:$0x1CA20] =	vst v63  }
0x39: {  	s12 =	simm.s32 $0xF0  }
0x3a: {  	[tilespmem:s26], [sflag:$0x4] =	stream.indirect.gather [hbm4b:s0+s15], $0x20, s12, s15, $0xb8;
	[tilespmem:$0x1CA20] =	vst v63  }
0x3b: {  	s14 =	simm.s32 $0x2800  }
0x3c: {  	[tilespmem:s29], [sflag:$0x8] =	stream.indirect.gather [hbm4b:s5+s15], $0x20, s14, s15, $0xb8;
	[tilespmem:$0x1CA20] =	vst v63  }
.LBB2_4:
0x3d: {  	_ =	swait.ge [sflag:s30], $0xA00  }
0x3e: {  	[sflag:s30] =	ssyncset.done $0x0  }
0x3f: {  	[sflag:s30] =	ssyncadd.s32 $0xFFFFF600  }
0x40: {  	_ =	swait.ge [sflag:s31], $0xA00  }
0x41: {  	p0 =	seq.s32 s9, $0x0;
	[sflag:s31] =	ssyncset.done $0x0  }
0x42: {  	s4 =	simm.s32 @!p0 $0x9;
	[sflag:s31] =	ssyncadd.s32 $0xFFFFF600  }
0x43: {  	_ =	swait.ge @!p0 [sflag:s4], $0x1900  }
0x44: {  	[sflag:s4] =	ssyncset.done @!p0 $0x0  }
0x45: {  	s14 =	simm.s32 $0x4EA0;
	[sflag:s4] =	ssyncadd.s32 @!p0 $0xFFFFE700  }
0x46: {  	s10 =	simm.s32 $0x76A0;
	v1 =	vld [tilespmem:s14+$0x60]  }
0x47: {  	v2 =	vld [tilespmem:s10+$0x60]  }
0x48: {  	v4 =	vld [tilespmem:s14+$0xFFFFFFA0]  }
0x49: {  	v7 =	vld [tilespmem:s10+$0xFFFFFFC0]  }
0x4a: {  	v10 =	vld [tilespmem:s14+$0xFFFFFFE0]  }
0x4b: {  	v21 =	vld [tilespmem:s10+$0x40]  }
0x4c: {  	v22 =	vld [tilespmem:s14+$0xFFFFFF80]  }
0x4d: {  	v3 =	vld [tilespmem:s10+$0xFFFFFF80];
	v8 =	vunpack.i.l.bf16.f32 v1  }
0x4e: {  	v9 =	vunpack.i.l.bf16.f32 v2;
	v1 =	vunpack.i.u.bf16.f32 v1;
	v2 =	vunpack.i.u.bf16.f32 v2  }
0x4f: {  	v5 =	vld [tilespmem:s10+$0xFFFFFFA0];
	v12 =	vunpack.i.u.bf16.f32 v4;
	v4 =	vunpack.i.l.bf16.f32 v4;
	v15 =	vunpack.i.u.bf16.f32 v7  }
0x50: {  	v6 =	vld [tilespmem:s14+$0xFFFFFFC0];
	v7 =	vunpack.i.l.bf16.f32 v7;
	v17 =	vunpack.i.u.bf16.f32 v10;
	v10 =	vunpack.i.l.bf16.f32 v10  }
0x51: {  	v11 =	vld [tilespmem:s14+$0x0];
	v62 =	vunpack.i.u.bf16.f32 v21;
	v23 =	vunpack.i.l.bf16.f32 v22;
	v8 =	vadd.f32 v9, v8  }
0x52: {  	v13 =	vld [tilespmem:s10+$0x0];
	v1 =	vadd.f32 v2, v1;
	v2 =	vunpack.i.u.bf16.f32 v3;
	v3 =	vunpack.i.l.bf16.f32 v3  }
0x53: {  	s11 =	simm.s32 $0x9F60;
	v14 =	vld [tilespmem:s14+$0x20];
	v21 =	vunpack.i.l.bf16.f32 v21;
	v3 =	vadd.f32 v3, v23;
	v8 =	vmax.f32 v8, $0.0e+00  }
0x54: {  	v9 =	vld [tilespmem:s10+$0xFFFFFFE0];
	v1 =	vmax.f32 v1, $0.0e+00;
	[tilespmem:s11+$0xF0] =	vst v8;
	v8 =	vunpack.i.u.bf16.f32 v5;
	v5 =	vunpack.i.l.bf16.f32 v5  }
0x55: {  	v20 =	vld [tilespmem:s14+$0x40];
	[tilespmem:s11+$0x100] =	vst v1;
	v1 =	vunpack.i.u.bf16.f32 v6;
	v6 =	vunpack.i.l.bf16.f32 v6;
	v3 =	vmax.f32 v3, $0.0e+00  }
0x56: {  	v4 =	vadd.f32 v5, v4;
	v8 =	vadd.f32 v8, v12;
	v12 =	vunpack.i.u.bf16.f32 v11  }
0x57: {  	v19 =	vld [tilespmem:s10+$0x20];
	v11 =	vunpack.i.l.bf16.f32 v11;
	v6 =	vadd.f32 v7, v6;
	v7 =	vunpack.i.u.bf16.f32 v13  }
0x58: {  	v13 =	vunpack.i.l.bf16.f32 v13;
	v1 =	vadd.f32 v15, v1;
	v15 =	vunpack.i.u.bf16.f32 v14  }
0x59: {  	v14 =	vunpack.i.l.bf16.f32 v14;
	v5 =	vunpack.i.u.bf16.f32 v9;
	v9 =	vunpack.i.l.bf16.f32 v9  }
0x5a: {  	v7 =	vadd.f32 v7, v12;
	v12 =	vunpack.i.u.bf16.f32 v20;
	v9 =	vadd.f32 v9, v10  }
0x5b: {  	v16 =	vld [tilespmem:s14+$0x70];
	[tilespmem:s11+$0xFFFFFEC0] =	vst v3;
	v4 =	vmax.f32 v4, $0.0e+00;
	v5 =	vadd.f32 v5, v17;
	v10 =	vadd.f32 v13, v11  }
0x5c: {  	v17 =	vunpack.i.u.bf16.f32 v19;
	v19 =	vunpack.i.l.bf16.f32 v19;
	v8 =	vmax.f32 v8, $0.0e+00;
	[tilespmem:s11+$0xFFFFFF10] =	vst v4  }
0x5d: {  	v18 =	vld [tilespmem:s10+$0x70];
	v12 =	vadd.f32 v62, v12;
	v1 =	vmax.f32 v1, $0.0e+00;
	v4 =	vunpack.i.u.bf16.f32 v22;
	[tilespmem:s11+$0xFFFFFF20] =	vst v8  }
0x5e: {  	v14 =	vadd.f32 v19, v14;
	[tilespmem:s11+$0xFFFFFF70] =	vst v1;
	v2 =	vadd.f32 v2, v4;
	v4 =	vmax.f32 v6, $0.0e+00  }
0x5f: {  	v6 =	vadd.f32 v17, v15;
	v8 =	vld [tilespmem:s14+$0xFFFFFFB0];
	v9 =	vmax.f32 v9, $0.0e+00;
	v5 =	vmax.f32 v5, $0.0e+00;
	[tilespmem:s11+$0xFFFFFF60] =	vst v4  }
0x60: {  	v3 =	vld [tilespmem:s10+$0xFFFFFFB0];
	v12 =	vmax.f32 v12, $0.0e+00;
	v11 =	vunpack.i.u.bf16.f32 v16;
	[tilespmem:s11+$0xFFFFFFB0] =	vst v9;
	v2 =	vmax.f32 v2, $0.0e+00  }
0x61: {  	v4 =	vmax.f32 v7, $0.0e+00;
	v7 =	vmax.f32 v14, $0.0e+00;
	v14 =	vunpack.i.l.bf16.f32 v16;
	v16 =	vld [tilespmem:s14+$0xFFFFFFD0];
	[tilespmem:s11+$0xFFFFFED0] =	vst v2  }
0x62: {  	v13 =	vunpack.i.u.bf16.f32 v18;
	v9 =	vunpack.i.l.bf16.f32 v18;
	[tilespmem:s11+$0xFFFFFFC0] =	vst v5;
	v2 =	vmax.f32 v10, $0.0e+00;
	v10 =	vld [tilespmem:s14+$0xFFFFFF90]  }
0x63: {  	v11 =	vadd.f32 v13, v11;
	v13 =	vunpack.i.l.bf16.f32 v20;
	v1 =	vmax.f32 v6, $0.0e+00;
	[tilespmem:s11+$0x50] =	vst v7;
	v6 =	vld [tilespmem:s10+$0xFFFFFF90]  }
0x64: {  	v5 =	vadd.f32 v9, v14;
	v14 =	vld [tilespmem:s10+$0xFFFFFFD0];
	v13 =	vadd.f32 v21, v13;
	[tilespmem:s11+$0x60] =	vst v1;
	v15 =	vunpack.i.u.bf16.f32 v8  }
0x65: {  	v17 =	vld [tilespmem:s14+$0x30];
	v8 =	vunpack.i.l.bf16.f32 v8;
	v9 =	vunpack.i.u.bf16.f32 v3;
	v3 =	vunpack.i.l.bf16.f32 v3  }
0x66: {  	v11 =	vmax.f32 v11, $0.0e+00;
	[tilespmem:s11+$0x0] =	vst v2;
	v13 =	vmax.f32 v13, $0.0e+00;
	v2 =	vadd.f32 v3, v8;
	v8 =	vld [tilespmem:s14+$0xFFFFFFF0]  }
0x67: {  	[tilespmem:s11+$0x10] =	vst v4;
	v3 =	vadd.f32 v9, v15;
	v15 =	vmax.f32 v5, $0.0e+00;
	v9 =	vld [tilespmem:s10+$0xFFFFFFF0];
	v4 =	vunpack.i.u.bf16.f32 v10  }
0x68: {  	v63 =	vld [tilespmem:s10+$0x30];
	v5 =	vunpack.i.l.bf16.f32 v10;
	v7 =	vunpack.i.u.bf16.f32 v6;
	v6 =	vunpack.i.l.bf16.f32 v6  }
0x69: {  	v10 =	vld [tilespmem:s14+$0x10];
	v1 =	vadd.f32 v6, v5;
	v6 =	vunpack.i.u.bf16.f32 v16;
	v5 =	vunpack.i.l.bf16.f32 v16  }
0x6a: {  	[tilespmem:s11+$0xB0] =	vst v12;
	v16 =	vld [tilespmem:s10+$0x10];
	v4 =	vadd.f32 v7, v4;
	v7 =	vunpack.i.u.bf16.f32 v14;
	v14 =	vunpack.i.l.bf16.f32 v14  }
0x6b: {  	[tilespmem:s11+$0x120] =	vst v11;
	v5 =	vadd.f32 v14, v5;
	v14 =	vunpack.i.u.bf16.f32 v8;
	v8 =	vunpack.i.l.bf16.f32 v8  }
0x6c: {  	[tilespmem:s11+$0xA0] =	vst v13;
	v6 =	vadd.f32 v7, v6;
	v11 =	vunpack.i.u.bf16.f32 v9;
	v7 =	vunpack.i.l.bf16.f32 v9  }
0x6d: {  	[tilespmem:s11+$0x110] =	vst v15;
	v2 =	vmax.f32 v2, $0.0e+00;
	v7 =	vadd.f32 v7, v8;
	v8 =	vadd.f32 v11, v14;
	v11 =	vld [tilespmem:s14+$0x50]  }
0x6e: {  	[tilespmem:s11+$0xFFFFFF30] =	vst v2;
	v2 =	vld [tilespmem:s10+$0x50];
	v15 =	vunpack.i.l.bf16.f32 v63  }
0x6f: {  	v14 =	vunpack.i.l.bf16.f32 v17;
	v9 =	vunpack.i.l.bf16.f32 v10;
	v12 =	vunpack.i.l.bf16.f32 v16  }
0x70: {  	v13 =	vunpack.i.u.bf16.f32 v10;
	v10 =	vunpack.i.u.bf16.f32 v16;
	v9 =	vadd.f32 v12, v9  }
0x71: {  	s6 =	simm.s32 $0x0;
	s7 =	simm.s32 $0x4FA0;
	s4 =	simm.s32 $0x9F60;
	v12 =	vunpack.i.u.bf16.f32 v17;
	v10 =	vadd.f32 v10, v13;
	v13 =	vunpack.i.u.bf16.f32 v63  }
.LBB2_5:
0x72: {  	v16 =	vld [tilespmem:s7+$0x60];
	v14 =	vadd.f32 v15, v14;
	v15 =	vunpack.i.u.bf16.f32 v11;
	v11 =	vunpack.i.l.bf16.f32 v11;
	s10 =	sadd.s32 $0x100, s10  }
0x73: {  	v12 =	vadd.f32 v13, v12;
	v17 =	vld [tilespmem:s10+$0x60];
	v13 =	vunpack.i.u.bf16.f32 v2;
	v2 =	vunpack.i.l.bf16.f32 v2  }
0x74: {  	v19 =	vmax.f32 v1, $0.0e+00;
	v18 =	vld [tilespmem:s10+$0xFFFFFF80];
	v2 =	vadd.f32 v2, v11;
	v1 =	vadd.f32 v13, v15  }
0x75: {  	s6 =	sadd.s32 $0x8, s6;
	v4 =	vmax.f32 v4, $0.0e+00;
	v3 =	vmax.f32 v3, $0.0e+00;
	v5 =	vmax.f32 v5, $0.0e+00;
	v11 =	vld [tilespmem:s7+$0xFFFFFFA0];
	[tilespmem:s11+$0xFFFFFEE0] =	vst v19  }
0x76: {  	p1 =	slt.u32 s6, $0x48;
	v13 =	vld [tilespmem:s10+$0xFFFFFFA0];
	[tilespmem:s11+$0xFFFFFEF0] =	vst v4;
	v4 =	vmax.f32 v6, $0.0e+00;
	v6 =	vmax.f32 v7, $0.0e+00;
	v7 =	vmax.f32 v8, $0.0e+00  }
0x77: {  	v8 =	vld [tilespmem:s7+$0xFFFFFFC0];
	[tilespmem:s11+$0xFFFFFF40] =	vst v3;
	v3 =	vmax.f32 v9, $0.0e+00;
	v9 =	vmax.f32 v10, $0.0e+00;
	v10 =	vmax.f32 v14, $0.0e+00  }
0x78: {  	v15 =	vunpack.i.l.bf16.f32 v16;
	v14 =	vld [tilespmem:s10+$0xFFFFFFC0];
	v19 =	vunpack.i.l.bf16.f32 v17;
	[tilespmem:s11+$0xFFFFFF80] =	vst v5;
	v5 =	vmax.f32 v12, $0.0e+00  }
0x79: {  	v16 =	vunpack.i.u.bf16.f32 v16;
	v17 =	vunpack.i.u.bf16.f32 v17;
	v12 =	vld [tilespmem:s7+$0xFFFFFFE0];
	v15 =	vadd.f32 v19, v15;
	[tilespmem:s11+$0xFFFFFF90] =	vst v4  }
0x7a: {  	v4 =	vunpack.i.u.bf16.f32 v18;
	v18 =	vunpack.i.l.bf16.f32 v18;
	v16 =	vadd.f32 v17, v16;
	v19 =	vld [tilespmem:s10+$0xFFFFFFE0];
	[tilespmem:s11+$0xFFFFFFD0] =	vst v6  }
0x7b: {  	v6 =	vunpack.i.u.bf16.f32 v11;
	v11 =	vunpack.i.l.bf16.f32 v11;
	s11 =	sadd.s32 $0x280, s11;
	v17 =	vld [tilespmem:s7+$0x0];
	v15 =	vmax.f32 v15, $0.0e+00;
	[tilespmem:s4+$0xFFFFFFE0] =	vst v7  }
0x7c: {  	v7 =	vunpack.i.u.bf16.f32 v13;
	v13 =	vunpack.i.l.bf16.f32 v13;
	v20 =	vld [tilespmem:s10+$0x0];
	[tilespmem:s11+$0xF0] =	vst v15;
	v15 =	vmax.f32 v16, $0.0e+00  }
0x7d: {  	v16 =	vunpack.i.u.bf16.f32 v8;
	v8 =	vunpack.i.l.bf16.f32 v8;
	v21 =	vunpack.i.u.bf16.f32 v14;
	v22 =	vld [tilespmem:s7+$0x20];
	[tilespmem:s11+$0x100] =	vst v15  }
0x7e: {  	v14 =	vunpack.i.l.bf16.f32 v14;
	v15 =	vunpack.i.u.bf16.f32 v12;
	v12 =	vunpack.i.l.bf16.f32 v12;
	v23 =	vld [tilespmem:s7+$0x70];
	[tilespmem:s4+$0x20] =	vst v3  }
0x7f: {  	v3 =	vadd.f32 v13, v11;
	v11 =	vunpack.i.u.bf16.f32 v19;
	v13 =	vunpack.i.l.bf16.f32 v19;
	v19 =	vld [tilespmem:s10+$0x70];
	[tilespmem:s4+$0x30] =	vst v9  }
0x80: {  	v6 =	vadd.f32 v7, v6;
	v7 =	vunpack.i.u.bf16.f32 v17;
	v9 =	vunpack.i.l.bf16.f32 v17;
	v17 =	vld [tilespmem:s10+$0x20];
	[tilespmem:s4+$0x70] =	vst v10  }
0x81: {  	v8 =	vadd.f32 v14, v8;
	v10 =	vunpack.i.u.bf16.f32 v20;
	v14 =	vunpack.i.l.bf16.f32 v20;
	v20 =	vld [tilespmem:s7+$0x40];
	[tilespmem:s4+$0x80] =	vst v5  }
0x82: {  	v5 =	vadd.f32 v21, v16;
	v16 =	vunpack.i.u.bf16.f32 v22;
	v21 =	vunpack.i.l.bf16.f32 v22;
	v22 =	vld [tilespmem:s10+$0x40]  }
0x83: {  	v3 =	vmax.f32 v3, $0.0e+00;
	v12 =	vadd.f32 v13, v12;
	v11 =	vadd.f32 v11, v15;
	v24 =	vld [tilespmem:s7+$0xFFFFFF80]  }
0x84: {  	[tilespmem:s11+$0xFFFFFF10] =	vst v3;
	v3 =	vadd.f32 v14, v9;
	v9 =	vunpack.i.u.bf16.f32 v23;
	v13 =	vunpack.i.u.bf16.f32 v19  }
0x85: {  	v14 =	vunpack.i.u.bf16.f32 v17;
	v15 =	vunpack.i.l.bf16.f32 v17;
	v9 =	vadd.f32 v13, v9  }
0x86: {  	v7 =	vadd.f32 v10, v7;
	v10 =	vunpack.i.u.bf16.f32 v20;
	v13 =	vunpack.i.l.bf16.f32 v20  }
0x87: {  	v17 =	vunpack.i.u.bf16.f32 v22;
	v20 =	vunpack.i.l.bf16.f32 v22;
	v9 =	vmax.f32 v9, $0.0e+00  }
0x88: {  	v15 =	vadd.f32 v15, v21;
	v22 =	vunpack.i.u.bf16.f32 v24;
	v24 =	vunpack.i.l.bf16.f32 v24;
	[tilespmem:s11+$0x120] =	vst v9  }
0x89: {  	v6 =	vmax.f32 v6, $0.0e+00;
	v9 =	vadd.f32 v18, v24;
	v4 =	vadd.f32 v4, v22  }
0x8a: {  	v13 =	vadd.f32 v20, v13;
	[tilespmem:s11+$0xFFFFFF20] =	vst v6;
	v6 =	vmax.f32 v8, $0.0e+00;
	v8 =	vadd.f32 v14, v16  }
0x8b: {  	v9 =	vmax.f32 v9, $0.0e+00;
	v4 =	vmax.f32 v4, $0.0e+00;
	v14 =	vld [tilespmem:s7+$0xFFFFFFB0];
	[tilespmem:s11+$0xFFFFFF60] =	vst v6;
	v6 =	vadd.f32 v17, v10  }
0x8c: {  	v11 =	vmax.f32 v11, $0.0e+00;
	v5 =	vmax.f32 v5, $0.0e+00;
	v10 =	vmax.f32 v12, $0.0e+00;
	[tilespmem:s11+$0xFFFFFEC0] =	vst v9;
	v9 =	vld [tilespmem:s10+$0xFFFFFFB0]  }
0x8d: {  	v3 =	vmax.f32 v3, $0.0e+00;
	[tilespmem:s11+$0xFFFFFED0] =	vst v4;
	v4 =	vmax.f32 v7, $0.0e+00;
	v7 =	vmax.f32 v15, $0.0e+00  }
0x8e: {  	v6 =	vmax.f32 v6, $0.0e+00;
	v12 =	vld [tilespmem:s7+$0xFFFFFF90];
	[tilespmem:s11+$0xFFFFFF70] =	vst v5;
	v5 =	vmax.f32 v8, $0.0e+00;
	v8 =	vmax.f32 v13, $0.0e+00  }
0x8f: {  	v2 =	vmax.f32 v2, $0.0e+00;
	v15 =	vunpack.i.l.bf16.f32 v19;
	v13 =	vld [tilespmem:s10+$0xFFFFFF90];
	[tilespmem:s11+$0xFFFFFFB0] =	vst v10;
	v10 =	vunpack.i.l.bf16.f32 v23  }
0x90: {  	v16 =	vunpack.i.u.bf16.f32 v14;
	v14 =	vunpack.i.l.bf16.f32 v14;
	v17 =	vld [tilespmem:s7+$0xFFFFFFD0];
	[tilespmem:s11+$0xFFFFFFC0] =	vst v11;
	v10 =	vadd.f32 v15, v10  }
0x91: {  	v18 =	vmax.f32 v1, $0.0e+00;
	v11 =	vunpack.i.u.bf16.f32 v9;
	v9 =	vunpack.i.l.bf16.f32 v9;
	v15 =	vld [tilespmem:s10+$0xFFFFFFD0];
	[tilespmem:s11+$0x0] =	vst v3  }
0x92: {  	v1 =	vadd.f32 v9, v14;
	v3 =	vadd.f32 v11, v16;
	v9 =	vld [tilespmem:s7+$0xFFFFFFF0];
	[tilespmem:s11+$0x10] =	vst v4;
	v10 =	vmax.f32 v10, $0.0e+00  }
0x93: {  	v4 =	vunpack.i.u.bf16.f32 v12;
	v11 =	vunpack.i.l.bf16.f32 v12;
	v12 =	vld [tilespmem:s10+$0xFFFFFFF0];
	[tilespmem:s11+$0x50] =	vst v7  }
0x94: {  	v7 =	vunpack.i.u.bf16.f32 v13;
	v13 =	vunpack.i.l.bf16.f32 v13;
	v14 =	vmax.f32 v1, $0.0e+00;
	v16 =	vld [tilespmem:s7+$0x10];
	[tilespmem:s11+$0x60] =	vst v5  }
0x95: {  	v1 =	vadd.f32 v13, v11;
	v11 =	vunpack.i.u.bf16.f32 v17;
	v5 =	vunpack.i.l.bf16.f32 v17;
	v13 =	vld [tilespmem:s10+$0x10];
	[tilespmem:s11+$0xA0] =	vst v8  }
0x96: {  	v4 =	vadd.f32 v7, v4;
	v7 =	vunpack.i.u.bf16.f32 v15;
	v8 =	vunpack.i.l.bf16.f32 v15;
	v15 =	vld [tilespmem:s7+$0x30];
	[tilespmem:s11+$0xB0] =	vst v6  }
0x97: {  	[tilespmem:s11+$0xFFFFFF30] =	vst v14;
	v5 =	vadd.f32 v8, v5;
	v8 =	vunpack.i.u.bf16.f32 v9;
	v9 =	vunpack.i.l.bf16.f32 v9;
	v17 =	vld [tilespmem:s10+$0x30]  }
.Ltmp1:
0x98: {  	v6 =	vadd.f32 v7, v11;
	v14 =	vunpack.i.u.bf16.f32 v12;
	v7 =	vunpack.i.l.bf16.f32 v12;
	v11 =	vld [tilespmem:s7+$0x50];
	[tilespmem:s4+$0xC0] =	vst v2;
	(pc) =	sbr.rel @p1 .LBB2_5-.Ltmp1, $4  }
0x99: {  	v7 =	vadd.f32 v7, v9;
	v19 =	vunpack.i.u.bf16.f32 v16;
	v9 =	vunpack.i.l.bf16.f32 v16;
	v2 =	vld [tilespmem:s10+$0x50];
	[tilespmem:s4+$0xD0] =	vst v18;
	s4 =	smov.u32 s11  }
0x9a: {  	v8 =	vadd.f32 v14, v8;
	v16 =	vunpack.i.u.bf16.f32 v13;
	v12 =	vunpack.i.l.bf16.f32 v13;
	[tilespmem:s11+$0x110] =	vst v10  }
0x9b: {  	v9 =	vadd.f32 v12, v9;
	v12 =	vunpack.i.u.bf16.f32 v15;
	v14 =	vunpack.i.l.bf16.f32 v15  }
0x9c: {  	s7 =	sadd.s32 $0x100, s7;
	v10 =	vadd.f32 v16, v19;
	v13 =	vunpack.i.u.bf16.f32 v17;
	v15 =	vunpack.i.l.bf16.f32 v17  }
0x9d: {  	v1 =	vmax.f32 v1, $0.0e+00  }
0x9e: {  	v3 =	vmax.f32 v3, $0.0e+00;
	[tilespmem:s11+$0xFFFFFEE0] =	vst v1  }
0x9f: {  	v1 =	vmax.f32 v4, $0.0e+00;
	[tilespmem:s11+$0xFFFFFF40] =	vst v3  }
0xa0: {  	v3 =	vmax.f32 v6, $0.0e+00;
	[tilespmem:s11+$0xFFFFFEF0] =	vst v1  }
0xa1: {  	v6 =	vmax.f32 v9, $0.0e+00;
	[tilespmem:s11+$0xFFFFFF90] =	vst v3  }
0xa2: {  	v1 =	vmax.f32 v5, $0.0e+00;
	[tilespmem:s4+$0x20] =	vst v6  }
0xa3: {  	v4 =	vmax.f32 v8, $0.0e+00;
	[tilespmem:s11+$0xFFFFFF80] =	vst v1;
	v1 =	vmax.f32 v7, $0.0e+00  }
0xa4: {  	v8 =	vmax.f32 v10, $0.0e+00;
	v3 =	vadd.f32 v15, v14;
	v7 =	vunpack.i.l.bf16.f32 v2;
	[tilespmem:s11+$0xFFFFFFD0] =	vst v1  }
0xa5: {  	v2 =	vunpack.i.u.bf16.f32 v2;
	v1 =	vunpack.i.u.bf16.f32 v11;
	[tilespmem:s4+$0xFFFFFFE0] =	vst v4;
	v4 =	vadd.f32 v13, v12  }
0xa6: {  	v5 =	vunpack.i.l.bf16.f32 v11;
	[tilespmem:s4+$0x30] =	vst v8;
	v3 =	vmax.f32 v3, $0.0e+00;
	v1 =	vadd.f32 v2, v1  }
0xa7: {  	s6 =	smul.u32 $0x500, s9;
	v5 =	vadd.f32 v7, v5;
	[tilespmem:s4+$0x70] =	vst v3;
	v2 =	vmax.f32 v4, $0.0e+00  }
0xa8: {  	v1 =	vmax.f32 v1, $0.0e+00;
	[tilespmem:s4+$0x80] =	vst v2  }
0xa9: {  	s11 =	sshra.s32 s6, $0x2;
	v2 =	vmax.f32 v5, $0.0e+00;
	[tilespmem:s4+$0xD0] =	vst v1  }
0xaa: {  	s10 =	smul.u32 $0x140, s9;
	s14 =	sadd.s32 $0x2710, s11;
	[tilespmem:s4+$0xC0] =	vst v2  }
0xab: {  	[spmem:s3] =	stream.indirect.scatter.add.f32 [tilespmem:s1], [sflag:$0x9], $0x50, s14, s15, $0xb8;
	[tilespmem:$0x1CA20] =	vst v63  }
0xac: {  	s6 =	sadd.s32 $0x140, s10  }
0xad: {  	[tilespmem:s16], [sflag:$0x1] =	stream.indirect.gather [hbm4b:s0+s15], $0x20, s6, s15, $0xb8;
	[tilespmem:$0x1CA20] =	vst v63  }
0xae: {  	s7 =	sadd.s32 $0x2850, s10  }
0xaf: {  	[tilespmem:s17], [sflag:$0x5] =	stream.indirect.gather [hbm4b:s5+s15], $0x20, s7, s15, $0xb8;
	[tilespmem:$0x1CA20] =	vst v63  }
0xb0: {  	_ =	swait.ge [sflag:s2], $0xA00  }
0xb1: {  	[sflag:s2] =	ssyncset.done $0x0  }
0xb2: {  	[sflag:s2] =	ssyncadd.s32 $0xFFFFF600  }
0xb3: {  	_ =	swait.ge [sflag:s18], $0xA00  }
0xb4: {  	[sflag:s18] =	ssyncset.done $0x0  }
0xb5: {  	s4 =	simm.s32 @!p0 $0xA;
	[sflag:s18] =	ssyncadd.s32 $0xFFFFF600  }
0xb6: {  	_ =	swait.ge @!p0 [sflag:s4], $0x1900  }
0xb7: {  	[sflag:s4] =	ssyncset.done @!p0 $0x0  }
0xb8: {  	s12 =	simm.s32 $0x58A0;
	[sflag:s4] =	ssyncadd.s32 @!p0 $0xFFFFE700  }
0xb9: {  	s14 =	simm.s32 $0x80A0;
	v1 =	vld [tilespmem:s12+$0x60]  }
0xba: {  	v2 =	vld [tilespmem:s14+$0x60]  }
0xbb: {  	v4 =	vld [tilespmem:s12+$0xFFFFFFA0]  }
0xbc: {  	v7 =	vld [tilespmem:s14+$0xFFFFFFC0]  }
0xbd: {  	v10 =	vld [tilespmem:s12+$0xFFFFFFE0]  }
0xbe: {  	v21 =	vld [tilespmem:s14+$0x40]  }
0xbf: {  	v22 =	vld [tilespmem:s12+$0xFFFFFF80]  }
0xc0: {  	v3 =	vld [tilespmem:s14+$0xFFFFFF80];
	v8 =	vunpack.i.l.bf16.f32 v1  }
0xc1: {  	v9 =	vunpack.i.l.bf16.f32 v2;
	v1 =	vunpack.i.u.bf16.f32 v1;
	v2 =	vunpack.i.u.bf16.f32 v2  }
0xc2: {  	v5 =	vld [tilespmem:s14+$0xFFFFFFA0];
	v12 =	vunpack.i.u.bf16.f32 v4;
	v4 =	vunpack.i.l.bf16.f32 v4;
	v15 =	vunpack.i.u.bf16.f32 v7  }
0xc3: {  	v6 =	vld [tilespmem:s12+$0xFFFFFFC0];
	v7 =	vunpack.i.l.bf16.f32 v7;
	v17 =	vunpack.i.u.bf16.f32 v10;
	v10 =	vunpack.i.l.bf16.f32 v10  }
0xc4: {  	v11 =	vld [tilespmem:s12+$0x0];
	v62 =	vunpack.i.u.bf16.f32 v21;
	v23 =	vunpack.i.l.bf16.f32 v22;
	v8 =	vadd.f32 v9, v8  }
0xc5: {  	v13 =	vld [tilespmem:s14+$0x0];
	v1 =	vadd.f32 v2, v1;
	v2 =	vunpack.i.u.bf16.f32 v3;
	v3 =	vunpack.i.l.bf16.f32 v3  }
0xc6: {  	s4 =	simm.s32 $0xB860;
	v14 =	vld [tilespmem:s12+$0x20];
	v21 =	vunpack.i.l.bf16.f32 v21;
	v3 =	vadd.f32 v3, v23;
	v8 =	vmax.f32 v8, $0.0e+00  }
0xc7: {  	v9 =	vld [tilespmem:s14+$0xFFFFFFE0];
	v1 =	vmax.f32 v1, $0.0e+00;
	[tilespmem:s4+$0xF0] =	vst v8;
	v8 =	vunpack.i.u.bf16.f32 v5;
	v5 =	vunpack.i.l.bf16.f32 v5  }
0xc8: {  	v20 =	vld [tilespmem:s12+$0x40];
	[tilespmem:s4+$0x100] =	vst v1;
	v1 =	vunpack.i.u.bf16.f32 v6;
	v6 =	vunpack.i.l.bf16.f32 v6;
	v3 =	vmax.f32 v3, $0.0e+00  }
0xc9: {  	v4 =	vadd.f32 v5, v4;
	v8 =	vadd.f32 v8, v12;
	v12 =	vunpack.i.u.bf16.f32 v11  }
0xca: {  	v19 =	vld [tilespmem:s14+$0x20];
	v11 =	vunpack.i.l.bf16.f32 v11;
	v6 =	vadd.f32 v7, v6;
	v7 =	vunpack.i.u.bf16.f32 v13  }
0xcb: {  	v13 =	vunpack.i.l.bf16.f32 v13;
	v1 =	vadd.f32 v15, v1;
	v15 =	vunpack.i.u.bf16.f32 v14  }
0xcc: {  	v14 =	vunpack.i.l.bf16.f32 v14;
	v5 =	vunpack.i.u.bf16.f32 v9;
	v9 =	vunpack.i.l.bf16.f32 v9  }
0xcd: {  	v7 =	vadd.f32 v7, v12;
	v12 =	vunpack.i.u.bf16.f32 v20;
	v9 =	vadd.f32 v9, v10  }
0xce: {  	v16 =	vld [tilespmem:s12+$0x70];
	[tilespmem:s4+$0xFFFFFEC0] =	vst v3;
	v4 =	vmax.f32 v4, $0.0e+00;
	v5 =	vadd.f32 v5, v17;
	v10 =	vadd.f32 v13, v11  }
0xcf: {  	v17 =	vunpack.i.u.bf16.f32 v19;
	v19 =	vunpack.i.l.bf16.f32 v19;
	v8 =	vmax.f32 v8, $0.0e+00;
	[tilespmem:s4+$0xFFFFFF10] =	vst v4  }
0xd0: {  	v18 =	vld [tilespmem:s14+$0x70];
	v12 =	vadd.f32 v62, v12;
	v1 =	vmax.f32 v1, $0.0e+00;
	v4 =	vunpack.i.u.bf16.f32 v22;
	[tilespmem:s4+$0xFFFFFF20] =	vst v8  }
0xd1: {  	v14 =	vadd.f32 v19, v14;
	[tilespmem:s4+$0xFFFFFF70] =	vst v1;
	v2 =	vadd.f32 v2, v4;
	v4 =	vmax.f32 v6, $0.0e+00  }
0xd2: {  	v6 =	vadd.f32 v17, v15;
	v8 =	vld [tilespmem:s12+$0xFFFFFFB0];
	v9 =	vmax.f32 v9, $0.0e+00;
	v5 =	vmax.f32 v5, $0.0e+00;
	[tilespmem:s4+$0xFFFFFF60] =	vst v4  }
0xd3: {  	v3 =	vld [tilespmem:s14+$0xFFFFFFB0];
	v12 =	vmax.f32 v12, $0.0e+00;
	v11 =	vunpack.i.u.bf16.f32 v16;
	[tilespmem:s4+$0xFFFFFFB0] =	vst v9;
	v2 =	vmax.f32 v2, $0.0e+00  }
0xd4: {  	v4 =	vmax.f32 v7, $0.0e+00;
	v7 =	vmax.f32 v14, $0.0e+00;
	v14 =	vunpack.i.l.bf16.f32 v16;
	v16 =	vld [tilespmem:s12+$0xFFFFFFD0];
	[tilespmem:s4+$0xFFFFFED0] =	vst v2  }
0xd5: {  	v13 =	vunpack.i.u.bf16.f32 v18;
	v9 =	vunpack.i.l.bf16.f32 v18;
	[tilespmem:s4+$0xFFFFFFC0] =	vst v5;
	v2 =	vmax.f32 v10, $0.0e+00;
	v10 =	vld [tilespmem:s12+$0xFFFFFF90]  }
0xd6: {  	v11 =	vadd.f32 v13, v11;
	v13 =	vunpack.i.l.bf16.f32 v20;
	v1 =	vmax.f32 v6, $0.0e+00;
	[tilespmem:s4+$0x50] =	vst v7;
	v6 =	vld [tilespmem:s14+$0xFFFFFF90]  }
0xd7: {  	v5 =	vadd.f32 v9, v14;
	v14 =	vld [tilespmem:s14+$0xFFFFFFD0];
	v13 =	vadd.f32 v21, v13;
	[tilespmem:s4+$0x60] =	vst v1;
	v15 =	vunpack.i.u.bf16.f32 v8  }
0xd8: {  	v17 =	vld [tilespmem:s12+$0x30];
	v8 =	vunpack.i.l.bf16.f32 v8;
	v9 =	vunpack.i.u.bf16.f32 v3;
	v3 =	vunpack.i.l.bf16.f32 v3  }
0xd9: {  	v11 =	vmax.f32 v11, $0.0e+00;
	[tilespmem:s4+$0x0] =	vst v2;
	v13 =	vmax.f32 v13, $0.0e+00;
	v2 =	vadd.f32 v3, v8;
	v8 =	vld [tilespmem:s12+$0xFFFFFFF0]  }
0xda: {  	[tilespmem:s4+$0x10] =	vst v4;
	v3 =	vadd.f32 v9, v15;
	v15 =	vmax.f32 v5, $0.0e+00;
	v9 =	vld [tilespmem:s14+$0xFFFFFFF0];
	v4 =	vunpack.i.u.bf16.f32 v10  }
0xdb: {  	v63 =	vld [tilespmem:s14+$0x30];
	v5 =	vunpack.i.l.bf16.f32 v10;
	v7 =	vunpack.i.u.bf16.f32 v6;
	v6 =	vunpack.i.l.bf16.f32 v6  }
0xdc: {  	v10 =	vld [tilespmem:s12+$0x10];
	v1 =	vadd.f32 v6, v5;
	v6 =	vunpack.i.u.bf16.f32 v16;
	v5 =	vunpack.i.l.bf16.f32 v16  }
0xdd: {  	[tilespmem:s4+$0xB0] =	vst v12;
	v16 =	vld [tilespmem:s14+$0x10];
	v4 =	vadd.f32 v7, v4;
	v7 =	vunpack.i.u.bf16.f32 v14;
	v14 =	vunpack.i.l.bf16.f32 v14  }
0xde: {  	[tilespmem:s4+$0x120] =	vst v11;
	v5 =	vadd.f32 v14, v5;
	v14 =	vunpack.i.u.bf16.f32 v8;
	v8 =	vunpack.i.l.bf16.f32 v8  }
0xdf: {  	[tilespmem:s4+$0xA0] =	vst v13;
	v6 =	vadd.f32 v7, v6;
	v11 =	vunpack.i.u.bf16.f32 v9;
	v7 =	vunpack.i.l.bf16.f32 v9  }
0xe0: {  	[tilespmem:s4+$0x110] =	vst v15;
	v2 =	vmax.f32 v2, $0.0e+00;
	v7 =	vadd.f32 v7, v8;
	v8 =	vadd.f32 v11, v14;
	v11 =	vld [tilespmem:s12+$0x50]  }
0xe1: {  	[tilespmem:s4+$0xFFFFFF30] =	vst v2;
	v2 =	vld [tilespmem:s14+$0x50];
	v15 =	vunpack.i.l.bf16.f32 v63  }
0xe2: {  	v14 =	vunpack.i.l.bf16.f32 v17;
	v9 =	vunpack.i.l.bf16.f32 v10;
	v12 =	vunpack.i.l.bf16.f32 v16  }
0xe3: {  	v13 =	vunpack.i.u.bf16.f32 v10;
	v10 =	vunpack.i.u.bf16.f32 v16;
	v9 =	vadd.f32 v12, v9  }
0xe4: {  	s6 =	simm.s32 $0xB860;
	s7 =	simm.s32 $0x0;
	s12 =	simm.s32 $0x59A0;
	v12 =	vunpack.i.u.bf16.f32 v17;
	v10 =	vadd.f32 v10, v13;
	v13 =	vunpack.i.u.bf16.f32 v63  }
.LBB2_7:
0xe5: {  	v16 =	vld [tilespmem:s12+$0x60];
	v14 =	vadd.f32 v15, v14;
	v15 =	vunpack.i.u.bf16.f32 v11;
	v11 =	vunpack.i.l.bf16.f32 v11;
	s14 =	sadd.s32 $0x100, s14  }
0xe6: {  	v12 =	vadd.f32 v13, v12;
	v17 =	vld [tilespmem:s14+$0x60];
	v13 =	vunpack.i.u.bf16.f32 v2;
	v2 =	vunpack.i.l.bf16.f32 v2  }
0xe7: {  	v19 =	vmax.f32 v1, $0.0e+00;
	v18 =	vld [tilespmem:s14+$0xFFFFFF80];
	v2 =	vadd.f32 v2, v11;
	v1 =	vadd.f32 v13, v15  }
0xe8: {  	s7 =	sadd.s32 $0x8, s7;
	v4 =	vmax.f32 v4, $0.0e+00;
	v3 =	vmax.f32 v3, $0.0e+00;
	v5 =	vmax.f32 v5, $0.0e+00;
	v11 =	vld [tilespmem:s12+$0xFFFFFFA0];
	[tilespmem:s4+$0xFFFFFEE0] =	vst v19  }
0xe9: {  	p1 =	slt.u32 s7, $0x48;
	v13 =	vld [tilespmem:s14+$0xFFFFFFA0];
	[tilespmem:s4+$0xFFFFFEF0] =	vst v4;
	v4 =	vmax.f32 v6, $0.0e+00;
	v6 =	vmax.f32 v7, $0.0e+00;
	v7 =	vmax.f32 v8, $0.0e+00  }
0xea: {  	v8 =	vld [tilespmem:s12+$0xFFFFFFC0];
	[tilespmem:s4+$0xFFFFFF40] =	vst v3;
	v3 =	vmax.f32 v9, $0.0e+00;
	v9 =	vmax.f32 v10, $0.0e+00;
	v10 =	vmax.f32 v14, $0.0e+00  }
0xeb: {  	v15 =	vunpack.i.l.bf16.f32 v16;
	v14 =	vld [tilespmem:s14+$0xFFFFFFC0];
	v19 =	vunpack.i.l.bf16.f32 v17;
	[tilespmem:s4+$0xFFFFFF80] =	vst v5;
	v5 =	vmax.f32 v12, $0.0e+00  }
0xec: {  	v16 =	vunpack.i.u.bf16.f32 v16;
	v17 =	vunpack.i.u.bf16.f32 v17;
	v12 =	vld [tilespmem:s12+$0xFFFFFFE0];
	v15 =	vadd.f32 v19, v15;
	[tilespmem:s4+$0xFFFFFF90] =	vst v4  }
0xed: {  	v4 =	vunpack.i.u.bf16.f32 v18;
	v18 =	vunpack.i.l.bf16.f32 v18;
	v16 =	vadd.f32 v17, v16;
	v19 =	vld [tilespmem:s14+$0xFFFFFFE0];
	[tilespmem:s4+$0xFFFFFFD0] =	vst v6  }
0xee: {  	v6 =	vunpack.i.u.bf16.f32 v11;
	v11 =	vunpack.i.l.bf16.f32 v11;
	s4 =	sadd.s32 $0x280, s4;
	v17 =	vld [tilespmem:s12+$0x0];
	v15 =	vmax.f32 v15, $0.0e+00;
	[tilespmem:s6+$0xFFFFFFE0] =	vst v7  }
0xef: {  	v7 =	vunpack.i.u.bf16.f32 v13;
	v13 =	vunpack.i.l.bf16.f32 v13;
	v20 =	vld [tilespmem:s14+$0x0];
	[tilespmem:s4+$0xF0] =	vst v15;
	v15 =	vmax.f32 v16, $0.0e+00  }
0xf0: {  	v16 =	vunpack.i.u.bf16.f32 v8;
	v8 =	vunpack.i.l.bf16.f32 v8;
	v21 =	vunpack.i.u.bf16.f32 v14;
	v22 =	vld [tilespmem:s12+$0x20];
	[tilespmem:s4+$0x100] =	vst v15  }
0xf1: {  	v14 =	vunpack.i.l.bf16.f32 v14;
	v15 =	vunpack.i.u.bf16.f32 v12;
	v12 =	vunpack.i.l.bf16.f32 v12;
	v23 =	vld [tilespmem:s12+$0x70];
	[tilespmem:s6+$0x20] =	vst v3  }
0xf2: {  	v3 =	vadd.f32 v13, v11;
	v11 =	vunpack.i.u.bf16.f32 v19;
	v13 =	vunpack.i.l.bf16.f32 v19;
	v19 =	vld [tilespmem:s14+$0x70];
	[tilespmem:s6+$0x30] =	vst v9  }
0xf3: {  	v6 =	vadd.f32 v7, v6;
	v7 =	vunpack.i.u.bf16.f32 v17;
	v9 =	vunpack.i.l.bf16.f32 v17;
	v17 =	vld [tilespmem:s14+$0x20];
	[tilespmem:s6+$0x70] =	vst v10  }
0xf4: {  	v8 =	vadd.f32 v14, v8;
	v10 =	vunpack.i.u.bf16.f32 v20;
	v14 =	vunpack.i.l.bf16.f32 v20;
	v20 =	vld [tilespmem:s12+$0x40];
	[tilespmem:s6+$0x80] =	vst v5  }
0xf5: {  	v5 =	vadd.f32 v21, v16;
	v16 =	vunpack.i.u.bf16.f32 v22;
	v21 =	vunpack.i.l.bf16.f32 v22;
	v22 =	vld [tilespmem:s14+$0x40]  }
0xf6: {  	v3 =	vmax.f32 v3, $0.0e+00;
	v12 =	vadd.f32 v13, v12;
	v11 =	vadd.f32 v11, v15;
	v24 =	vld [tilespmem:s12+$0xFFFFFF80]  }
0xf7: {  	[tilespmem:s4+$0xFFFFFF10] =	vst v3;
	v3 =	vadd.f32 v14, v9;
	v9 =	vunpack.i.u.bf16.f32 v23;
	v13 =	vunpack.i.u.bf16.f32 v19  }
0xf8: {  	v14 =	vunpack.i.u.bf16.f32 v17;
	v15 =	vunpack.i.l.bf16.f32 v17;
	v9 =	vadd.f32 v13, v9  }
0xf9: {  	v7 =	vadd.f32 v10, v7;
	v10 =	vunpack.i.u.bf16.f32 v20;
	v13 =	vunpack.i.l.bf16.f32 v20  }
0xfa: {  	v17 =	vunpack.i.u.bf16.f32 v22;
	v20 =	vunpack.i.l.bf16.f32 v22;
	v9 =	vmax.f32 v9, $0.0e+00  }
0xfb: {  	v15 =	vadd.f32 v15, v21;
	v22 =	vunpack.i.u.bf16.f32 v24;
	v24 =	vunpack.i.l.bf16.f32 v24;
	[tilespmem:s4+$0x120] =	vst v9  }
0xfc: {  	v6 =	vmax.f32 v6, $0.0e+00;
	v9 =	vadd.f32 v18, v24;
	v4 =	vadd.f32 v4, v22  }
0xfd: {  	v13 =	vadd.f32 v20, v13;
	[tilespmem:s4+$0xFFFFFF20] =	vst v6;
	v6 =	vmax.f32 v8, $0.0e+00;
	v8 =	vadd.f32 v14, v16  }
0xfe: {  	v9 =	vmax.f32 v9, $0.0e+00;
	v4 =	vmax.f32 v4, $0.0e+00;
	v14 =	vld [tilespmem:s12+$0xFFFFFFB0];
	[tilespmem:s4+$0xFFFFFF60] =	vst v6;
	v6 =	vadd.f32 v17, v10  }
0xff: {  	v11 =	vmax.f32 v11, $0.0e+00;
	v5 =	vmax.f32 v5, $0.0e+00;
	v10 =	vmax.f32 v12, $0.0e+00;
	[tilespmem:s4+$0xFFFFFEC0] =	vst v9;
	v9 =	vld [tilespmem:s14+$0xFFFFFFB0]  }
0x100: {  	v3 =	vmax.f32 v3, $0.0e+00;
	[tilespmem:s4+$0xFFFFFED0] =	vst v4;
	v4 =	vmax.f32 v7, $0.0e+00;
	v7 =	vmax.f32 v15, $0.0e+00  }
0x101: {  	v6 =	vmax.f32 v6, $0.0e+00;
	v12 =	vld [tilespmem:s12+$0xFFFFFF90];
	[tilespmem:s4+$0xFFFFFF70] =	vst v5;
	v5 =	vmax.f32 v8, $0.0e+00;
	v8 =	vmax.f32 v13, $0.0e+00  }
0x102: {  	v2 =	vmax.f32 v2, $0.0e+00;
	v15 =	vunpack.i.l.bf16.f32 v19;
	v13 =	vld [tilespmem:s14+$0xFFFFFF90];
	[tilespmem:s4+$0xFFFFFFB0] =	vst v10;
	v10 =	vunpack.i.l.bf16.f32 v23  }
0x103: {  	v16 =	vunpack.i.u.bf16.f32 v14;
	v14 =	vunpack.i.l.bf16.f32 v14;
	v17 =	vld [tilespmem:s12+$0xFFFFFFD0];
	[tilespmem:s4+$0xFFFFFFC0] =	vst v11;
	v10 =	vadd.f32 v15, v10  }
0x104: {  	v18 =	vmax.f32 v1, $0.0e+00;
	v11 =	vunpack.i.u.bf16.f32 v9;
	v9 =	vunpack.i.l.bf16.f32 v9;
	v15 =	vld [tilespmem:s14+$0xFFFFFFD0];
	[tilespmem:s4+$0x0] =	vst v3  }
0x105: {  	v1 =	vadd.f32 v9, v14;
	v3 =	vadd.f32 v11, v16;
	v9 =	vld [tilespmem:s12+$0xFFFFFFF0];
	[tilespmem:s4+$0x10] =	vst v4;
	v10 =	vmax.f32 v10, $0.0e+00  }
0x106: {  	v4 =	vunpack.i.u.bf16.f32 v12;
	v11 =	vunpack.i.l.bf16.f32 v12;
	v12 =	vld [tilespmem:s14+$0xFFFFFFF0];
	[tilespmem:s4+$0x50] =	vst v7  }
0x107: {  	v7 =	vunpack.i.u.bf16.f32 v13;
	v13 =	vunpack.i.l.bf16.f32 v13;
	v14 =	vmax.f32 v1, $0.0e+00;
	v16 =	vld [tilespmem:s12+$0x10];
	[tilespmem:s4+$0x60] =	vst v5  }
0x108: {  	v1 =	vadd.f32 v13, v11;
	v11 =	vunpack.i.u.bf16.f32 v17;
	v5 =	vunpack.i.l.bf16.f32 v17;
	v13 =	vld [tilespmem:s14+$0x10];
	[tilespmem:s4+$0xA0] =	vst v8  }
0x109: {  	v4 =	vadd.f32 v7, v4;
	v7 =	vunpack.i.u.bf16.f32 v15;
	v8 =	vunpack.i.l.bf16.f32 v15;
	v15 =	vld [tilespmem:s12+$0x30];
	[tilespmem:s4+$0xB0] =	vst v6  }
0x10a: {  	[tilespmem:s4+$0xFFFFFF30] =	vst v14;
	v5 =	vadd.f32 v8, v5;
	v8 =	vunpack.i.u.bf16.f32 v9;
	v9 =	vunpack.i.l.bf16.f32 v9;
	v17 =	vld [tilespmem:s14+$0x30]  }
.Ltmp2:
0x10b: {  	v6 =	vadd.f32 v7, v11;
	v14 =	vunpack.i.u.bf16.f32 v12;
	v7 =	vunpack.i.l.bf16.f32 v12;
	v11 =	vld [tilespmem:s12+$0x50];
	[tilespmem:s6+$0xC0] =	vst v2;
	(pc) =	sbr.rel @p1 .LBB2_7-.Ltmp2, $4  }
0x10c: {  	v7 =	vadd.f32 v7, v9;
	v19 =	vunpack.i.u.bf16.f32 v16;
	v9 =	vunpack.i.l.bf16.f32 v16;
	v2 =	vld [tilespmem:s14+$0x50];
	[tilespmem:s6+$0xD0] =	vst v18;
	s6 =	smov.u32 s4  }
0x10d: {  	v8 =	vadd.f32 v14, v8;
	v16 =	vunpack.i.u.bf16.f32 v13;
	v12 =	vunpack.i.l.bf16.f32 v13;
	[tilespmem:s4+$0x110] =	vst v10  }
0x10e: {  	v9 =	vadd.f32 v12, v9;
	v12 =	vunpack.i.u.bf16.f32 v15;
	v14 =	vunpack.i.l.bf16.f32 v15  }
0x10f: {  	s12 =	sadd.s32 $0x100, s12;
	v10 =	vadd.f32 v16, v19;
	v13 =	vunpack.i.u.bf16.f32 v17;
	v15 =	vunpack.i.l.bf16.f32 v17  }
0x110: {  	v1 =	vmax.f32 v1, $0.0e+00  }
0x111: {  	v3 =	vmax.f32 v3, $0.0e+00;
	[tilespmem:s4+$0xFFFFFEE0] =	vst v1  }
0x112: {  	v1 =	vmax.f32 v4, $0.0e+00;
	[tilespmem:s4+$0xFFFFFF40] =	vst v3  }
0x113: {  	v3 =	vmax.f32 v6, $0.0e+00;
	[tilespmem:s4+$0xFFFFFEF0] =	vst v1  }
0x114: {  	v6 =	vmax.f32 v9, $0.0e+00;
	[tilespmem:s4+$0xFFFFFF90] =	vst v3  }
0x115: {  	v1 =	vmax.f32 v5, $0.0e+00;
	[tilespmem:s6+$0x20] =	vst v6  }
0x116: {  	v4 =	vmax.f32 v8, $0.0e+00;
	[tilespmem:s4+$0xFFFFFF80] =	vst v1;
	v1 =	vmax.f32 v7, $0.0e+00  }
0x117: {  	v8 =	vmax.f32 v10, $0.0e+00;
	v3 =	vadd.f32 v15, v14;
	v7 =	vunpack.i.l.bf16.f32 v2;
	[tilespmem:s4+$0xFFFFFFD0] =	vst v1  }
0x118: {  	v2 =	vunpack.i.u.bf16.f32 v2;
	v1 =	vunpack.i.u.bf16.f32 v11;
	[tilespmem:s6+$0xFFFFFFE0] =	vst v4;
	v4 =	vadd.f32 v13, v12  }
0x119: {  	v5 =	vunpack.i.l.bf16.f32 v11;
	[tilespmem:s6+$0x30] =	vst v8;
	v3 =	vmax.f32 v3, $0.0e+00;
	v1 =	vadd.f32 v2, v1  }
0x11a: {  	v5 =	vadd.f32 v7, v5;
	[tilespmem:s6+$0x70] =	vst v3;
	v2 =	vmax.f32 v4, $0.0e+00  }
0x11b: {  	v1 =	vmax.f32 v1, $0.0e+00;
	[tilespmem:s6+$0x80] =	vst v2  }
0x11c: {  	v2 =	vmax.f32 v5, $0.0e+00;
	[tilespmem:s6+$0xD0] =	vst v1  }
0x11d: {  	s7 =	sadd.s32 $0x2760, s11;
	p1 =	seq.s32 s9, $0x1E;
	[tilespmem:s6+$0xC0] =	vst v2  }
0x11e: {  	[spmem:s3] =	stream.indirect.scatter.add.f32 [tilespmem:s19], [sflag:$0xA], $0x50, s7, s15, $0xb8;
	[tilespmem:$0x1CA20] =	vst v63  }
0x11f: {  	s4 =	sadd.s32 @!p1 $0x190, s10;
	s6 =	simm.s32 @!p1 $0x50;
	s7 =	simm.s32 @!p1 $0x5820  }
0x120: {  	[tilespmem:s7], [sflag:$0x2] =	stream.indirect.gather @!p1 [hbm4b:s0+s6], $0x20, s4, s6, $0xb8;
	[tilespmem:$0x1CA20] =	vst v63  }
0x121: {  	s4 =	sadd.s32 @!p1 $0x28A0, s10;
	s7 =	simm.s32 @!p1 $0x8020  }
0x122: {  	[tilespmem:s7], [sflag:$0x6] =	stream.indirect.gather @!p1 [hbm4b:s5+s6], $0x20, s4, s6, $0xb8;
	[tilespmem:$0x1CA20] =	vst v63  }
0x123: {  	_ =	swait.ge [sflag:s20], $0xA00  }
0x124: {  	[sflag:s20] =	ssyncset.done $0x0  }
0x125: {  	[sflag:s20] =	ssyncadd.s32 $0xFFFFF600  }
0x126: {  	_ =	swait.ge [sflag:s21], $0xA00  }
0x127: {  	[sflag:s21] =	ssyncset.done $0x0  }
0x128: {  	s4 =	simm.s32 @!p0 $0xB;
	[sflag:s21] =	ssyncadd.s32 $0xFFFFF600  }
0x129: {  	_ =	swait.ge @!p0 [sflag:s4], $0x1900  }
0x12a: {  	[sflag:s4] =	ssyncset.done @!p0 $0x0  }
0x12b: {  	s12 =	simm.s32 $0x62A0;
	[sflag:s4] =	ssyncadd.s32 @!p0 $0xFFFFE700  }
0x12c: {  	s14 =	simm.s32 $0x8AA0;
	v1 =	vld [tilespmem:s12+$0x60]  }
0x12d: {  	v2 =	vld [tilespmem:s14+$0x60]  }
0x12e: {  	v4 =	vld [tilespmem:s12+$0xFFFFFFA0]  }
0x12f: {  	v7 =	vld [tilespmem:s14+$0xFFFFFFC0]  }
0x130: {  	v10 =	vld [tilespmem:s12+$0xFFFFFFE0]  }
0x131: {  	v21 =	vld [tilespmem:s14+$0x40]  }
0x132: {  	v22 =	vld [tilespmem:s12+$0xFFFFFF80]  }
0x133: {  	v3 =	vld [tilespmem:s14+$0xFFFFFF80];
	v8 =	vunpack.i.l.bf16.f32 v1  }
0x134: {  	v9 =	vunpack.i.l.bf16.f32 v2;
	v1 =	vunpack.i.u.bf16.f32 v1;
	v2 =	vunpack.i.u.bf16.f32 v2  }
0x135: {  	v5 =	vld [tilespmem:s14+$0xFFFFFFA0];
	v12 =	vunpack.i.u.bf16.f32 v4;
	v4 =	vunpack.i.l.bf16.f32 v4;
	v15 =	vunpack.i.u.bf16.f32 v7  }
0x136: {  	v6 =	vld [tilespmem:s12+$0xFFFFFFC0];
	v7 =	vunpack.i.l.bf16.f32 v7;
	v17 =	vunpack.i.u.bf16.f32 v10;
	v10 =	vunpack.i.l.bf16.f32 v10  }
0x137: {  	v11 =	vld [tilespmem:s12+$0x0];
	v62 =	vunpack.i.u.bf16.f32 v21;
	v23 =	vunpack.i.l.bf16.f32 v22;
	v8 =	vadd.f32 v9, v8  }
0x138: {  	v13 =	vld [tilespmem:s14+$0x0];
	v1 =	vadd.f32 v2, v1;
	v2 =	vunpack.i.u.bf16.f32 v3;
	v3 =	vunpack.i.l.bf16.f32 v3  }
0x139: {  	s4 =	simm.s32 $0xD160;
	v14 =	vld [tilespmem:s12+$0x20];
	v21 =	vunpack.i.l.bf16.f32 v21;
	v3 =	vadd.f32 v3, v23;
	v8 =	vmax.f32 v8, $0.0e+00  }
0x13a: {  	v9 =	vld [tilespmem:s14+$0xFFFFFFE0];
	v1 =	vmax.f32 v1, $0.0e+00;
	[tilespmem:s4+$0xF0] =	vst v8;
	v8 =	vunpack.i.u.bf16.f32 v5;
	v5 =	vunpack.i.l.bf16.f32 v5  }
0x13b: {  	v20 =	vld [tilespmem:s12+$0x40];
	[tilespmem:s4+$0x100] =	vst v1;
	v1 =	vunpack.i.u.bf16.f32 v6;
	v6 =	vunpack.i.l.bf16.f32 v6;
	v3 =	vmax.f32 v3, $0.0e+00  }
0x13c: {  	v4 =	vadd.f32 v5, v4;
	v8 =	vadd.f32 v8, v12;
	v12 =	vunpack.i.u.bf16.f32 v11  }
0x13d: {  	v19 =	vld [tilespmem:s14+$0x20];
	v11 =	vunpack.i.l.bf16.f32 v11;
	v6 =	vadd.f32 v7, v6;
	v7 =	vunpack.i.u.bf16.f32 v13  }
0x13e: {  	v13 =	vunpack.i.l.bf16.f32 v13;
	v1 =	vadd.f32 v15, v1;
	v15 =	vunpack.i.u.bf16.f32 v14  }
0x13f: {  	v14 =	vunpack.i.l.bf16.f32 v14;
	v5 =	vunpack.i.u.bf16.f32 v9;
	v9 =	vunpack.i.l.bf16.f32 v9  }
0x140: {  	v7 =	vadd.f32 v7, v12;
	v12 =	vunpack.i.u.bf16.f32 v20;
	v9 =	vadd.f32 v9, v10  }
0x141: {  	v16 =	vld [tilespmem:s12+$0x70];
	[tilespmem:s4+$0xFFFFFEC0] =	vst v3;
	v4 =	vmax.f32 v4, $0.0e+00;
	v5 =	vadd.f32 v5, v17;
	v10 =	vadd.f32 v13, v11  }
0x142: {  	v17 =	vunpack.i.u.bf16.f32 v19;
	v19 =	vunpack.i.l.bf16.f32 v19;
	v8 =	vmax.f32 v8, $0.0e+00;
	[tilespmem:s4+$0xFFFFFF10] =	vst v4  }
0x143: {  	v18 =	vld [tilespmem:s14+$0x70];
	v12 =	vadd.f32 v62, v12;
	v1 =	vmax.f32 v1, $0.0e+00;
	v4 =	vunpack.i.u.bf16.f32 v22;
	[tilespmem:s4+$0xFFFFFF20] =	vst v8  }
0x144: {  	v14 =	vadd.f32 v19, v14;
	[tilespmem:s4+$0xFFFFFF70] =	vst v1;
	v2 =	vadd.f32 v2, v4;
	v4 =	vmax.f32 v6, $0.0e+00  }
0x145: {  	v6 =	vadd.f32 v17, v15;
	v8 =	vld [tilespmem:s12+$0xFFFFFFB0];
	v9 =	vmax.f32 v9, $0.0e+00;
	v5 =	vmax.f32 v5, $0.0e+00;
	[tilespmem:s4+$0xFFFFFF60] =	vst v4  }
0x146: {  	v3 =	vld [tilespmem:s14+$0xFFFFFFB0];
	v12 =	vmax.f32 v12, $0.0e+00;
	v11 =	vunpack.i.u.bf16.f32 v16;
	[tilespmem:s4+$0xFFFFFFB0] =	vst v9;
	v2 =	vmax.f32 v2, $0.0e+00  }
0x147: {  	v4 =	vmax.f32 v7, $0.0e+00;
	v7 =	vmax.f32 v14, $0.0e+00;
	v14 =	vunpack.i.l.bf16.f32 v16;
	v16 =	vld [tilespmem:s12+$0xFFFFFFD0];
	[tilespmem:s4+$0xFFFFFED0] =	vst v2  }
0x148: {  	v13 =	vunpack.i.u.bf16.f32 v18;
	v9 =	vunpack.i.l.bf16.f32 v18;
	[tilespmem:s4+$0xFFFFFFC0] =	vst v5;
	v2 =	vmax.f32 v10, $0.0e+00;
	v10 =	vld [tilespmem:s12+$0xFFFFFF90]  }
0x149: {  	v11 =	vadd.f32 v13, v11;
	v13 =	vunpack.i.l.bf16.f32 v20;
	v1 =	vmax.f32 v6, $0.0e+00;
	[tilespmem:s4+$0x50] =	vst v7;
	v6 =	vld [tilespmem:s14+$0xFFFFFF90]  }
0x14a: {  	v5 =	vadd.f32 v9, v14;
	v14 =	vld [tilespmem:s14+$0xFFFFFFD0];
	v13 =	vadd.f32 v21, v13;
	[tilespmem:s4+$0x60] =	vst v1;
	v15 =	vunpack.i.u.bf16.f32 v8  }
0x14b: {  	v17 =	vld [tilespmem:s12+$0x30];
	v8 =	vunpack.i.l.bf16.f32 v8;
	v9 =	vunpack.i.u.bf16.f32 v3;
	v3 =	vunpack.i.l.bf16.f32 v3  }
0x14c: {  	v11 =	vmax.f32 v11, $0.0e+00;
	[tilespmem:s4+$0x0] =	vst v2;
	v13 =	vmax.f32 v13, $0.0e+00;
	v2 =	vadd.f32 v3, v8;
	v8 =	vld [tilespmem:s12+$0xFFFFFFF0]  }
0x14d: {  	[tilespmem:s4+$0x10] =	vst v4;
	v3 =	vadd.f32 v9, v15;
	v15 =	vmax.f32 v5, $0.0e+00;
	v9 =	vld [tilespmem:s14+$0xFFFFFFF0];
	v4 =	vunpack.i.u.bf16.f32 v10  }
0x14e: {  	v63 =	vld [tilespmem:s14+$0x30];
	v5 =	vunpack.i.l.bf16.f32 v10;
	v7 =	vunpack.i.u.bf16.f32 v6;
	v6 =	vunpack.i.l.bf16.f32 v6  }
0x14f: {  	v10 =	vld [tilespmem:s12+$0x10];
	v1 =	vadd.f32 v6, v5;
	v6 =	vunpack.i.u.bf16.f32 v16;
	v5 =	vunpack.i.l.bf16.f32 v16  }
0x150: {  	[tilespmem:s4+$0xB0] =	vst v12;
	v16 =	vld [tilespmem:s14+$0x10];
	v4 =	vadd.f32 v7, v4;
	v7 =	vunpack.i.u.bf16.f32 v14;
	v14 =	vunpack.i.l.bf16.f32 v14  }
0x151: {  	[tilespmem:s4+$0x120] =	vst v11;
	v5 =	vadd.f32 v14, v5;
	v14 =	vunpack.i.u.bf16.f32 v8;
	v8 =	vunpack.i.l.bf16.f32 v8  }
0x152: {  	[tilespmem:s4+$0xA0] =	vst v13;
	v6 =	vadd.f32 v7, v6;
	v11 =	vunpack.i.u.bf16.f32 v9;
	v7 =	vunpack.i.l.bf16.f32 v9  }
0x153: {  	[tilespmem:s4+$0x110] =	vst v15;
	v2 =	vmax.f32 v2, $0.0e+00;
	v7 =	vadd.f32 v7, v8;
	v8 =	vadd.f32 v11, v14;
	v11 =	vld [tilespmem:s12+$0x50]  }
0x154: {  	[tilespmem:s4+$0xFFFFFF30] =	vst v2;
	v2 =	vld [tilespmem:s14+$0x50];
	v15 =	vunpack.i.l.bf16.f32 v63  }
0x155: {  	v14 =	vunpack.i.l.bf16.f32 v17;
	v9 =	vunpack.i.l.bf16.f32 v10;
	v12 =	vunpack.i.l.bf16.f32 v16  }
0x156: {  	v13 =	vunpack.i.u.bf16.f32 v10;
	v10 =	vunpack.i.u.bf16.f32 v16;
	v9 =	vadd.f32 v12, v9  }
0x157: {  	s7 =	simm.s32 $0x0;
	s6 =	simm.s32 $0xD160;
	s12 =	simm.s32 $0x63A0;
	v12 =	vunpack.i.u.bf16.f32 v17;
	v10 =	vadd.f32 v10, v13;
	v13 =	vunpack.i.u.bf16.f32 v63  }
.LBB2_9:
0x158: {  	v16 =	vld [tilespmem:s12+$0x60];
	v14 =	vadd.f32 v15, v14;
	v15 =	vunpack.i.u.bf16.f32 v11;
	v11 =	vunpack.i.l.bf16.f32 v11;
	s14 =	sadd.s32 $0x100, s14  }
0x159: {  	v12 =	vadd.f32 v13, v12;
	v17 =	vld [tilespmem:s14+$0x60];
	v13 =	vunpack.i.u.bf16.f32 v2;
	v2 =	vunpack.i.l.bf16.f32 v2  }
0x15a: {  	v19 =	vmax.f32 v1, $0.0e+00;
	v18 =	vld [tilespmem:s14+$0xFFFFFF80];
	v2 =	vadd.f32 v2, v11;
	v1 =	vadd.f32 v13, v15  }
0x15b: {  	s7 =	sadd.s32 $0x8, s7;
	v4 =	vmax.f32 v4, $0.0e+00;
	v3 =	vmax.f32 v3, $0.0e+00;
	v5 =	vmax.f32 v5, $0.0e+00;
	v11 =	vld [tilespmem:s12+$0xFFFFFFA0];
	[tilespmem:s4+$0xFFFFFEE0] =	vst v19  }
0x15c: {  	p2 =	slt.u32 s7, $0x48;
	v13 =	vld [tilespmem:s14+$0xFFFFFFA0];
	[tilespmem:s4+$0xFFFFFEF0] =	vst v4;
	v4 =	vmax.f32 v6, $0.0e+00;
	v6 =	vmax.f32 v7, $0.0e+00;
	v7 =	vmax.f32 v8, $0.0e+00  }
0x15d: {  	v8 =	vld [tilespmem:s12+$0xFFFFFFC0];
	[tilespmem:s4+$0xFFFFFF40] =	vst v3;
	v3 =	vmax.f32 v9, $0.0e+00;
	v9 =	vmax.f32 v10, $0.0e+00;
	v10 =	vmax.f32 v14, $0.0e+00  }
0x15e: {  	v15 =	vunpack.i.l.bf16.f32 v16;
	v14 =	vld [tilespmem:s14+$0xFFFFFFC0];
	v19 =	vunpack.i.l.bf16.f32 v17;
	[tilespmem:s4+$0xFFFFFF80] =	vst v5;
	v5 =	vmax.f32 v12, $0.0e+00  }
0x15f: {  	v16 =	vunpack.i.u.bf16.f32 v16;
	v17 =	vunpack.i.u.bf16.f32 v17;
	v12 =	vld [tilespmem:s12+$0xFFFFFFE0];
	v15 =	vadd.f32 v19, v15;
	[tilespmem:s4+$0xFFFFFF90] =	vst v4  }
0x160: {  	v4 =	vunpack.i.u.bf16.f32 v18;
	v18 =	vunpack.i.l.bf16.f32 v18;
	v16 =	vadd.f32 v17, v16;
	v19 =	vld [tilespmem:s14+$0xFFFFFFE0];
	[tilespmem:s4+$0xFFFFFFD0] =	vst v6  }
0x161: {  	v6 =	vunpack.i.u.bf16.f32 v11;
	v11 =	vunpack.i.l.bf16.f32 v11;
	s4 =	sadd.s32 $0x280, s4;
	v17 =	vld [tilespmem:s12+$0x0];
	v15 =	vmax.f32 v15, $0.0e+00;
	[tilespmem:s6+$0xFFFFFFE0] =	vst v7  }
0x162: {  	v7 =	vunpack.i.u.bf16.f32 v13;
	v13 =	vunpack.i.l.bf16.f32 v13;
	v20 =	vld [tilespmem:s14+$0x0];
	[tilespmem:s4+$0xF0] =	vst v15;
	v15 =	vmax.f32 v16, $0.0e+00  }
0x163: {  	v16 =	vunpack.i.u.bf16.f32 v8;
	v8 =	vunpack.i.l.bf16.f32 v8;
	v21 =	vunpack.i.u.bf16.f32 v14;
	v22 =	vld [tilespmem:s12+$0x20];
	[tilespmem:s4+$0x100] =	vst v15  }
0x164: {  	v14 =	vunpack.i.l.bf16.f32 v14;
	v15 =	vunpack.i.u.bf16.f32 v12;
	v12 =	vunpack.i.l.bf16.f32 v12;
	v23 =	vld [tilespmem:s12+$0x70];
	[tilespmem:s6+$0x20] =	vst v3  }
0x165: {  	v3 =	vadd.f32 v13, v11;
	v11 =	vunpack.i.u.bf16.f32 v19;
	v13 =	vunpack.i.l.bf16.f32 v19;
	v19 =	vld [tilespmem:s14+$0x70];
	[tilespmem:s6+$0x30] =	vst v9  }
0x166: {  	v6 =	vadd.f32 v7, v6;
	v7 =	vunpack.i.u.bf16.f32 v17;
	v9 =	vunpack.i.l.bf16.f32 v17;
	v17 =	vld [tilespmem:s14+$0x20];
	[tilespmem:s6+$0x70] =	vst v10  }
0x167: {  	v8 =	vadd.f32 v14, v8;
	v10 =	vunpack.i.u.bf16.f32 v20;
	v14 =	vunpack.i.l.bf16.f32 v20;
	v20 =	vld [tilespmem:s12+$0x40];
	[tilespmem:s6+$0x80] =	vst v5  }
0x168: {  	v5 =	vadd.f32 v21, v16;
	v16 =	vunpack.i.u.bf16.f32 v22;
	v21 =	vunpack.i.l.bf16.f32 v22;
	v22 =	vld [tilespmem:s14+$0x40]  }
0x169: {  	v3 =	vmax.f32 v3, $0.0e+00;
	v12 =	vadd.f32 v13, v12;
	v11 =	vadd.f32 v11, v15;
	v24 =	vld [tilespmem:s12+$0xFFFFFF80]  }
0x16a: {  	[tilespmem:s4+$0xFFFFFF10] =	vst v3;
	v3 =	vadd.f32 v14, v9;
	v9 =	vunpack.i.u.bf16.f32 v23;
	v13 =	vunpack.i.u.bf16.f32 v19  }
0x16b: {  	v14 =	vunpack.i.u.bf16.f32 v17;
	v15 =	vunpack.i.l.bf16.f32 v17;
	v9 =	vadd.f32 v13, v9  }
0x16c: {  	v7 =	vadd.f32 v10, v7;
	v10 =	vunpack.i.u.bf16.f32 v20;
	v13 =	vunpack.i.l.bf16.f32 v20  }
0x16d: {  	v17 =	vunpack.i.u.bf16.f32 v22;
	v20 =	vunpack.i.l.bf16.f32 v22;
	v9 =	vmax.f32 v9, $0.0e+00  }
0x16e: {  	v15 =	vadd.f32 v15, v21;
	v22 =	vunpack.i.u.bf16.f32 v24;
	v24 =	vunpack.i.l.bf16.f32 v24;
	[tilespmem:s4+$0x120] =	vst v9  }
0x16f: {  	v6 =	vmax.f32 v6, $0.0e+00;
	v9 =	vadd.f32 v18, v24;
	v4 =	vadd.f32 v4, v22  }
0x170: {  	v13 =	vadd.f32 v20, v13;
	[tilespmem:s4+$0xFFFFFF20] =	vst v6;
	v6 =	vmax.f32 v8, $0.0e+00;
	v8 =	vadd.f32 v14, v16  }
0x171: {  	v9 =	vmax.f32 v9, $0.0e+00;
	v4 =	vmax.f32 v4, $0.0e+00;
	v14 =	vld [tilespmem:s12+$0xFFFFFFB0];
	[tilespmem:s4+$0xFFFFFF60] =	vst v6;
	v6 =	vadd.f32 v17, v10  }
0x172: {  	v11 =	vmax.f32 v11, $0.0e+00;
	v5 =	vmax.f32 v5, $0.0e+00;
	v10 =	vmax.f32 v12, $0.0e+00;
	[tilespmem:s4+$0xFFFFFEC0] =	vst v9;
	v9 =	vld [tilespmem:s14+$0xFFFFFFB0]  }
0x173: {  	v3 =	vmax.f32 v3, $0.0e+00;
	[tilespmem:s4+$0xFFFFFED0] =	vst v4;
	v4 =	vmax.f32 v7, $0.0e+00;
	v7 =	vmax.f32 v15, $0.0e+00  }
0x174: {  	v6 =	vmax.f32 v6, $0.0e+00;
	v12 =	vld [tilespmem:s12+$0xFFFFFF90];
	[tilespmem:s4+$0xFFFFFF70] =	vst v5;
	v5 =	vmax.f32 v8, $0.0e+00;
	v8 =	vmax.f32 v13, $0.0e+00  }
0x175: {  	v2 =	vmax.f32 v2, $0.0e+00;
	v15 =	vunpack.i.l.bf16.f32 v19;
	v13 =	vld [tilespmem:s14+$0xFFFFFF90];
	[tilespmem:s4+$0xFFFFFFB0] =	vst v10;
	v10 =	vunpack.i.l.bf16.f32 v23  }
0x176: {  	v16 =	vunpack.i.u.bf16.f32 v14;
	v14 =	vunpack.i.l.bf16.f32 v14;
	v17 =	vld [tilespmem:s12+$0xFFFFFFD0];
	[tilespmem:s4+$0xFFFFFFC0] =	vst v11;
	v10 =	vadd.f32 v15, v10  }
0x177: {  	v18 =	vmax.f32 v1, $0.0e+00;
	v11 =	vunpack.i.u.bf16.f32 v9;
	v9 =	vunpack.i.l.bf16.f32 v9;
	v15 =	vld [tilespmem:s14+$0xFFFFFFD0];
	[tilespmem:s4+$0x0] =	vst v3  }
0x178: {  	v1 =	vadd.f32 v9, v14;
	v3 =	vadd.f32 v11, v16;
	v9 =	vld [tilespmem:s12+$0xFFFFFFF0];
	[tilespmem:s4+$0x10] =	vst v4;
	v10 =	vmax.f32 v10, $0.0e+00  }
0x179: {  	v4 =	vunpack.i.u.bf16.f32 v12;
	v11 =	vunpack.i.l.bf16.f32 v12;
	v12 =	vld [tilespmem:s14+$0xFFFFFFF0];
	[tilespmem:s4+$0x50] =	vst v7  }
0x17a: {  	v7 =	vunpack.i.u.bf16.f32 v13;
	v13 =	vunpack.i.l.bf16.f32 v13;
	v14 =	vmax.f32 v1, $0.0e+00;
	v16 =	vld [tilespmem:s12+$0x10];
	[tilespmem:s4+$0x60] =	vst v5  }
0x17b: {  	v1 =	vadd.f32 v13, v11;
	v11 =	vunpack.i.u.bf16.f32 v17;
	v5 =	vunpack.i.l.bf16.f32 v17;
	v13 =	vld [tilespmem:s14+$0x10];
	[tilespmem:s4+$0xA0] =	vst v8  }
0x17c: {  	v4 =	vadd.f32 v7, v4;
	v7 =	vunpack.i.u.bf16.f32 v15;
	v8 =	vunpack.i.l.bf16.f32 v15;
	v15 =	vld [tilespmem:s12+$0x30];
	[tilespmem:s4+$0xB0] =	vst v6  }
0x17d: {  	[tilespmem:s4+$0xFFFFFF30] =	vst v14;
	v5 =	vadd.f32 v8, v5;
	v8 =	vunpack.i.u.bf16.f32 v9;
	v9 =	vunpack.i.l.bf16.f32 v9;
	v17 =	vld [tilespmem:s14+$0x30]  }
.Ltmp3:
0x17e: {  	v6 =	vadd.f32 v7, v11;
	v14 =	vunpack.i.u.bf16.f32 v12;
	v7 =	vunpack.i.l.bf16.f32 v12;
	v11 =	vld [tilespmem:s12+$0x50];
	[tilespmem:s6+$0xC0] =	vst v2;
	(pc) =	sbr.rel @p2 .LBB2_9-.Ltmp3, $4  }
0x17f: {  	v7 =	vadd.f32 v7, v9;
	v19 =	vunpack.i.u.bf16.f32 v16;
	v9 =	vunpack.i.l.bf16.f32 v16;
	v2 =	vld [tilespmem:s14+$0x50];
	[tilespmem:s6+$0xD0] =	vst v18;
	s6 =	smov.u32 s4  }
0x180: {  	v8 =	vadd.f32 v14, v8;
	v16 =	vunpack.i.u.bf16.f32 v13;
	v12 =	vunpack.i.l.bf16.f32 v13;
	[tilespmem:s4+$0x110] =	vst v10  }
0x181: {  	v9 =	vadd.f32 v12, v9;
	v12 =	vunpack.i.u.bf16.f32 v15;
	v14 =	vunpack.i.l.bf16.f32 v15  }
0x182: {  	s12 =	sadd.s32 $0x100, s12;
	v10 =	vadd.f32 v16, v19;
	v13 =	vunpack.i.u.bf16.f32 v17;
	v15 =	vunpack.i.l.bf16.f32 v17  }
0x183: {  	v1 =	vmax.f32 v1, $0.0e+00  }
0x184: {  	v3 =	vmax.f32 v3, $0.0e+00;
	[tilespmem:s4+$0xFFFFFEE0] =	vst v1  }
0x185: {  	v1 =	vmax.f32 v4, $0.0e+00;
	[tilespmem:s4+$0xFFFFFF40] =	vst v3  }
0x186: {  	v3 =	vmax.f32 v6, $0.0e+00;
	[tilespmem:s4+$0xFFFFFEF0] =	vst v1  }
0x187: {  	v6 =	vmax.f32 v9, $0.0e+00;
	[tilespmem:s4+$0xFFFFFF90] =	vst v3  }
0x188: {  	v1 =	vmax.f32 v5, $0.0e+00;
	[tilespmem:s6+$0x20] =	vst v6  }
0x189: {  	v4 =	vmax.f32 v8, $0.0e+00;
	[tilespmem:s4+$0xFFFFFF80] =	vst v1;
	v1 =	vmax.f32 v7, $0.0e+00  }
0x18a: {  	v8 =	vmax.f32 v10, $0.0e+00;
	v3 =	vadd.f32 v15, v14;
	v7 =	vunpack.i.l.bf16.f32 v2;
	[tilespmem:s4+$0xFFFFFFD0] =	vst v1  }
0x18b: {  	v2 =	vunpack.i.u.bf16.f32 v2;
	v1 =	vunpack.i.u.bf16.f32 v11;
	[tilespmem:s6+$0xFFFFFFE0] =	vst v4;
	v4 =	vadd.f32 v13, v12  }
0x18c: {  	v5 =	vunpack.i.l.bf16.f32 v11;
	[tilespmem:s6+$0x30] =	vst v8;
	v3 =	vmax.f32 v3, $0.0e+00;
	v1 =	vadd.f32 v2, v1  }
0x18d: {  	v5 =	vadd.f32 v7, v5;
	[tilespmem:s6+$0x70] =	vst v3;
	v2 =	vmax.f32 v4, $0.0e+00  }
0x18e: {  	v1 =	vmax.f32 v1, $0.0e+00;
	[tilespmem:s6+$0x80] =	vst v2  }
0x18f: {  	v2 =	vmax.f32 v5, $0.0e+00;
	[tilespmem:s6+$0xD0] =	vst v1  }
0x190: {  	s7 =	sadd.s32 $0x27B0, s11;
	[tilespmem:s6+$0xC0] =	vst v2  }
0x191: {  	[spmem:s3] =	stream.indirect.scatter.add.f32 [tilespmem:s22], [sflag:$0xB], $0x50, s7, s15, $0xb8;
	[tilespmem:$0x1CA20] =	vst v63  }
0x192: {  	s4 =	sadd.s32 @!p1 $0x1E0, s10;
	s6 =	simm.s32 @!p1 $0x50;
	s7 =	simm.s32 @!p1 $0x6220  }
0x193: {  	[tilespmem:s7], [sflag:$0x3] =	stream.indirect.gather @!p1 [hbm4b:s0+s6], $0x20, s4, s6, $0xb8;
	[tilespmem:$0x1CA20] =	vst v63  }
0x194: {  	s4 =	sadd.s32 @!p1 $0x28F0, s10;
	s7 =	simm.s32 @!p1 $0x8A20  }
0x195: {  	[tilespmem:s7], [sflag:$0x7] =	stream.indirect.gather @!p1 [hbm4b:s5+s6], $0x20, s4, s6, $0xb8;
	[tilespmem:$0x1CA20] =	vst v63  }
0x196: {  	_ =	swait.ge [sflag:s23], $0xA00  }
0x197: {  	[sflag:s23] =	ssyncset.done $0x0  }
0x198: {  	[sflag:s23] =	ssyncadd.s32 $0xFFFFF600  }
0x199: {  	_ =	swait.ge [sflag:s24], $0xA00  }
0x19a: {  	[sflag:s24] =	ssyncset.done $0x0  }
0x19b: {  	s4 =	simm.s32 @!p0 $0xC;
	[sflag:s24] =	ssyncadd.s32 $0xFFFFF600  }
0x19c: {  	_ =	swait.ge @!p0 [sflag:s4], $0x1900  }
0x19d: {  	[sflag:s4] =	ssyncset.done @!p0 $0x0  }
0x19e: {  	s12 =	simm.s32 $0x6CA0;
	[sflag:s4] =	ssyncadd.s32 @!p0 $0xFFFFE700  }
0x19f: {  	s14 =	simm.s32 $0x94A0;
	v1 =	vld [tilespmem:s12+$0x60]  }
0x1a0: {  	v2 =	vld [tilespmem:s14+$0x60]  }
0x1a1: {  	v4 =	vld [tilespmem:s12+$0xFFFFFFA0]  }
0x1a2: {  	v7 =	vld [tilespmem:s14+$0xFFFFFFC0]  }
0x1a3: {  	v10 =	vld [tilespmem:s12+$0xFFFFFFE0]  }
0x1a4: {  	v21 =	vld [tilespmem:s14+$0x40]  }
0x1a5: {  	v22 =	vld [tilespmem:s12+$0xFFFFFF80]  }
0x1a6: {  	v3 =	vld [tilespmem:s14+$0xFFFFFF80];
	v8 =	vunpack.i.l.bf16.f32 v1  }
0x1a7: {  	v9 =	vunpack.i.l.bf16.f32 v2;
	v1 =	vunpack.i.u.bf16.f32 v1;
	v2 =	vunpack.i.u.bf16.f32 v2  }
0x1a8: {  	v5 =	vld [tilespmem:s14+$0xFFFFFFA0];
	v12 =	vunpack.i.u.bf16.f32 v4;
	v4 =	vunpack.i.l.bf16.f32 v4;
	v15 =	vunpack.i.u.bf16.f32 v7  }
0x1a9: {  	v6 =	vld [tilespmem:s12+$0xFFFFFFC0];
	v7 =	vunpack.i.l.bf16.f32 v7;
	v17 =	vunpack.i.u.bf16.f32 v10;
	v10 =	vunpack.i.l.bf16.f32 v10  }
0x1aa: {  	v11 =	vld [tilespmem:s12+$0x0];
	v62 =	vunpack.i.u.bf16.f32 v21;
	v23 =	vunpack.i.l.bf16.f32 v22;
	v8 =	vadd.f32 v9, v8  }
0x1ab: {  	v13 =	vld [tilespmem:s14+$0x0];
	v1 =	vadd.f32 v2, v1;
	v2 =	vunpack.i.u.bf16.f32 v3;
	v3 =	vunpack.i.l.bf16.f32 v3  }
0x1ac: {  	s4 =	simm.s32 $0xEA60;
	v14 =	vld [tilespmem:s12+$0x20];
	v21 =	vunpack.i.l.bf16.f32 v21;
	v3 =	vadd.f32 v3, v23;
	v8 =	vmax.f32 v8, $0.0e+00  }
0x1ad: {  	v9 =	vld [tilespmem:s14+$0xFFFFFFE0];
	v1 =	vmax.f32 v1, $0.0e+00;
	[tilespmem:s4+$0xF0] =	vst v8;
	v8 =	vunpack.i.u.bf16.f32 v5;
	v5 =	vunpack.i.l.bf16.f32 v5  }
0x1ae: {  	v20 =	vld [tilespmem:s12+$0x40];
	[tilespmem:s4+$0x100] =	vst v1;
	v1 =	vunpack.i.u.bf16.f32 v6;
	v6 =	vunpack.i.l.bf16.f32 v6;
	v3 =	vmax.f32 v3, $0.0e+00  }
0x1af: {  	v4 =	vadd.f32 v5, v4;
	v8 =	vadd.f32 v8, v12;
	v12 =	vunpack.i.u.bf16.f32 v11  }
0x1b0: {  	v19 =	vld [tilespmem:s14+$0x20];
	v11 =	vunpack.i.l.bf16.f32 v11;
	v6 =	vadd.f32 v7, v6;
	v7 =	vunpack.i.u.bf16.f32 v13  }
0x1b1: {  	v13 =	vunpack.i.l.bf16.f32 v13;
	v1 =	vadd.f32 v15, v1;
	v15 =	vunpack.i.u.bf16.f32 v14  }
0x1b2: {  	v14 =	vunpack.i.l.bf16.f32 v14;
	v5 =	vunpack.i.u.bf16.f32 v9;
	v9 =	vunpack.i.l.bf16.f32 v9  }
0x1b3: {  	v7 =	vadd.f32 v7, v12;
	v12 =	vunpack.i.u.bf16.f32 v20;
	v9 =	vadd.f32 v9, v10  }
0x1b4: {  	v16 =	vld [tilespmem:s12+$0x70];
	[tilespmem:s4+$0xFFFFFEC0] =	vst v3;
	v4 =	vmax.f32 v4, $0.0e+00;
	v5 =	vadd.f32 v5, v17;
	v10 =	vadd.f32 v13, v11  }
0x1b5: {  	v17 =	vunpack.i.u.bf16.f32 v19;
	v19 =	vunpack.i.l.bf16.f32 v19;
	v8 =	vmax.f32 v8, $0.0e+00;
	[tilespmem:s4+$0xFFFFFF10] =	vst v4  }
0x1b6: {  	v18 =	vld [tilespmem:s14+$0x70];
	v12 =	vadd.f32 v62, v12;
	v1 =	vmax.f32 v1, $0.0e+00;
	v4 =	vunpack.i.u.bf16.f32 v22;
	[tilespmem:s4+$0xFFFFFF20] =	vst v8  }
0x1b7: {  	v14 =	vadd.f32 v19, v14;
	[tilespmem:s4+$0xFFFFFF70] =	vst v1;
	v2 =	vadd.f32 v2, v4;
	v4 =	vmax.f32 v6, $0.0e+00  }
0x1b8: {  	v6 =	vadd.f32 v17, v15;
	v8 =	vld [tilespmem:s12+$0xFFFFFFB0];
	v9 =	vmax.f32 v9, $0.0e+00;
	v5 =	vmax.f32 v5, $0.0e+00;
	[tilespmem:s4+$0xFFFFFF60] =	vst v4  }
0x1b9: {  	v3 =	vld [tilespmem:s14+$0xFFFFFFB0];
	v12 =	vmax.f32 v12, $0.0e+00;
	v11 =	vunpack.i.u.bf16.f32 v16;
	[tilespmem:s4+$0xFFFFFFB0] =	vst v9;
	v2 =	vmax.f32 v2, $0.0e+00  }
0x1ba: {  	v4 =	vmax.f32 v7, $0.0e+00;
	v7 =	vmax.f32 v14, $0.0e+00;
	v14 =	vunpack.i.l.bf16.f32 v16;
	v16 =	vld [tilespmem:s12+$0xFFFFFFD0];
	[tilespmem:s4+$0xFFFFFED0] =	vst v2  }
0x1bb: {  	v13 =	vunpack.i.u.bf16.f32 v18;
	v9 =	vunpack.i.l.bf16.f32 v18;
	[tilespmem:s4+$0xFFFFFFC0] =	vst v5;
	v2 =	vmax.f32 v10, $0.0e+00;
	v10 =	vld [tilespmem:s12+$0xFFFFFF90]  }
0x1bc: {  	v11 =	vadd.f32 v13, v11;
	v13 =	vunpack.i.l.bf16.f32 v20;
	v1 =	vmax.f32 v6, $0.0e+00;
	[tilespmem:s4+$0x50] =	vst v7;
	v6 =	vld [tilespmem:s14+$0xFFFFFF90]  }
0x1bd: {  	v5 =	vadd.f32 v9, v14;
	v14 =	vld [tilespmem:s14+$0xFFFFFFD0];
	v13 =	vadd.f32 v21, v13;
	[tilespmem:s4+$0x60] =	vst v1;
	v15 =	vunpack.i.u.bf16.f32 v8  }
0x1be: {  	v17 =	vld [tilespmem:s12+$0x30];
	v8 =	vunpack.i.l.bf16.f32 v8;
	v9 =	vunpack.i.u.bf16.f32 v3;
	v3 =	vunpack.i.l.bf16.f32 v3  }
0x1bf: {  	v11 =	vmax.f32 v11, $0.0e+00;
	[tilespmem:s4+$0x0] =	vst v2;
	v13 =	vmax.f32 v13, $0.0e+00;
	v2 =	vadd.f32 v3, v8;
	v8 =	vld [tilespmem:s12+$0xFFFFFFF0]  }
0x1c0: {  	[tilespmem:s4+$0x10] =	vst v4;
	v3 =	vadd.f32 v9, v15;
	v15 =	vmax.f32 v5, $0.0e+00;
	v9 =	vld [tilespmem:s14+$0xFFFFFFF0];
	v4 =	vunpack.i.u.bf16.f32 v10  }
0x1c1: {  	v63 =	vld [tilespmem:s14+$0x30];
	v5 =	vunpack.i.l.bf16.f32 v10;
	v7 =	vunpack.i.u.bf16.f32 v6;
	v6 =	vunpack.i.l.bf16.f32 v6  }
0x1c2: {  	v10 =	vld [tilespmem:s12+$0x10];
	v1 =	vadd.f32 v6, v5;
	v6 =	vunpack.i.u.bf16.f32 v16;
	v5 =	vunpack.i.l.bf16.f32 v16  }
0x1c3: {  	[tilespmem:s4+$0xB0] =	vst v12;
	v16 =	vld [tilespmem:s14+$0x10];
	v4 =	vadd.f32 v7, v4;
	v7 =	vunpack.i.u.bf16.f32 v14;
	v14 =	vunpack.i.l.bf16.f32 v14  }
0x1c4: {  	[tilespmem:s4+$0x120] =	vst v11;
	v5 =	vadd.f32 v14, v5;
	v14 =	vunpack.i.u.bf16.f32 v8;
	v8 =	vunpack.i.l.bf16.f32 v8  }
0x1c5: {  	[tilespmem:s4+$0xA0] =	vst v13;
	v6 =	vadd.f32 v7, v6;
	v11 =	vunpack.i.u.bf16.f32 v9;
	v7 =	vunpack.i.l.bf16.f32 v9  }
0x1c6: {  	[tilespmem:s4+$0x110] =	vst v15;
	v2 =	vmax.f32 v2, $0.0e+00;
	v7 =	vadd.f32 v7, v8;
	v8 =	vadd.f32 v11, v14;
	v11 =	vld [tilespmem:s12+$0x50]  }
0x1c7: {  	[tilespmem:s4+$0xFFFFFF30] =	vst v2;
	v2 =	vld [tilespmem:s14+$0x50];
	v15 =	vunpack.i.l.bf16.f32 v63  }
0x1c8: {  	v14 =	vunpack.i.l.bf16.f32 v17;
	v9 =	vunpack.i.l.bf16.f32 v10;
	v12 =	vunpack.i.l.bf16.f32 v16  }
0x1c9: {  	v13 =	vunpack.i.u.bf16.f32 v10;
	v10 =	vunpack.i.u.bf16.f32 v16;
	v9 =	vadd.f32 v12, v9  }
0x1ca: {  	s7 =	simm.s32 $0x0;
	s6 =	simm.s32 $0xEA60;
	s12 =	simm.s32 $0x6DA0;
	v12 =	vunpack.i.u.bf16.f32 v17;
	v10 =	vadd.f32 v10, v13;
	v13 =	vunpack.i.u.bf16.f32 v63  }
.LBB2_11:
0x1cb: {  	v16 =	vld [tilespmem:s12+$0x60];
	v14 =	vadd.f32 v15, v14;
	v15 =	vunpack.i.u.bf16.f32 v11;
	v11 =	vunpack.i.l.bf16.f32 v11;
	s14 =	sadd.s32 $0x100, s14  }
0x1cc: {  	v12 =	vadd.f32 v13, v12;
	v17 =	vld [tilespmem:s14+$0x60];
	v13 =	vunpack.i.u.bf16.f32 v2;
	v2 =	vunpack.i.l.bf16.f32 v2  }
0x1cd: {  	v19 =	vmax.f32 v1, $0.0e+00;
	v18 =	vld [tilespmem:s14+$0xFFFFFF80];
	v2 =	vadd.f32 v2, v11;
	v1 =	vadd.f32 v13, v15  }
0x1ce: {  	s7 =	sadd.s32 $0x8, s7;
	v4 =	vmax.f32 v4, $0.0e+00;
	v3 =	vmax.f32 v3, $0.0e+00;
	v5 =	vmax.f32 v5, $0.0e+00;
	v11 =	vld [tilespmem:s12+$0xFFFFFFA0];
	[tilespmem:s4+$0xFFFFFEE0] =	vst v19  }
0x1cf: {  	p0 =	slt.u32 s7, $0x48;
	v13 =	vld [tilespmem:s14+$0xFFFFFFA0];
	[tilespmem:s4+$0xFFFFFEF0] =	vst v4;
	v4 =	vmax.f32 v6, $0.0e+00;
	v6 =	vmax.f32 v7, $0.0e+00;
	v7 =	vmax.f32 v8, $0.0e+00  }
0x1d0: {  	v8 =	vld [tilespmem:s12+$0xFFFFFFC0];
	[tilespmem:s4+$0xFFFFFF40] =	vst v3;
	v3 =	vmax.f32 v9, $0.0e+00;
	v9 =	vmax.f32 v10, $0.0e+00;
	v10 =	vmax.f32 v14, $0.0e+00  }
0x1d1: {  	v15 =	vunpack.i.l.bf16.f32 v16;
	v14 =	vld [tilespmem:s14+$0xFFFFFFC0];
	v19 =	vunpack.i.l.bf16.f32 v17;
	[tilespmem:s4+$0xFFFFFF80] =	vst v5;
	v5 =	vmax.f32 v12, $0.0e+00  }
0x1d2: {  	v16 =	vunpack.i.u.bf16.f32 v16;
	v17 =	vunpack.i.u.bf16.f32 v17;
	v12 =	vld [tilespmem:s12+$0xFFFFFFE0];
	v15 =	vadd.f32 v19, v15;
	[tilespmem:s4+$0xFFFFFF90] =	vst v4  }
0x1d3: {  	v4 =	vunpack.i.u.bf16.f32 v18;
	v18 =	vunpack.i.l.bf16.f32 v18;
	v16 =	vadd.f32 v17, v16;
	v19 =	vld [tilespmem:s14+$0xFFFFFFE0];
	[tilespmem:s4+$0xFFFFFFD0] =	vst v6  }
0x1d4: {  	v6 =	vunpack.i.u.bf16.f32 v11;
	v11 =	vunpack.i.l.bf16.f32 v11;
	s4 =	sadd.s32 $0x280, s4;
	v17 =	vld [tilespmem:s12+$0x0];
	v15 =	vmax.f32 v15, $0.0e+00;
	[tilespmem:s6+$0xFFFFFFE0] =	vst v7  }
0x1d5: {  	v7 =	vunpack.i.u.bf16.f32 v13;
	v13 =	vunpack.i.l.bf16.f32 v13;
	v20 =	vld [tilespmem:s14+$0x0];
	[tilespmem:s4+$0xF0] =	vst v15;
	v15 =	vmax.f32 v16, $0.0e+00  }
0x1d6: {  	v16 =	vunpack.i.u.bf16.f32 v8;
	v8 =	vunpack.i.l.bf16.f32 v8;
	v21 =	vunpack.i.u.bf16.f32 v14;
	v22 =	vld [tilespmem:s12+$0x20];
	[tilespmem:s4+$0x100] =	vst v15  }
0x1d7: {  	v14 =	vunpack.i.l.bf16.f32 v14;
	v15 =	vunpack.i.u.bf16.f32 v12;
	v12 =	vunpack.i.l.bf16.f32 v12;
	v23 =	vld [tilespmem:s12+$0x70];
	[tilespmem:s6+$0x20] =	vst v3  }
0x1d8: {  	v3 =	vadd.f32 v13, v11;
	v11 =	vunpack.i.u.bf16.f32 v19;
	v13 =	vunpack.i.l.bf16.f32 v19;
	v19 =	vld [tilespmem:s14+$0x70];
	[tilespmem:s6+$0x30] =	vst v9  }
0x1d9: {  	v6 =	vadd.f32 v7, v6;
	v7 =	vunpack.i.u.bf16.f32 v17;
	v9 =	vunpack.i.l.bf16.f32 v17;
	v17 =	vld [tilespmem:s14+$0x20];
	[tilespmem:s6+$0x70] =	vst v10  }
0x1da: {  	v8 =	vadd.f32 v14, v8;
	v10 =	vunpack.i.u.bf16.f32 v20;
	v14 =	vunpack.i.l.bf16.f32 v20;
	v20 =	vld [tilespmem:s12+$0x40];
	[tilespmem:s6+$0x80] =	vst v5  }
0x1db: {  	v5 =	vadd.f32 v21, v16;
	v16 =	vunpack.i.u.bf16.f32 v22;
	v21 =	vunpack.i.l.bf16.f32 v22;
	v22 =	vld [tilespmem:s14+$0x40]  }
0x1dc: {  	v3 =	vmax.f32 v3, $0.0e+00;
	v12 =	vadd.f32 v13, v12;
	v11 =	vadd.f32 v11, v15;
	v24 =	vld [tilespmem:s12+$0xFFFFFF80]  }
0x1dd: {  	[tilespmem:s4+$0xFFFFFF10] =	vst v3;
	v3 =	vadd.f32 v14, v9;
	v9 =	vunpack.i.u.bf16.f32 v23;
	v13 =	vunpack.i.u.bf16.f32 v19  }
0x1de: {  	v14 =	vunpack.i.u.bf16.f32 v17;
	v15 =	vunpack.i.l.bf16.f32 v17;
	v9 =	vadd.f32 v13, v9  }
0x1df: {  	v7 =	vadd.f32 v10, v7;
	v10 =	vunpack.i.u.bf16.f32 v20;
	v13 =	vunpack.i.l.bf16.f32 v20  }
0x1e0: {  	v17 =	vunpack.i.u.bf16.f32 v22;
	v20 =	vunpack.i.l.bf16.f32 v22;
	v9 =	vmax.f32 v9, $0.0e+00  }
0x1e1: {  	v15 =	vadd.f32 v15, v21;
	v22 =	vunpack.i.u.bf16.f32 v24;
	v24 =	vunpack.i.l.bf16.f32 v24;
	[tilespmem:s4+$0x120] =	vst v9  }
0x1e2: {  	v6 =	vmax.f32 v6, $0.0e+00;
	v9 =	vadd.f32 v18, v24;
	v4 =	vadd.f32 v4, v22  }
0x1e3: {  	v13 =	vadd.f32 v20, v13;
	[tilespmem:s4+$0xFFFFFF20] =	vst v6;
	v6 =	vmax.f32 v8, $0.0e+00;
	v8 =	vadd.f32 v14, v16  }
0x1e4: {  	v9 =	vmax.f32 v9, $0.0e+00;
	v4 =	vmax.f32 v4, $0.0e+00;
	v14 =	vld [tilespmem:s12+$0xFFFFFFB0];
	[tilespmem:s4+$0xFFFFFF60] =	vst v6;
	v6 =	vadd.f32 v17, v10  }
0x1e5: {  	v11 =	vmax.f32 v11, $0.0e+00;
	v5 =	vmax.f32 v5, $0.0e+00;
	v10 =	vmax.f32 v12, $0.0e+00;
	[tilespmem:s4+$0xFFFFFEC0] =	vst v9;
	v9 =	vld [tilespmem:s14+$0xFFFFFFB0]  }
0x1e6: {  	v3 =	vmax.f32 v3, $0.0e+00;
	[tilespmem:s4+$0xFFFFFED0] =	vst v4;
	v4 =	vmax.f32 v7, $0.0e+00;
	v7 =	vmax.f32 v15, $0.0e+00  }
0x1e7: {  	v6 =	vmax.f32 v6, $0.0e+00;
	v12 =	vld [tilespmem:s12+$0xFFFFFF90];
	[tilespmem:s4+$0xFFFFFF70] =	vst v5;
	v5 =	vmax.f32 v8, $0.0e+00;
	v8 =	vmax.f32 v13, $0.0e+00  }
0x1e8: {  	v2 =	vmax.f32 v2, $0.0e+00;
	v15 =	vunpack.i.l.bf16.f32 v19;
	v13 =	vld [tilespmem:s14+$0xFFFFFF90];
	[tilespmem:s4+$0xFFFFFFB0] =	vst v10;
	v10 =	vunpack.i.l.bf16.f32 v23  }
0x1e9: {  	v16 =	vunpack.i.u.bf16.f32 v14;
	v14 =	vunpack.i.l.bf16.f32 v14;
	v17 =	vld [tilespmem:s12+$0xFFFFFFD0];
	[tilespmem:s4+$0xFFFFFFC0] =	vst v11;
	v10 =	vadd.f32 v15, v10  }
0x1ea: {  	v18 =	vmax.f32 v1, $0.0e+00;
	v11 =	vunpack.i.u.bf16.f32 v9;
	v9 =	vunpack.i.l.bf16.f32 v9;
	v15 =	vld [tilespmem:s14+$0xFFFFFFD0];
	[tilespmem:s4+$0x0] =	vst v3  }
0x1eb: {  	v1 =	vadd.f32 v9, v14;
	v3 =	vadd.f32 v11, v16;
	v9 =	vld [tilespmem:s12+$0xFFFFFFF0];
	[tilespmem:s4+$0x10] =	vst v4;
	v10 =	vmax.f32 v10, $0.0e+00  }
0x1ec: {  	v4 =	vunpack.i.u.bf16.f32 v12;
	v11 =	vunpack.i.l.bf16.f32 v12;
	v12 =	vld [tilespmem:s14+$0xFFFFFFF0];
	[tilespmem:s4+$0x50] =	vst v7  }
0x1ed: {  	v7 =	vunpack.i.u.bf16.f32 v13;
	v13 =	vunpack.i.l.bf16.f32 v13;
	v14 =	vmax.f32 v1, $0.0e+00;
	v16 =	vld [tilespmem:s12+$0x10];
	[tilespmem:s4+$0x60] =	vst v5  }
0x1ee: {  	v1 =	vadd.f32 v13, v11;
	v11 =	vunpack.i.u.bf16.f32 v17;
	v5 =	vunpack.i.l.bf16.f32 v17;
	v13 =	vld [tilespmem:s14+$0x10];
	[tilespmem:s4+$0xA0] =	vst v8  }
0x1ef: {  	v4 =	vadd.f32 v7, v4;
	v7 =	vunpack.i.u.bf16.f32 v15;
	v8 =	vunpack.i.l.bf16.f32 v15;
	v15 =	vld [tilespmem:s12+$0x30];
	[tilespmem:s4+$0xB0] =	vst v6  }
0x1f0: {  	[tilespmem:s4+$0xFFFFFF30] =	vst v14;
	v5 =	vadd.f32 v8, v5;
	v8 =	vunpack.i.u.bf16.f32 v9;
	v9 =	vunpack.i.l.bf16.f32 v9;
	v17 =	vld [tilespmem:s14+$0x30]  }
.Ltmp4:
0x1f1: {  	v6 =	vadd.f32 v7, v11;
	v14 =	vunpack.i.u.bf16.f32 v12;
	v7 =	vunpack.i.l.bf16.f32 v12;
	v11 =	vld [tilespmem:s12+$0x50];
	[tilespmem:s6+$0xC0] =	vst v2;
	(pc) =	sbr.rel @p0 .LBB2_11-.Ltmp4, $4  }
0x1f2: {  	v7 =	vadd.f32 v7, v9;
	v19 =	vunpack.i.u.bf16.f32 v16;
	v9 =	vunpack.i.l.bf16.f32 v16;
	v2 =	vld [tilespmem:s14+$0x50];
	[tilespmem:s6+$0xD0] =	vst v18;
	s6 =	smov.u32 s4  }
0x1f3: {  	v8 =	vadd.f32 v14, v8;
	v16 =	vunpack.i.u.bf16.f32 v13;
	v12 =	vunpack.i.l.bf16.f32 v13;
	[tilespmem:s4+$0x110] =	vst v10  }
0x1f4: {  	v9 =	vadd.f32 v12, v9;
	v12 =	vunpack.i.u.bf16.f32 v15;
	v14 =	vunpack.i.l.bf16.f32 v15  }
0x1f5: {  	s12 =	sadd.s32 $0x100, s12;
	v10 =	vadd.f32 v16, v19;
	v13 =	vunpack.i.u.bf16.f32 v17;
	v15 =	vunpack.i.l.bf16.f32 v17  }
0x1f6: {  	v1 =	vmax.f32 v1, $0.0e+00  }
0x1f7: {  	v3 =	vmax.f32 v3, $0.0e+00;
	[tilespmem:s4+$0xFFFFFEE0] =	vst v1  }
0x1f8: {  	v60 =	vmax.f32 v9, $0.0e+00;
	[tilespmem:s4+$0xFFFFFF40] =	vst v3  }
0x1f9: {  	v1 =	vmax.f32 v4, $0.0e+00;
	[tilespmem:s6+$0x20] =	vst v60  }
0x1fa: {  	v3 =	vmax.f32 v6, $0.0e+00;
	[tilespmem:s4+$0xFFFFFEF0] =	vst v1  }
0x1fb: {  	v63 =	vmax.f32 v10, $0.0e+00;
	[tilespmem:s4+$0xFFFFFF90] =	vst v3  }
0x1fc: {  	v58 =	vmax.f32 v8, $0.0e+00;
	v1 =	vmax.f32 v5, $0.0e+00;
	[tilespmem:s6+$0x30] =	vst v63  }
0x1fd: {  	v59 =	vunpack.i.l.bf16.f32 v11;
	v3 =	vadd.f32 v15, v14;
	[tilespmem:s4+$0xFFFFFF80] =	vst v1;
	v1 =	vmax.f32 v7, $0.0e+00  }
0x1fe: {  	v61 =	vadd.f32 v13, v12;
	v62 =	vunpack.i.l.bf16.f32 v2;
	v2 =	vunpack.i.u.bf16.f32 v2;
	[tilespmem:s4+$0xFFFFFFD0] =	vst v1  }
0x1ff: {  	v5 =	vadd.f32 v62, v59;
	v1 =	vunpack.i.u.bf16.f32 v11;
	v3 =	vmax.f32 v3, $0.0e+00;
	[tilespmem:s6+$0xFFFFFFE0] =	vst v58  }
.Ltmp5:
0x200: {  	v1 =	vadd.f32 v2, v1;
	v2 =	vmax.f32 v61, $0.0e+00;
	[tilespmem:s6+$0x70] =	vst v3;
	(pc) =	sbr.rel @p1 .LBB2_14-.Ltmp5, $4  }
0x201: {  	[tilespmem:s6+$0x80] =	vst v2;
	v2 =	vmax.f32 v5, $0.0e+00  }
0x202: {  	v1 =	vmax.f32 v1, $0.0e+00;
	[tilespmem:s6+$0xC0] =	vst v2  }
0x203: {  	s14 =	sadd.s32 $0x2800, s11;
	[tilespmem:s6+$0xD0] =	vst v1  }
0x204: {  	[spmem:s3] =	stream.indirect.scatter.add.f32 [tilespmem:s25], [sflag:$0xC], $0x50, s14, s15, $0xb8;
	[tilespmem:$0x1CA20] =	vst v63  }
.Ltmp6:
0x205: {  	(pc) =	sbr.rel .LBB2_4-.Ltmp6, $4  }
0x206: {  	s4 =	sadd.s32 $0x230, s10  }
0x207: {  	[tilespmem:s26], [sflag:$0x4] =	stream.indirect.gather [hbm4b:s0+s15], $0x20, s4, s15, $0xb8;
	[tilespmem:$0x1CA20] =	vst v63  }
0x208: {  	s14 =	sadd.s32 $0x2940, s10;
	s9 =	sadd.s32 $0x1, s9  }
0x209: {  	[tilespmem:s29], [sflag:$0x8] =	stream.indirect.gather [hbm4b:s5+s15], $0x20, s14, s15, $0xb8;
	[tilespmem:$0x1CA20] =	vst v63  }
.LBB2_14:
0x20a: {  	_ =	swait.ge [sflag:s30], $0xA00  }
0x20b: {  	[sflag:s30] =	ssyncset.done $0x0  }
0x20c: {  	[sflag:s30] =	ssyncadd.s32 $0xFFFFF600  }
0x20d: {  	_ =	swait.ge [sflag:s31], $0xA00  }
0x20e: {  	[sflag:s31] =	ssyncset.done $0x0  }
0x20f: {  	[sflag:s31] =	ssyncadd.s32 $0xFFFFF600  }
0x210: {  	_ =	swait.ge [sflag:s28], $0x1900  }
0x211: {  	[sflag:s28] =	ssyncset.done $0x0  }
0x212: {  	s6 =	simm.s32 $0x4EA0;
	[sflag:s28] =	ssyncadd.s32 $0xFFFFE700  }
0x213: {  	s9 =	simm.s32 $0x76A0;
	v1 =	vld [tilespmem:s6+$0x60]  }
0x214: {  	v2 =	vld [tilespmem:s9+$0x60]  }
0x215: {  	v4 =	vld [tilespmem:s6+$0xFFFFFFA0]  }
0x216: {  	v7 =	vld [tilespmem:s9+$0xFFFFFFC0]  }
0x217: {  	v10 =	vld [tilespmem:s6+$0xFFFFFFE0]  }
0x218: {  	v21 =	vld [tilespmem:s9+$0x40]  }
0x219: {  	v22 =	vld [tilespmem:s6+$0xFFFFFF80]  }
0x21a: {  	v3 =	vld [tilespmem:s9+$0xFFFFFF80];
	v8 =	vunpack.i.l.bf16.f32 v1  }
0x21b: {  	v9 =	vunpack.i.l.bf16.f32 v2;
	v1 =	vunpack.i.u.bf16.f32 v1;
	v2 =	vunpack.i.u.bf16.f32 v2  }
0x21c: {  	v5 =	vld [tilespmem:s9+$0xFFFFFFA0];
	v12 =	vunpack.i.u.bf16.f32 v4;
	v4 =	vunpack.i.l.bf16.f32 v4;
	v15 =	vunpack.i.u.bf16.f32 v7  }
0x21d: {  	v6 =	vld [tilespmem:s6+$0xFFFFFFC0];
	v7 =	vunpack.i.l.bf16.f32 v7;
	v17 =	vunpack.i.u.bf16.f32 v10;
	v10 =	vunpack.i.l.bf16.f32 v10  }
0x21e: {  	v11 =	vld [tilespmem:s6+$0x0];
	v62 =	vunpack.i.u.bf16.f32 v21;
	v23 =	vunpack.i.l.bf16.f32 v22;
	v8 =	vadd.f32 v9, v8  }
0x21f: {  	v13 =	vld [tilespmem:s9+$0x0];
	v1 =	vadd.f32 v2, v1;
	v2 =	vunpack.i.u.bf16.f32 v3;
	v3 =	vunpack.i.l.bf16.f32 v3  }
0x220: {  	s4 =	simm.s32 $0x9F60;
	v14 =	vld [tilespmem:s6+$0x20];
	v21 =	vunpack.i.l.bf16.f32 v21;
	v3 =	vadd.f32 v3, v23;
	v8 =	vmax.f32 v8, $0.0e+00  }
0x221: {  	v9 =	vld [tilespmem:s9+$0xFFFFFFE0];
	v1 =	vmax.f32 v1, $0.0e+00;
	[tilespmem:s4+$0xF0] =	vst v8;
	v8 =	vunpack.i.u.bf16.f32 v5;
	v5 =	vunpack.i.l.bf16.f32 v5  }
0x222: {  	v20 =	vld [tilespmem:s6+$0x40];
	[tilespmem:s4+$0x100] =	vst v1;
	v1 =	vunpack.i.u.bf16.f32 v6;
	v6 =	vunpack.i.l.bf16.f32 v6;
	v3 =	vmax.f32 v3, $0.0e+00  }
0x223: {  	v4 =	vadd.f32 v5, v4;
	v8 =	vadd.f32 v8, v12;
	v12 =	vunpack.i.u.bf16.f32 v11  }
0x224: {  	v19 =	vld [tilespmem:s9+$0x20];
	v11 =	vunpack.i.l.bf16.f32 v11;
	v6 =	vadd.f32 v7, v6;
	v7 =	vunpack.i.u.bf16.f32 v13  }
0x225: {  	v13 =	vunpack.i.l.bf16.f32 v13;
	v1 =	vadd.f32 v15, v1;
	v15 =	vunpack.i.u.bf16.f32 v14  }
0x226: {  	v14 =	vunpack.i.l.bf16.f32 v14;
	v5 =	vunpack.i.u.bf16.f32 v9;
	v9 =	vunpack.i.l.bf16.f32 v9  }
0x227: {  	v7 =	vadd.f32 v7, v12;
	v12 =	vunpack.i.u.bf16.f32 v20;
	v9 =	vadd.f32 v9, v10  }
0x228: {  	v16 =	vld [tilespmem:s6+$0x70];
	[tilespmem:s4+$0xFFFFFEC0] =	vst v3;
	v4 =	vmax.f32 v4, $0.0e+00;
	v5 =	vadd.f32 v5, v17;
	v10 =	vadd.f32 v13, v11  }
0x229: {  	v17 =	vunpack.i.u.bf16.f32 v19;
	v19 =	vunpack.i.l.bf16.f32 v19;
	v8 =	vmax.f32 v8, $0.0e+00;
	[tilespmem:s4+$0xFFFFFF10] =	vst v4  }
0x22a: {  	v18 =	vld [tilespmem:s9+$0x70];
	v12 =	vadd.f32 v62, v12;
	v1 =	vmax.f32 v1, $0.0e+00;
	v4 =	vunpack.i.u.bf16.f32 v22;
	[tilespmem:s4+$0xFFFFFF20] =	vst v8  }
0x22b: {  	v14 =	vadd.f32 v19, v14;
	[tilespmem:s4+$0xFFFFFF70] =	vst v1;
	v2 =	vadd.f32 v2, v4;
	v4 =	vmax.f32 v6, $0.0e+00  }
0x22c: {  	v6 =	vadd.f32 v17, v15;
	v8 =	vld [tilespmem:s6+$0xFFFFFFB0];
	v9 =	vmax.f32 v9, $0.0e+00;
	v5 =	vmax.f32 v5, $0.0e+00;
	[tilespmem:s4+$0xFFFFFF60] =	vst v4  }
0x22d: {  	v3 =	vld [tilespmem:s9+$0xFFFFFFB0];
	v12 =	vmax.f32 v12, $0.0e+00;
	v11 =	vunpack.i.u.bf16.f32 v16;
	[tilespmem:s4+$0xFFFFFFB0] =	vst v9;
	v2 =	vmax.f32 v2, $0.0e+00  }
0x22e: {  	v4 =	vmax.f32 v7, $0.0e+00;
	v7 =	vmax.f32 v14, $0.0e+00;
	v14 =	vunpack.i.l.bf16.f32 v16;
	v16 =	vld [tilespmem:s6+$0xFFFFFFD0];
	[tilespmem:s4+$0xFFFFFED0] =	vst v2  }
0x22f: {  	v13 =	vunpack.i.u.bf16.f32 v18;
	v9 =	vunpack.i.l.bf16.f32 v18;
	[tilespmem:s4+$0xFFFFFFC0] =	vst v5;
	v2 =	vmax.f32 v10, $0.0e+00;
	v10 =	vld [tilespmem:s6+$0xFFFFFF90]  }
0x230: {  	v11 =	vadd.f32 v13, v11;
	v13 =	vunpack.i.l.bf16.f32 v20;
	v1 =	vmax.f32 v6, $0.0e+00;
	[tilespmem:s4+$0x50] =	vst v7;
	v6 =	vld [tilespmem:s9+$0xFFFFFF90]  }
0x231: {  	v5 =	vadd.f32 v9, v14;
	v14 =	vld [tilespmem:s9+$0xFFFFFFD0];
	v13 =	vadd.f32 v21, v13;
	[tilespmem:s4+$0x60] =	vst v1;
	v15 =	vunpack.i.u.bf16.f32 v8  }
0x232: {  	v17 =	vld [tilespmem:s6+$0x30];
	v8 =	vunpack.i.l.bf16.f32 v8;
	v9 =	vunpack.i.u.bf16.f32 v3;
	v3 =	vunpack.i.l.bf16.f32 v3  }
0x233: {  	v11 =	vmax.f32 v11, $0.0e+00;
	[tilespmem:s4+$0x0] =	vst v2;
	v13 =	vmax.f32 v13, $0.0e+00;
	v2 =	vadd.f32 v3, v8;
	v8 =	vld [tilespmem:s6+$0xFFFFFFF0]  }
0x234: {  	[tilespmem:s4+$0x10] =	vst v4;
	v3 =	vadd.f32 v9, v15;
	v15 =	vmax.f32 v5, $0.0e+00;
	v9 =	vld [tilespmem:s9+$0xFFFFFFF0];
	v4 =	vunpack.i.u.bf16.f32 v10  }
0x235: {  	v63 =	vld [tilespmem:s9+$0x30];
	v5 =	vunpack.i.l.bf16.f32 v10;
	v7 =	vunpack.i.u.bf16.f32 v6;
	v6 =	vunpack.i.l.bf16.f32 v6  }
0x236: {  	v10 =	vld [tilespmem:s6+$0x10];
	v1 =	vadd.f32 v6, v5;
	v6 =	vunpack.i.u.bf16.f32 v16;
	v5 =	vunpack.i.l.bf16.f32 v16  }
0x237: {  	[tilespmem:s4+$0xB0] =	vst v12;
	v16 =	vld [tilespmem:s9+$0x10];
	v4 =	vadd.f32 v7, v4;
	v7 =	vunpack.i.u.bf16.f32 v14;
	v14 =	vunpack.i.l.bf16.f32 v14  }
0x238: {  	[tilespmem:s4+$0x120] =	vst v11;
	v5 =	vadd.f32 v14, v5;
	v14 =	vunpack.i.u.bf16.f32 v8;
	v8 =	vunpack.i.l.bf16.f32 v8  }
0x239: {  	[tilespmem:s4+$0xA0] =	vst v13;
	v6 =	vadd.f32 v7, v6;
	v11 =	vunpack.i.u.bf16.f32 v9;
	v7 =	vunpack.i.l.bf16.f32 v9  }
0x23a: {  	[tilespmem:s4+$0x110] =	vst v15;
	v2 =	vmax.f32 v2, $0.0e+00;
	v7 =	vadd.f32 v7, v8;
	v8 =	vadd.f32 v11, v14;
	v11 =	vld [tilespmem:s6+$0x50]  }
0x23b: {  	[tilespmem:s4+$0xFFFFFF30] =	vst v2;
	v2 =	vld [tilespmem:s9+$0x50];
	v15 =	vunpack.i.l.bf16.f32 v63  }
0x23c: {  	v14 =	vunpack.i.l.bf16.f32 v17;
	v9 =	vunpack.i.l.bf16.f32 v10;
	v12 =	vunpack.i.l.bf16.f32 v16  }
0x23d: {  	v13 =	vunpack.i.u.bf16.f32 v10;
	v10 =	vunpack.i.u.bf16.f32 v16;
	v9 =	vadd.f32 v12, v9  }
0x23e: {  	s7 =	simm.s32 $0x0;
	s10 =	simm.s32 $0x4FA0;
	s6 =	simm.s32 $0x9F60;
	v12 =	vunpack.i.u.bf16.f32 v17;
	v10 =	vadd.f32 v10, v13;
	v13 =	vunpack.i.u.bf16.f32 v63  }
.LBB2_15:
0x23f: {  	v16 =	vld [tilespmem:s10+$0x60];
	v14 =	vadd.f32 v15, v14;
	v15 =	vunpack.i.u.bf16.f32 v11;
	v11 =	vunpack.i.l.bf16.f32 v11;
	s9 =	sadd.s32 $0x100, s9  }
0x240: {  	v12 =	vadd.f32 v13, v12;
	v17 =	vld [tilespmem:s9+$0x60];
	v13 =	vunpack.i.u.bf16.f32 v2;
	v2 =	vunpack.i.l.bf16.f32 v2  }
0x241: {  	v19 =	vmax.f32 v1, $0.0e+00;
	v18 =	vld [tilespmem:s9+$0xFFFFFF80];
	v2 =	vadd.f32 v2, v11;
	v1 =	vadd.f32 v13, v15  }
0x242: {  	s7 =	sadd.s32 $0x8, s7;
	v4 =	vmax.f32 v4, $0.0e+00;
	v3 =	vmax.f32 v3, $0.0e+00;
	v5 =	vmax.f32 v5, $0.0e+00;
	v11 =	vld [tilespmem:s10+$0xFFFFFFA0];
	[tilespmem:s4+$0xFFFFFEE0] =	vst v19  }
0x243: {  	p0 =	slt.u32 s7, $0x48;
	v13 =	vld [tilespmem:s9+$0xFFFFFFA0];
	[tilespmem:s4+$0xFFFFFEF0] =	vst v4;
	v4 =	vmax.f32 v6, $0.0e+00;
	v6 =	vmax.f32 v7, $0.0e+00;
	v7 =	vmax.f32 v8, $0.0e+00  }
0x244: {  	v8 =	vld [tilespmem:s10+$0xFFFFFFC0];
	[tilespmem:s4+$0xFFFFFF40] =	vst v3;
	v3 =	vmax.f32 v9, $0.0e+00;
	v9 =	vmax.f32 v10, $0.0e+00;
	v10 =	vmax.f32 v14, $0.0e+00  }
0x245: {  	v15 =	vunpack.i.l.bf16.f32 v16;
	v14 =	vld [tilespmem:s9+$0xFFFFFFC0];
	v19 =	vunpack.i.l.bf16.f32 v17;
	[tilespmem:s4+$0xFFFFFF80] =	vst v5;
	v5 =	vmax.f32 v12, $0.0e+00  }
0x246: {  	v16 =	vunpack.i.u.bf16.f32 v16;
	v17 =	vunpack.i.u.bf16.f32 v17;
	v12 =	vld [tilespmem:s10+$0xFFFFFFE0];
	v15 =	vadd.f32 v19, v15;
	[tilespmem:s4+$0xFFFFFF90] =	vst v4  }
0x247: {  	v4 =	vunpack.i.u.bf16.f32 v18;
	v18 =	vunpack.i.l.bf16.f32 v18;
	v16 =	vadd.f32 v17, v16;
	v19 =	vld [tilespmem:s9+$0xFFFFFFE0];
	[tilespmem:s4+$0xFFFFFFD0] =	vst v6  }
0x248: {  	v6 =	vunpack.i.u.bf16.f32 v11;
	v11 =	vunpack.i.l.bf16.f32 v11;
	s4 =	sadd.s32 $0x280, s4;
	v17 =	vld [tilespmem:s10+$0x0];
	v15 =	vmax.f32 v15, $0.0e+00;
	[tilespmem:s6+$0xFFFFFFE0] =	vst v7  }
0x249: {  	v7 =	vunpack.i.u.bf16.f32 v13;
	v13 =	vunpack.i.l.bf16.f32 v13;
	v20 =	vld [tilespmem:s9+$0x0];
	[tilespmem:s4+$0xF0] =	vst v15;
	v15 =	vmax.f32 v16, $0.0e+00  }
0x24a: {  	v16 =	vunpack.i.u.bf16.f32 v8;
	v8 =	vunpack.i.l.bf16.f32 v8;
	v21 =	vunpack.i.u.bf16.f32 v14;
	v22 =	vld [tilespmem:s10+$0x20];
	[tilespmem:s4+$0x100] =	vst v15  }
0x24b: {  	v14 =	vunpack.i.l.bf16.f32 v14;
	v15 =	vunpack.i.u.bf16.f32 v12;
	v12 =	vunpack.i.l.bf16.f32 v12;
	v23 =	vld [tilespmem:s10+$0x70];
	[tilespmem:s6+$0x20] =	vst v3  }
0x24c: {  	v3 =	vadd.f32 v13, v11;
	v11 =	vunpack.i.u.bf16.f32 v19;
	v13 =	vunpack.i.l.bf16.f32 v19;
	v19 =	vld [tilespmem:s9+$0x70];
	[tilespmem:s6+$0x30] =	vst v9  }
0x24d: {  	v6 =	vadd.f32 v7, v6;
	v7 =	vunpack.i.u.bf16.f32 v17;
	v9 =	vunpack.i.l.bf16.f32 v17;
	v17 =	vld [tilespmem:s9+$0x20];
	[tilespmem:s6+$0x70] =	vst v10  }
0x24e: {  	v8 =	vadd.f32 v14, v8;
	v10 =	vunpack.i.u.bf16.f32 v20;
	v14 =	vunpack.i.l.bf16.f32 v20;
	v20 =	vld [tilespmem:s10+$0x40];
	[tilespmem:s6+$0x80] =	vst v5  }
0x24f: {  	v5 =	vadd.f32 v21, v16;
	v16 =	vunpack.i.u.bf16.f32 v22;
	v21 =	vunpack.i.l.bf16.f32 v22;
	v22 =	vld [tilespmem:s9+$0x40]  }
0x250: {  	v3 =	vmax.f32 v3, $0.0e+00;
	v12 =	vadd.f32 v13, v12;
	v11 =	vadd.f32 v11, v15;
	v24 =	vld [tilespmem:s10+$0xFFFFFF80]  }
0x251: {  	[tilespmem:s4+$0xFFFFFF10] =	vst v3;
	v3 =	vadd.f32 v14, v9;
	v9 =	vunpack.i.u.bf16.f32 v23;
	v13 =	vunpack.i.u.bf16.f32 v19  }
0x252: {  	v14 =	vunpack.i.u.bf16.f32 v17;
	v15 =	vunpack.i.l.bf16.f32 v17;
	v9 =	vadd.f32 v13, v9  }
0x253: {  	v7 =	vadd.f32 v10, v7;
	v10 =	vunpack.i.u.bf16.f32 v20;
	v13 =	vunpack.i.l.bf16.f32 v20  }
0x254: {  	v17 =	vunpack.i.u.bf16.f32 v22;
	v20 =	vunpack.i.l.bf16.f32 v22;
	v9 =	vmax.f32 v9, $0.0e+00  }
0x255: {  	v15 =	vadd.f32 v15, v21;
	v22 =	vunpack.i.u.bf16.f32 v24;
	v24 =	vunpack.i.l.bf16.f32 v24;
	[tilespmem:s4+$0x120] =	vst v9  }
0x256: {  	v6 =	vmax.f32 v6, $0.0e+00;
	v9 =	vadd.f32 v18, v24;
	v4 =	vadd.f32 v4, v22  }
0x257: {  	v13 =	vadd.f32 v20, v13;
	[tilespmem:s4+$0xFFFFFF20] =	vst v6;
	v6 =	vmax.f32 v8, $0.0e+00;
	v8 =	vadd.f32 v14, v16  }
0x258: {  	v9 =	vmax.f32 v9, $0.0e+00;
	v4 =	vmax.f32 v4, $0.0e+00;
	v14 =	vld [tilespmem:s10+$0xFFFFFFB0];
	[tilespmem:s4+$0xFFFFFF60] =	vst v6;
	v6 =	vadd.f32 v17, v10  }
0x259: {  	v11 =	vmax.f32 v11, $0.0e+00;
	v5 =	vmax.f32 v5, $0.0e+00;
	v10 =	vmax.f32 v12, $0.0e+00;
	[tilespmem:s4+$0xFFFFFEC0] =	vst v9;
	v9 =	vld [tilespmem:s9+$0xFFFFFFB0]  }
0x25a: {  	v3 =	vmax.f32 v3, $0.0e+00;
	[tilespmem:s4+$0xFFFFFED0] =	vst v4;
	v4 =	vmax.f32 v7, $0.0e+00;
	v7 =	vmax.f32 v15, $0.0e+00  }
0x25b: {  	v6 =	vmax.f32 v6, $0.0e+00;
	v12 =	vld [tilespmem:s10+$0xFFFFFF90];
	[tilespmem:s4+$0xFFFFFF70] =	vst v5;
	v5 =	vmax.f32 v8, $0.0e+00;
	v8 =	vmax.f32 v13, $0.0e+00  }
0x25c: {  	v2 =	vmax.f32 v2, $0.0e+00;
	v15 =	vunpack.i.l.bf16.f32 v19;
	v13 =	vld [tilespmem:s9+$0xFFFFFF90];
	[tilespmem:s4+$0xFFFFFFB0] =	vst v10;
	v10 =	vunpack.i.l.bf16.f32 v23  }
0x25d: {  	v16 =	vunpack.i.u.bf16.f32 v14;
	v14 =	vunpack.i.l.bf16.f32 v14;
	v17 =	vld [tilespmem:s10+$0xFFFFFFD0];
	[tilespmem:s4+$0xFFFFFFC0] =	vst v11;
	v10 =	vadd.f32 v15, v10  }
0x25e: {  	v18 =	vmax.f32 v1, $0.0e+00;
	v11 =	vunpack.i.u.bf16.f32 v9;
	v9 =	vunpack.i.l.bf16.f32 v9;
	v15 =	vld [tilespmem:s9+$0xFFFFFFD0];
	[tilespmem:s4+$0x0] =	vst v3  }
0x25f: {  	v1 =	vadd.f32 v9, v14;
	v3 =	vadd.f32 v11, v16;
	v9 =	vld [tilespmem:s10+$0xFFFFFFF0];
	[tilespmem:s4+$0x10] =	vst v4;
	v10 =	vmax.f32 v10, $0.0e+00  }
0x260: {  	v4 =	vunpack.i.u.bf16.f32 v12;
	v11 =	vunpack.i.l.bf16.f32 v12;
	v12 =	vld [tilespmem:s9+$0xFFFFFFF0];
	[tilespmem:s4+$0x50] =	vst v7  }
0x261: {  	v7 =	vunpack.i.u.bf16.f32 v13;
	v13 =	vunpack.i.l.bf16.f32 v13;
	v14 =	vmax.f32 v1, $0.0e+00;
	v16 =	vld [tilespmem:s10+$0x10];
	[tilespmem:s4+$0x60] =	vst v5  }
0x262: {  	v1 =	vadd.f32 v13, v11;
	v11 =	vunpack.i.u.bf16.f32 v17;
	v5 =	vunpack.i.l.bf16.f32 v17;
	v13 =	vld [tilespmem:s9+$0x10];
	[tilespmem:s4+$0xA0] =	vst v8  }
0x263: {  	v4 =	vadd.f32 v7, v4;
	v7 =	vunpack.i.u.bf16.f32 v15;
	v8 =	vunpack.i.l.bf16.f32 v15;
	v15 =	vld [tilespmem:s10+$0x30];
	[tilespmem:s4+$0xB0] =	vst v6  }
0x264: {  	[tilespmem:s4+$0xFFFFFF30] =	vst v14;
	v5 =	vadd.f32 v8, v5;
	v8 =	vunpack.i.u.bf16.f32 v9;
	v9 =	vunpack.i.l.bf16.f32 v9;
	v17 =	vld [tilespmem:s9+$0x30]  }
.Ltmp7:
0x265: {  	v6 =	vadd.f32 v7, v11;
	v14 =	vunpack.i.u.bf16.f32 v12;
	v7 =	vunpack.i.l.bf16.f32 v12;
	v11 =	vld [tilespmem:s10+$0x50];
	[tilespmem:s6+$0xC0] =	vst v2;
	(pc) =	sbr.rel @p0 .LBB2_15-.Ltmp7, $4  }
0x266: {  	v7 =	vadd.f32 v7, v9;
	v19 =	vunpack.i.u.bf16.f32 v16;
	v9 =	vunpack.i.l.bf16.f32 v16;
	v2 =	vld [tilespmem:s9+$0x50];
	[tilespmem:s6+$0xD0] =	vst v18;
	s6 =	smov.u32 s4  }
0x267: {  	v8 =	vadd.f32 v14, v8;
	v16 =	vunpack.i.u.bf16.f32 v13;
	v12 =	vunpack.i.l.bf16.f32 v13;
	[tilespmem:s4+$0x110] =	vst v10  }
0x268: {  	v9 =	vadd.f32 v12, v9;
	v12 =	vunpack.i.u.bf16.f32 v15;
	v14 =	vunpack.i.l.bf16.f32 v15  }
0x269: {  	s10 =	sadd.s32 $0x100, s10;
	v10 =	vadd.f32 v16, v19;
	v13 =	vunpack.i.u.bf16.f32 v17;
	v15 =	vunpack.i.l.bf16.f32 v17  }
0x26a: {  	v1 =	vmax.f32 v1, $0.0e+00  }
0x26b: {  	v3 =	vmax.f32 v3, $0.0e+00;
	[tilespmem:s4+$0xFFFFFEE0] =	vst v1  }
0x26c: {  	v60 =	vmax.f32 v9, $0.0e+00;
	[tilespmem:s4+$0xFFFFFF40] =	vst v3  }
0x26d: {  	v1 =	vmax.f32 v4, $0.0e+00;
	[tilespmem:s6+$0x20] =	vst v60  }
0x26e: {  	v3 =	vmax.f32 v6, $0.0e+00;
	[tilespmem:s4+$0xFFFFFEF0] =	vst v1  }
0x26f: {  	v63 =	vmax.f32 v10, $0.0e+00;
	[tilespmem:s4+$0xFFFFFF90] =	vst v3  }
0x270: {  	v58 =	vmax.f32 v8, $0.0e+00;
	v1 =	vmax.f32 v5, $0.0e+00;
	[tilespmem:s6+$0x30] =	vst v63  }
0x271: {  	v59 =	vunpack.i.l.bf16.f32 v11;
	v3 =	vadd.f32 v15, v14;
	[tilespmem:s4+$0xFFFFFF80] =	vst v1;
	v1 =	vmax.f32 v7, $0.0e+00  }
0x272: {  	v61 =	vadd.f32 v13, v12;
	v62 =	vunpack.i.l.bf16.f32 v2;
	v2 =	vunpack.i.u.bf16.f32 v2;
	[tilespmem:s4+$0xFFFFFFD0] =	vst v1  }
0x273: {  	v5 =	vadd.f32 v62, v59;
	v1 =	vunpack.i.u.bf16.f32 v11;
	v3 =	vmax.f32 v3, $0.0e+00;
	[tilespmem:s6+$0xFFFFFFE0] =	vst v58  }
0x274: {  	v1 =	vadd.f32 v2, v1;
	v2 =	vmax.f32 v61, $0.0e+00;
	[tilespmem:s6+$0x70] =	vst v3  }
0x275: {  	[tilespmem:s6+$0x80] =	vst v2;
	v2 =	vmax.f32 v5, $0.0e+00  }
0x276: {  	v1 =	vmax.f32 v1, $0.0e+00;
	[tilespmem:s6+$0xC0] =	vst v2  }
0x277: {  	s7 =	simm.s32 $0x4DD0;
	[tilespmem:s6+$0xD0] =	vst v1  }
0x278: {  	[spmem:s3] =	stream.indirect.scatter.add.f32 [tilespmem:s1], [sflag:$0x9], $0x50, s7, s15, $0xb8;
	[tilespmem:$0x1CA20] =	vst v63  }
0x279: {  	_ =	swait.ge [sflag:s28], $0x1900  }
0x27a: {  	[sflag:s28] =	ssyncset.done $0x0  }
0x27b: {  	s9 =	simm.s32 $0xA;
	[sflag:s28] =	ssyncadd.s32 $0xFFFFE700  }
0x27c: {  	_ =	swait.ge [sflag:s9], $0x1900  }
0x27d: {  	[sflag:s9] =	ssyncset.done $0x0  }
0x27e: {  	s10 =	simm.s32 $0xB;
	[sflag:s9] =	ssyncadd.s32 $0xFFFFE700  }
0x27f: {  	_ =	swait.ge [sflag:s10], $0x1900  }
0x280: {  	[sflag:s10] =	ssyncset.done $0x0  }
0x281: {  	s11 =	simm.s32 $0xC;
	[sflag:s10] =	ssyncadd.s32 $0xFFFFE700  }
0x282: {  	_ =	swait.ge [sflag:s11], $0x1900  }
0x283: {  	[sflag:s11] =	ssyncset.done $0x0  }
0x284: {  	[sflag:s11] =	ssyncadd.s32 $0xFFFFE700  }
0x285: {  	[bflag:$0x0] =	sbarrier.arrive $0xFFFF  }
0x286: {  	s9 =	rddreg [dreg:$0x5]  }
0x287: {  	s12 =	rddreg [dreg:$0x9]  }
0x288: {  	s6 =	rddreg [dreg:$0xa]  }
0x289: {  	[hbm:s12], [sflag:s9] =	dma.local [spmem:s6], $0x1900  }
0x28a: {  	_ =	swait.ge [sflag:s13], $0x1900  }
0x28b: {  	s8 =	sadd.s32 $0x1, s8;
	s14 =	rddreg [dreg:$0x8]  }
0x28c: {  	p0 =	sne.s32 s8, s14  }
.Ltmp8:
0x28d: {  	_ = 	snop;
	(pc) =	sbr.rel @p0 .LBB2_1-.Ltmp8, $3  }
0x28e: {  	_ =	sdelay $0x1  }
0x28f: {  	[sflag:s13] =	ssyncset.done $0x0  }
0x290: {  	s10 =	simm.s32 $0x2710;
	[sflag:s13] =	ssyncadd.s32 $0xFFFFE700  }
0x291: {  	_ =	sfence.sel $0x180000  }
0x292: {  	[bflag:$0x0] =	sbarrier.arrive $0xFFFF  }
0x293: {  	_ =	strace $0x90000047  }
0x294: {  	s0 =	stileid.u32;
	[bflag:$0x2] =	sbarrier.arrive $0xFFFF  }
0x295: {  	p0 =	sne.s32 s0, $0x0;
	s0 =	rddreg [dreg:$0x3]  }
0x296: {  	s0 =	sadd.s32 @!p0 $0x100000, s0  }
0x297: {  	[sflag:s0] =	ssyncadd.tile.s32 @!p0 $0x1;
	_ =	shalt  }
.Lfunc_end2:
_tile_overlayer_lowered:
.L_overlay_start_2:
0x298: {  	(tag) =	ssettag $0x2  }
0x299: {  	s0 =	rddreg [dreg:$0x0];
	s2 =	stileid.u32  }
0x29a: {  	s1 =	rddreg [dreg:$0x1];
	p0 =	sne.s32 s2, $0x0  }
0x29b: {  	s3 =	rddreg [dreg:$0x2];
	[bflag:$0x3] =	sbarrier.arrive $0xFFFF;
	s2 =	simm.s32 @!p0 $0x1C0D  }
0x29c: {  	[timem:s3], [sflag:s2] =	dma.local @!p0 [hbm:s0], s1  }
0x29d: {  	s0 =	simm.s32 @!p0 $0xD  }
0x29e: {  	_ =	swait.ge @!p0 [sflag:s0], s1  }
0x29f: {  	s1 =	ssub.s32 @!p0 $0x0, s1;
	[sflag:s0] =	ssyncset.done @!p0 $0x0  }
0x2a0: {  	[sflag:s0] =	ssyncadd.s32 @!p0 s1  }
0x2a1: {  	[bflag:$0x3] =	sbarrier.arrive $0xFFFF  }
0x2a2: {  	_ =	shalt  }

</sc_bundles>
